<compile_context>
chip_gen: v7x
topology: tpu7x:2x2x1
jax: 0.10.2.dev20260603
libtpu: 0.0.44.dev20260713+nightly
codegen_flags: <defaults>
</compile_context>

<pallas_src>
import functools

import jax
import jax.numpy as jnp
from jax import lax
from jax.experimental import pallas as pl
from jax.experimental.pallas import tpu as pltpu, tpu_sc as plsc

N = 10000
D = 128
H = 4
NPT = 10240
NPA = 10112
NSLOT = 16
NTILES = 16
EB = 48
NPAD = NPA + 128
STRIPED = NPAD // NTILES



def _pre_body(h_ref, w_ref, b_ref, o_ref):
    o_ref[0] = (
        jnp.dot(h_ref[...], w_ref[0], preferred_element_type=jnp.float32)
        + b_ref[0]
    )


def _build_table(h_pad, W, B):
    bn = 1280
    return pl.pallas_call(
        _pre_body,
        grid=(NSLOT, NPT // bn),
        in_specs=[
            pl.BlockSpec((bn, D), lambda s, j: (j, 0)),
            pl.BlockSpec((1, D, D), lambda s, j: (s, 0, 0)),
            pl.BlockSpec((1, 1, D), lambda s, j: (s, 0, 0)),
        ],
        out_specs=pl.BlockSpec((1, bn, D), lambda s, j: (s, j, 0)),
        out_shape=jax.ShapeDtypeStruct((NSLOT, NPT, D), jnp.float32),
    )(h_pad, W, B)



def _sc_edge_kernel(ep_total, nbatch):
    mesh = plsc.VectorSubcoreMesh(core_axis_name="c", subcore_axis_name="s")
    tile_edges = ep_total // NTILES

    @functools.partial(
        pl.kernel,
        mesh=mesh,
        compiler_params=pltpu.CompilerParams(needs_layout_passes=False),
        out_type=jax.ShapeDtypeStruct((8 * NPAD, D), jnp.float32),
        scratch_types=[
            pltpu.VMEM((EB,), jnp.int32),
            pltpu.VMEM((EB,), jnp.int32),
            pltpu.VMEM((EB,), jnp.int32),
            pltpu.VMEM((EB,), jnp.int32),
            pltpu.VMEM((EB,), jnp.int32),
            pltpu.VMEM((2 * EB,), jnp.int32),
            pltpu.VMEM((2 * EB,), jnp.int32),
            pltpu.VMEM((2 * EB, D), jnp.float32),
            pltpu.VMEM((2 * EB, D), jnp.float32),
            pltpu.VMEM((EB, D), jnp.float32),
            pltpu.VMEM((D,), jnp.float32),
            pltpu.VMEM_SHARED((NPAD, D), jnp.float32),
            pltpu.SemaphoreType.DMA,
            pltpu.SemaphoreType.DMA,
        ],
    )
    def k(t_hbm, src_hbm, dst_hbm, att_hbm, zn_hbm,
          out_hbm,
          src_v, dst0_v, dst1_v, id20_v, id21_v, ix0_v, ix1_v,
          rows0, rows1, den_rows, att_v, sh_num, sem0, sem1):
        cid = lax.axis_index("c")
        sid = lax.axis_index("s")
        zeros16 = jnp.zeros((16,), jnp.float32)
        dstb = [dst0_v, dst1_v]
        id2b = [id20_v, id21_v]
        ixb = [ix0_v, ix1_v]
        rowsb = [rows0, rows1]
        semb = [sem0, sem1]

        def zdr_body(i, _):
            den_rows[i // 8, pl.ds((i % 8) * 16, 16)] = zeros16
            return 0

        lax.fori_loop(0, EB * 8, zdr_body, 0)

        def pass_body(p, _):
            q = cid * 4 + p
            r = q // 4
            ebase = r * ep_total + sid * tile_edges
            pltpu.sync_copy(zn_hbm, sh_num.at[pl.ds(sid * STRIPED, STRIPED)])
            pltpu.sync_copy(att_hbm.at[pl.ds(q * D, D)], att_v)
            plsc.subcore_barrier()
            att_regs = [att_v[pl.ds(c * 16, 16)] for c in range(8)]

            def prefetch(b, ph):
                eoff = ebase + b * EB
                pltpu.sync_copy(src_hbm.at[pl.ds(eoff, EB)], src_v)
                pltpu.sync_copy(dst_hbm.at[pl.ds(eoff, EB)], dstb[ph])

                def idx_body(c, _):
                    sl = pl.ds(c * 16, 16)
                    ixb[ph][sl] = src_v[sl] + q * NPT
                    sl2 = pl.ds(EB + c * 16, 16)
                    dv = dstb[ph][sl]
                    ixb[ph][sl2] = dv + (8 + q) * NPT
                    id2b[ph][sl] = NPA + lax.shift_right_logical(dv, 7)
                    return 0

                lax.fori_loop(0, EB // 16, idx_body, 0)
                pltpu.async_copy(t_hbm.at[ixb[ph]], rowsb[ph], semb[ph])

            for ph in range(2):
                prefetch(ph, ph)

            def pair_body(g, _):
                for ph in range(2):
                    b = g * 2 + ph
                    rows = rowsb[ph]
                    dst_v = dstb[ph]
                    pltpu.make_async_copy(t_hbm.at[ixb[ph]], rows,
                                          semb[ph]).wait()

                    @plsc.parallel_loop(0, EB, unroll=8)
                    def edge_body(e):
                        acc = jnp.zeros((16,), jnp.float32)
                        a_regs = []
                        for c in range(8):
                            sl = pl.ds(c * 16, 16)
                            a = rows[e, sl]
                            a_regs.append(a)
                            s2 = a + rows[EB + e, sl]
                            m = jnp.maximum(s2, s2 * 0.2)
                            acc = acc + m * att_regs[c]
                        alpha = jnp.sum(acc)
                        ea = jnp.exp(lax.broadcast_in_dim(alpha, (16,), ()))
                        for c in range(8):
                            rows[e, pl.ds(c * 16, 16)] = ea * a_regs[c]
                        ev = lax.broadcast_in_dim(e, (16,), ())
                        dmod = plsc.load_gather(dst_v, [ev]) & 127
                        plsc.store_scatter(den_rows, [ev, dmod], ea)
                    pltpu.sync_copy(rows.at[pl.ds(0, EB)],
                                    sh_num.at[dst_v], add=True)
                    pltpu.sync_copy(den_rows, sh_num.at[id2b[ph]], add=True)

                    @plsc.parallel_loop(0, EB, unroll=4)
                    def clean_body(e):
                        ev = lax.broadcast_in_dim(e, (16,), ())
                        dmod = plsc.load_gather(dst_v, [ev]) & 127
                        plsc.store_scatter(den_rows, [ev, dmod], zeros16)
                    bnn = lax.rem(b + 2, nbatch)
                    prefetch(bnn, ph)
                return 0

            lax.fori_loop(0, nbatch // 2, pair_body, 0)
            for ph in range(2):
                pltpu.make_async_copy(t_hbm.at[ixb[ph]], rowsb[ph],
                                      semb[ph]).wait()
            plsc.subcore_barrier()
            base = q * NPAD + sid * STRIPED
            pltpu.sync_copy(sh_num.at[pl.ds(sid * STRIPED, STRIPED)],
                            out_hbm.at[pl.ds(base, STRIPED)])
            plsc.subcore_barrier()
            return 0

        lax.fori_loop(0, 4, pass_body, 0)

    return k



def _post_body(num_ref, den_ref, h_ref, bias_ref, wg1_ref, bg1_ref, wg2_ref,
               gamma_ref, beta_ref, o_ref):
    num = num_ref[...]
    den = den_ref[...]
    o = [num[j] / den[:, j:j + 1] for j in range(8)]
    o0 = (o[0] + o[1] + o[2] + o[3]) * 0.25 + bias_ref[0][None, :]
    o1 = (o[4] + o[5] + o[6] + o[7]) * 0.25 + bias_ref[1][None, :]
    wg1 = wg1_ref[...]
    bg1 = bg1_ref[...][None, :]
    wg2 = wg2_ref[...][None, :]
    t0 = jnp.tanh(jnp.dot(o0, wg1, preferred_element_type=jnp.float32) + bg1)
    t1 = jnp.tanh(jnp.dot(o1, wg1, preferred_element_type=jnp.float32) + bg1)
    l0 = jnp.sum(t0 * wg2, axis=1, keepdims=True)
    l1 = jnp.sum(t1 * wg2, axis=1, keepdims=True)
    m = jnp.maximum(l0, l1)
    e0 = jnp.exp(l0 - m)
    e1 = jnp.exp(l1 - m)
    inv = 1.0 / (e0 + e1)
    agg = (e0 * inv) * o0 + (e1 * inv) * o1
    x = h_ref[...] + agg
    mu = jnp.mean(x, axis=-1, keepdims=True)
    xc = x - mu
    var = jnp.mean(xc * xc, axis=-1, keepdims=True)
    y = xc * lax.rsqrt(var + 1e-5) * gamma_ref[...][None, :] \
        + beta_ref[...][None, :]
    o_ref[...] = jnp.maximum(y, 0.0)


def _post(num, den, h_node, bias, Wg1, bg1, wg2v, gamma, beta):
    bn = 400
    return pl.pallas_call(
        _post_body,
        grid=(N // bn,),
        in_specs=[
            pl.BlockSpec((8, bn, D), lambda i: (0, i, 0)),
            pl.BlockSpec((bn, 8), lambda i: (i, 0)),
            pl.BlockSpec((bn, D), lambda i: (i, 0)),
            pl.BlockSpec((2, D), lambda i: (0, 0)),
            pl.BlockSpec((D, D), lambda i: (0, 0)),
            pl.BlockSpec((D,), lambda i: (0,)),
            pl.BlockSpec((D,), lambda i: (0,)),
            pl.BlockSpec((D,), lambda i: (0,)),
            pl.BlockSpec((D,), lambda i: (0,)),
        ],
        out_specs=pl.BlockSpec((bn, D), lambda i: (i, 0)),
        out_shape=jax.ShapeDtypeStruct((N, D), jnp.float32),
    )(num, den, h_node, bias, Wg1, bg1, wg2v, gamma, beta)



def _head_split(w):
    return w.reshape(D, H, D).transpose(1, 0, 2)


def kernel(h_node, edge_index_r0, edge_index_r1, Wl0, bl0, Wr0, br0, att0,
           bias0, Wl1, bl1, Wr1, br1, att1, bias1, Wg1, bg1, Wg2, gamma,
           beta):
    f32 = jnp.float32
    h_node = h_node.astype(f32)

    W = jnp.concatenate(
        [_head_split(Wl0), _head_split(Wl1), _head_split(Wr0),
         _head_split(Wr1)], axis=0)
    B = jnp.concatenate(
        [bl0.reshape(H, D), bl1.reshape(H, D), br0.reshape(H, D),
         br1.reshape(H, D)], axis=0).reshape(NSLOT, 1, D)
    h_pad = jnp.pad(h_node, ((0, NPT - N), (0, 0)))

    T = _build_table(h_pad, W.astype(f32), B.astype(f32))
    T = T.reshape(NSLOT * NPT, D)

    loop = jnp.arange(N, dtype=jnp.int32)
    e_full = edge_index_r0.shape[1] + N
    ep_total = -(-e_full // (2 * NTILES * EB)) * (2 * NTILES * EB)
    pad_n = ep_total - e_full

    def mk(ei, row, padval):
        v = jnp.concatenate([ei[row].astype(jnp.int32), loop])
        return jnp.pad(v, (0, pad_n), constant_values=padval)

    src = jnp.concatenate([mk(edge_index_r0, 0, 0), mk(edge_index_r1, 0, 0)])
    dst = jnp.concatenate(
        [mk(edge_index_r0, 1, N), mk(edge_index_r1, 1, N)])

    ATT = jnp.concatenate([att0, att1], axis=0).astype(f32).reshape(8 * D)
    zn = jnp.zeros((STRIPED, D), f32)

    full = _sc_edge_kernel(ep_total, ep_total // (NTILES * EB))(
        T, src, dst, ATT, zn)
    full = full.reshape(8, NPAD, D)
    num = full[:, :NPA]
    den = full[:, NPA:].reshape(8, 128 * D)[:, :N].T

    bias = jnp.stack([bias0, bias1]).astype(f32)
    out = _post(num, den, h_node, bias, Wg1.astype(f32), bg1.astype(f32),
                Wg2[:, 0].astype(f32), gamma.astype(f32), beta.astype(f32))
    return out

# --- scband reference (transcript-rebuilt; emitter-appended) ---
"""Pipeline reference for scband-relation-attention-gatv2-layer-32804960207346 (READ-ONLY COPY).

The authoritative reference and input builder live on the scoring server;
editing this copy changes nothing except your own understanding.
"""

import jax, jax.numpy as jnp
import numpy as np

N = 10000
D = 128
H = 4
C = 128  # out_channels per head (concat=False -> mean over heads)
E = 160000


def setup_inputs(seed: int = 0) -> dict:
    key = jax.random.key(seed)
    ks = jax.random.split(key, 24)
    s = 1.0 / np.sqrt(D)
    inp = {}
    inp["h_node"] = jax.random.normal(ks[0], (N, D), dtype=jnp.float32)
    inp["edge_index_r0"] = jax.random.randint(ks[1], (2, E), 0, N)
    inp["edge_index_r1"] = jax.random.randint(ks[2], (2, E), 0, N)
    # GATv2Conv params for relation r0
    inp["Wl0"] = jax.random.normal(ks[3], (D, H * C), dtype=jnp.float32) * s
    inp["bl0"] = jnp.zeros((H * C,), dtype=jnp.float32)
    inp["Wr0"] = jax.random.normal(ks[4], (D, H * C), dtype=jnp.float32) * s
    inp["br0"] = jnp.zeros((H * C,), dtype=jnp.float32)
    inp["att0"] = jax.random.normal(ks[5], (H, C), dtype=jnp.float32) * s
    inp["bias0"] = jnp.zeros((C,), dtype=jnp.float32)
    # GATv2Conv params for relation r1
    inp["Wl1"] = jax.random.normal(ks[6], (D, H * C), dtype=jnp.float32) * s
    inp["bl1"] = jnp.zeros((H * C,), dtype=jnp.float32)
    inp["Wr1"] = jax.random.normal(ks[7], (D, H * C), dtype=jnp.float32) * s
    inp["br1"] = jnp.zeros((H * C,), dtype=jnp.float32)
    inp["att1"] = jax.random.normal(ks[8], (H, C), dtype=jnp.float32) * s
    inp["bias1"] = jnp.zeros((C,), dtype=jnp.float32)
    # relation gate + layernorm for node type 'node'
    inp["Wg1"] = jax.random.normal(ks[9], (D, D), dtype=jnp.float32) * s
    inp["bg1"] = jnp.zeros((D,), dtype=jnp.float32)
    inp["Wg2"] = jax.random.normal(ks[10], (D, 1), dtype=jnp.float32) * s
    inp["gamma"] = jnp.ones((D,), dtype=jnp.float32)
    inp["beta"] = jnp.zeros((D,), dtype=jnp.float32)
    return inp


def _gatv2_conv(h, ei, Wl, bl, Wr, br, att, bias):
    src = ei[0]
    dst = ei[1]
    # add_self_loops=True since src type == dst type
    loop = jnp.arange(N, dtype=src.dtype)
    src = jnp.concatenate([src, loop])
    dst = jnp.concatenate([dst, loop])
    xl = (h @ Wl + bl).reshape(N, H, C)
    xr = (h @ Wr + br).reshape(N, H, C)
    m = jax.nn.leaky_relu(xl[src] + xr[dst], 0.2)  # [E', H, C]
    alpha = jnp.sum(m * att[None, :, :], axis=-1)  # [E', H]
    amax = jax.ops.segment_max(alpha, dst, num_segments=N)
    amax = jnp.where(jnp.isfinite(amax), amax, 0.0)
    ea = jnp.exp(alpha - amax[dst])
    denom = jax.ops.segment_sum(ea, dst, num_segments=N)
    w = ea / (denom[dst] + 1e-16)
    out = jax.ops.segment_sum(xl[src] * w[:, :, None], dst, num_segments=N)  # [N, H, C]
    return out.mean(axis=1) + bias  # concat=False -> mean over heads


def reference(h_node, edge_index_r0, edge_index_r1, Wl0, bl0, Wr0, br0, att0, bias0, Wl1, bl1, Wr1, br1, att1, bias1, Wg1, bg1, Wg2, gamma, beta):
    o0 = _gatv2_conv(h_node, edge_index_r0, Wl0, bl0, Wr0, br0, att0, bias0)
    o1 = _gatv2_conv(h_node, edge_index_r1, Wl1, bl1, Wr1, br1, att1, bias1)
    stacked = jnp.stack([o0, o1], axis=1)  # [N, R=2, D]
    logits = (jnp.tanh(stacked @ Wg1 + bg1) @ Wg2)[..., 0]  # [N, R]
    w = jax.nn.softmax(logits, axis=1)
    agg = jnp.sum(stacked * w[..., None], axis=1)  # [N, D]
    x = h_node + agg  # dropout p=0.0 -> identity
    mu = jnp.mean(x, axis=-1, keepdims=True)
    var = jnp.var(x, axis=-1, keepdims=True)
    x = (x - mu) / jnp.sqrt(var + 1e-5) * gamma + beta
    return jax.nn.relu(x)

if __name__ == "__main__":
    import jax
    _d = setup_inputs()
    print(jax.jit(kernel)(*tuple(_d.values())))

</pallas_src>

<mosaic_0001>
#map = affine_map<(d0, d1) -> (0, 0)>
#map1 = affine_map<(d0, d1) -> (0)>
module attributes {stable_mosaic.version = 14 : i64} {
  func.func @k(%arg0: i32, %arg1: i32, %arg2: memref<163840x128xf32, #tpu.memory_space<hbm>>, %arg3: memref<340992xi32, #tpu.memory_space<hbm>>, %arg4: memref<340992xi32, #tpu.memory_space<hbm>>, %arg5: memref<1024xf32, #tpu.memory_space<hbm>>, %arg6: memref<640x128xf32, #tpu.memory_space<hbm>>, %arg7: memref<81920x128xf32, #tpu.memory_space<hbm>>, %arg8: memref<48xi32, #tpu.memory_space<vmem>>, %arg9: memref<48xi32, #tpu.memory_space<vmem>>, %arg10: memref<48xi32, #tpu.memory_space<vmem>>, %arg11: memref<48xi32, #tpu.memory_space<vmem>>, %arg12: memref<48xi32, #tpu.memory_space<vmem>>, %arg13: memref<96xi32, #tpu.memory_space<vmem>>, %arg14: memref<96xi32, #tpu.memory_space<vmem>>, %arg15: memref<96x128xf32, #tpu.memory_space<vmem>>, %arg16: memref<96x128xf32, #tpu.memory_space<vmem>>, %arg17: memref<48x128xf32, #tpu.memory_space<vmem>>, %arg18: memref<128xf32, #tpu.memory_space<vmem>>, %arg19: memref<10240x128xf32, #tpu.memory_space<vmem_shared>>, %arg20: memref<!tpu.dma_semaphore, #tpu.memory_space<semaphore_mem>>, %arg21: memref<!tpu.dma_semaphore, #tpu.memory_space<semaphore_mem>>) attributes {dimension_semantics = [#tpu.dimension_semantics<core_parallel>, #tpu.dimension_semantics<subcore_parallel>], iteration_bounds = array<i64: 2, 16>, scalar_prefetch = 0 : i64, scratch_operands = 14 : i64, tpu.core_type = #tpu.core_type<sc_vector_subcore>, window_params = [{transform_indices = #map}, {transform_indices = #map1}, {transform_indices = #map1}, {transform_indices = #map1}, {transform_indices = #map}, {transform_indices = #map}]} {
    %broadcast_in_dim3A = arith.constant 0.000000e+00 : f32
    %broadcast_in_dim3A_0 = vector.broadcast %broadcast_in_dim3A : f32 to vector<16xf32>
    %scan3A = arith.constant 0 : i32
    %scan3A_1 = arith.constant 0 : i32
    %scan3A_2 = arith.constant 384 : i32
    %scan3A_3 = arith.addi %scan3A_1, %scan3A_2 : i32
    %scan3A_4 = arith.constant 1 : i32
    %scan3A_5 = scf.for %scan3A_14 = %scan3A_1 to %scan3A_3 step %scan3A_4 iter_args(%scan3A_15 = %scan3A) -> (i32)  : i32 {
      %jit3A = arith.constant 8 : i32
      %div3A = arith.divsi %scan3A_14, %jit3A : i32
      %sign3A = arith.constant 0 : i32
      %sign3A_16 = arith.cmpi sgt, %scan3A_14, %sign3A : i32
      %sign3A_17 = arith.extui %sign3A_16 : i1 to i32
      %sign3A_18 = arith.constant 0 : i32
      %sign3A_19 = arith.cmpi slt, %scan3A_14, %sign3A_18 : i32
      %sign3A_20 = arith.extui %sign3A_19 : i1 to i32
      %sign3A_21 = arith.subi %sign3A_17, %sign3A_20 : i32
      %sign3A_22 = arith.constant 0 : i32
      %sign3A_23 = arith.cmpi sgt, %jit3A, %sign3A_22 : i32
      %sign3A_24 = arith.extui %sign3A_23 : i1 to i32
      %sign3A_25 = arith.constant 0 : i32
      %sign3A_26 = arith.cmpi slt, %jit3A, %sign3A_25 : i32
      %sign3A_27 = arith.extui %sign3A_26 : i1 to i32
      %sign3A_28 = arith.subi %sign3A_24, %sign3A_27 : i32
      %ne3A = arith.cmpi ne, %sign3A_21, %sign3A_28 : i32
      %rem3A = arith.remsi %scan3A_14, %jit3A : i32
      %ne3A_29 = arith.constant 0 : i32
      %ne3A_30 = arith.cmpi ne, %rem3A, %ne3A_29 : i32
      %and3A = arith.andi %ne3A, %ne3A_30 : i1
      %sub3A = arith.constant 1 : i32
      %sub3A_31 = arith.subi %div3A, %sub3A : i32
      %select_n3A = arith.select %and3A, %sub3A_31, %div3A : i32
      %jit3A_32 = arith.constant 8 : i32
      %eq3A = arith.constant 0 : i32
      %eq3A_33 = arith.cmpi eq, %jit3A_32, %eq3A : i32
      %jit3A_34 = arith.constant 1 : i32
      %select_n3A_35 = arith.select %eq3A_33, %jit3A_34, %jit3A_32 : i32
      %rem3A_36 = arith.remsi %scan3A_14, %select_n3A_35 : i32
      %ne3A_37 = arith.constant 0 : i32
      %ne3A_38 = arith.cmpi ne, %rem3A_36, %ne3A_37 : i32
      %lt3A = arith.constant 0 : i32
      %lt3A_39 = arith.cmpi slt, %rem3A_36, %lt3A : i32
      %lt3A_40 = arith.constant 0 : i32
      %lt3A_41 = arith.cmpi slt, %select_n3A_35, %lt3A_40 : i32
      %ne3A_42 = arith.xori %lt3A_39, %lt3A_41 : i1
      %and3A_43 = arith.andi %ne3A_42, %ne3A_38 : i1
      %add3A = arith.addi %rem3A_36, %select_n3A_35 : i32
      %select_n3A_44 = arith.select %and3A_43, %add3A, %rem3A_36 : i32
      %mul3A = arith.constant 16 : i32
      %mul3A_45 = arith.muli %select_n3A_44, %mul3A : i32
      %swap3A = arith.index_cast %select_n3A : i32 to index
      %swap3A_46 = arith.index_cast %mul3A_45 : i32 to index
      %swap3A_47 = tpu.vector_load %arg17[%swap3A, %swap3A_46] {strides = array<i32>} : memref<48x128xf32, #tpu.memory_space<vmem>>, vector<16xf32>,
      tpu.vector_store %arg17[%swap3A, %swap3A_46], %broadcast_in_dim3A_0 {strides = array<i32>} : memref<48x128xf32, #tpu.memory_space<vmem>>, vector<16xf32>,
      %scan3A_48 = arith.constant 0 : i32
      scf.yield %scan3A_48 : i32
    }
    %scan3A_6 = arith.constant 384 : i32
    %scan3A_7 = arith.constant 0 : i32
    %scan3A_8 = arith.constant 0 : i32
    %scan3A_9 = arith.constant 4 : i32
    %scan3A_10 = arith.addi %scan3A_8, %scan3A_9 : i32
    %scan3A_11 = arith.constant 1 : i32
    %scan3A_12 = scf.for %scan3A_14 = %scan3A_8 to %scan3A_10 step %scan3A_11 iter_args(%scan3A_15 = %scan3A_7) -> (i32)  : i32 {
      %mul3A = arith.constant 4 : i32
      %mul3A_16 = arith.muli %arg0, %mul3A : i32
      %add3A = arith.addi %mul3A_16, %scan3A_14 : i32
      %jit3A = arith.constant 4 : i32
      %div3A = arith.divsi %add3A, %jit3A : i32
      %sign3A = arith.constant 0 : i32
      %sign3A_17 = arith.cmpi sgt, %add3A, %sign3A : i32
      %sign3A_18 = arith.extui %sign3A_17 : i1 to i32
      %sign3A_19 = arith.constant 0 : i32
      %sign3A_20 = arith.cmpi slt, %add3A, %sign3A_19 : i32
      %sign3A_21 = arith.extui %sign3A_20 : i1 to i32
      %sign3A_22 = arith.subi %sign3A_18, %sign3A_21 : i32
      %sign3A_23 = arith.constant 0 : i32
      %sign3A_24 = arith.cmpi sgt, %jit3A, %sign3A_23 : i32
      %sign3A_25 = arith.extui %sign3A_24 : i1 to i32
      %sign3A_26 = arith.constant 0 : i32
      %sign3A_27 = arith.cmpi slt, %jit3A, %sign3A_26 : i32
      %sign3A_28 = arith.extui %sign3A_27 : i1 to i32
      %sign3A_29 = arith.subi %sign3A_25, %sign3A_28 : i32
      %ne3A = arith.cmpi ne, %sign3A_22, %sign3A_29 : i32
      %rem3A = arith.remsi %add3A, %jit3A : i32
      %ne3A_30 = arith.constant 0 : i32
      %ne3A_31 = arith.cmpi ne, %rem3A, %ne3A_30 : i32
      %and3A = arith.andi %ne3A, %ne3A_31 : i1
      %sub3A = arith.constant 1 : i32
      %sub3A_32 = arith.subi %div3A, %sub3A : i32
      %select_n3A = arith.select %and3A, %sub3A_32, %div3A : i32
      %mul3A_33 = arith.constant 170496 : i32
      %mul3A_34 = arith.muli %select_n3A, %mul3A_33 : i32
      %mul3A_35 = arith.constant 10656 : i32
      %mul3A_36 = arith.muli %arg1, %mul3A_35 : i32
      %add3A_37 = arith.addi %mul3A_34, %mul3A_36 : i32
      %mul3A_38 = arith.constant 640 : i32
      %mul3A_39 = arith.muli %arg1, %mul3A_38 : i32
      "tpu.region"() ({
        %run_scoped3A = tpu.sem_alloc : memref<!tpu.dma_semaphore, #tpu.memory_space<semaphore_mem>>
        %dma_start3A_102 = arith.constant 0 : i32
        %dma_start3A_103 = tpu.memref_slice %arg19[%mul3A_39, %dma_start3A_102] : memref<10240x128xf32, #tpu.memory_space<vmem_shared>> -> memref<640x128xf32, #tpu.memory_space<vmem_shared>>
        tpu.enqueue_dma source(%arg6 : memref<640x128xf32, #tpu.memory_space<hbm>>) target(%dma_start3A_103 : memref<640x128xf32, #tpu.memory_space<vmem_shared>>) target_semaphore(%run_scoped3A : memref<!tpu.dma_semaphore, #tpu.memory_space<semaphore_mem>>)
        %dma_wait3A_104 = arith.constant 0 : i32
        %dma_wait3A_105 = tpu.memref_slice %arg19[%mul3A_39, %dma_wait3A_104] : memref<10240x128xf32, #tpu.memory_space<vmem_shared>> -> memref<640x128xf32, #tpu.memory_space<vmem_shared>>
        tpu.wait_dma2 semaphore(%run_scoped3A : memref<!tpu.dma_semaphore, #tpu.memory_space<semaphore_mem>>) src(%arg6 : memref<640x128xf32, #tpu.memory_space<hbm>>) dst(%dma_wait3A_105 : memref<640x128xf32, #tpu.memory_space<vmem_shared>>)
        tpu.yield
      }) : () -> ()
      %mul3A_40 = arith.constant 128 : i32
      %mul3A_41 = arith.muli %add3A, %mul3A_40 : i32
      "tpu.region"() ({
        %run_scoped3A = tpu.sem_alloc : memref<!tpu.dma_semaphore, #tpu.memory_space<semaphore_mem>>
        %dma_start3A_102 = tpu.memref_slice %arg5[%mul3A_41] : memref<1024xf32, #tpu.memory_space<hbm>> -> memref<128xf32, #tpu.memory_space<hbm>>
        %dma_start3A_103 = tpu.memref_slice %arg5[%mul3A_41] : memref<1024xf32, #tpu.memory_space<hbm>> -> memref<128xf32, #tpu.memory_space<hbm>>
        tpu.enqueue_dma source(%dma_start3A_103 : memref<128xf32, #tpu.memory_space<hbm>>) target(%arg18 : memref<128xf32, #tpu.memory_space<vmem>>) target_semaphore(%run_scoped3A : memref<!tpu.dma_semaphore, #tpu.memory_space<semaphore_mem>>)
        %dma_wait3A_104 = tpu.memref_slice %arg5[%mul3A_41] : memref<1024xf32, #tpu.memory_space<hbm>> -> memref<128xf32, #tpu.memory_space<hbm>>
        %dma_wait3A_105 = tpu.memref_slice %arg5[%mul3A_41] : memref<1024xf32, #tpu.memory_space<hbm>> -> memref<128xf32, #tpu.memory_space<hbm>>
        tpu.wait_dma2 semaphore(%run_scoped3A : memref<!tpu.dma_semaphore, #tpu.memory_space<semaphore_mem>>) src(%dma_wait3A_105 : memref<128xf32, #tpu.memory_space<hbm>>) dst(%arg18 : memref<128xf32, #tpu.memory_space<vmem>>)
        tpu.yield
      }) : () -> ()
      %barrier3A = arith.constant 0 : index
      tpu.barrier barrier_id(%barrier3A)
      %get3A = arith.constant 0 : index
      %get3A_42 = tpu.vector_load %arg18[%get3A] {strides = array<i32>} : memref<128xf32, #tpu.memory_space<vmem>>, vector<16xf32>,
      %get3A_43 = arith.constant 16 : index
      %get3A_44 = tpu.vector_load %arg18[%get3A_43] {strides = array<i32>} : memref<128xf32, #tpu.memory_space<vmem>>, vector<16xf32>,
      %get3A_45 = arith.constant 32 : index
      %get3A_46 = tpu.vector_load %arg18[%get3A_45] {strides = array<i32>} : memref<128xf32, #tpu.memory_space<vmem>>, vector<16xf32>,
      %get3A_47 = arith.constant 48 : index
      %get3A_48 = tpu.vector_load %arg18[%get3A_47] {strides = array<i32>} : memref<128xf32, #tpu.memory_space<vmem>>, vector<16xf32>,
      %get3A_49 = arith.constant 64 : index
      %get3A_50 = tpu.vector_load %arg18[%get3A_49] {strides = array<i32>} : memref<128xf32, #tpu.memory_space<vmem>>, vector<16xf32>,
      %get3A_51 = arith.constant 80 : index
      %get3A_52 = tpu.vector_load %arg18[%get3A_51] {strides = array<i32>} : memref<128xf32, #tpu.memory_space<vmem>>, vector<16xf32>,
      %get3A_53 = arith.constant 96 : index
      %get3A_54 = tpu.vector_load %arg18[%get3A_53] {strides = array<i32>} : memref<128xf32, #tpu.memory_space<vmem>>, vector<16xf32>,
      %get3A_55 = arith.constant 112 : index
      %get3A_56 = tpu.vector_load %arg18[%get3A_55] {strides = array<i32>} : memref<128xf32, #tpu.memory_space<vmem>>, vector<16xf32>,
      %add3A_57 = arith.constant 0 : i32
      %add3A_58 = arith.addi %add3A_37, %add3A_57 : i32
      "tpu.region"() ({
        %run_scoped3A = tpu.sem_alloc : memref<!tpu.dma_semaphore, #tpu.memory_space<semaphore_mem>>
        %dma_start3A_102 = tpu.memref_slice %arg3[%add3A_58] : memref<340992xi32, #tpu.memory_space<hbm>> -> memref<48xi32, #tpu.memory_space<hbm>>
        %dma_start3A_103 = tpu.memref_slice %arg3[%add3A_58] : memref<340992xi32, #tpu.memory_space<hbm>> -> memref<48xi32, #tpu.memory_space<hbm>>
        tpu.enqueue_dma source(%dma_start3A_103 : memref<48xi32, #tpu.memory_space<hbm>>) target(%arg8 : memref<48xi32, #tpu.memory_space<vmem>>) target_semaphore(%run_scoped3A : memref<!tpu.dma_semaphore, #tpu.memory_space<semaphore_mem>>)
        %dma_wait3A_104 = tpu.memref_slice %arg3[%add3A_58] : memref<340992xi32, #tpu.memory_space<hbm>> -> memref<48xi32, #tpu.memory_space<hbm>>
        %dma_wait3A_105 = tpu.memref_slice %arg3[%add3A_58] : memref<340992xi32, #tpu.memory_space<hbm>> -> memref<48xi32, #tpu.memory_space<hbm>>
        tpu.wait_dma2 semaphore(%run_scoped3A : memref<!tpu.dma_semaphore, #tpu.memory_space<semaphore_mem>>) src(%dma_wait3A_105 : memref<48xi32, #tpu.memory_space<hbm>>) dst(%arg8 : memref<48xi32, #tpu.memory_space<vmem>>)
        tpu.yield
      }) : () -> ()
      "tpu.region"() ({
        %run_scoped3A = tpu.sem_alloc : memref<!tpu.dma_semaphore, #tpu.memory_space<semaphore_mem>>
        %dma_start3A_102 = tpu.memref_slice %arg4[%add3A_58] : memref<340992xi32, #tpu.memory_space<hbm>> -> memref<48xi32, #tpu.memory_space<hbm>>
        %dma_start3A_103 = tpu.memref_slice %arg4[%add3A_58] : memref<340992xi32, #tpu.memory_space<hbm>> -> memref<48xi32, #tpu.memory_space<hbm>>
        tpu.enqueue_dma source(%dma_start3A_103 : memref<48xi32, #tpu.memory_space<hbm>>) target(%arg9 : memref<48xi32, #tpu.memory_space<vmem>>) target_semaphore(%run_scoped3A : memref<!tpu.dma_semaphore, #tpu.memory_space<semaphore_mem>>)
        %dma_wait3A_104 = tpu.memref_slice %arg4[%add3A_58] : memref<340992xi32, #tpu.memory_space<hbm>> -> memref<48xi32, #tpu.memory_space<hbm>>
        %dma_wait3A_105 = tpu.memref_slice %arg4[%add3A_58] : memref<340992xi32, #tpu.memory_space<hbm>> -> memref<48xi32, #tpu.memory_space<hbm>>
        tpu.wait_dma2 semaphore(%run_scoped3A : memref<!tpu.dma_semaphore, #tpu.memory_space<semaphore_mem>>) src(%dma_wait3A_105 : memref<48xi32, #tpu.memory_space<hbm>>) dst(%arg9 : memref<48xi32, #tpu.memory_space<vmem>>)
        tpu.yield
      }) : () -> ()
      %scan3A_59 = arith.constant 0 : i32
      %scan3A_60 = arith.constant 0 : i32
      %scan3A_61 = arith.constant 3 : i32
      %scan3A_62 = arith.addi %scan3A_60, %scan3A_61 : i32
      %scan3A_63 = arith.constant 1 : i32
      %scan3A_64 = scf.for %scan3A_102 = %scan3A_60 to %scan3A_62 step %scan3A_63 iter_args(%scan3A_103 = %scan3A_59) -> (i32)  : i32 {
        %mul3A_104 = arith.constant 16 : i32
        %mul3A_105 = arith.muli %scan3A_102, %mul3A_104 : i32
        %get3A_106 = arith.index_cast %mul3A_105 : i32 to index
        %get3A_107 = tpu.vector_load %arg8[%get3A_106] {strides = array<i32>} : memref<48xi32, #tpu.memory_space<vmem>>, vector<16xi32>,
        %mul3A_108 = arith.constant 10240 : i32
        %mul3A_109 = arith.muli %add3A, %mul3A_108 : i32
        %add3A_110 = vector.broadcast %mul3A_109 : i32 to vector<16xi32>
        %add3A_111 = arith.addi %get3A_107, %add3A_110 : vector<16xi32>
        %swap3A = arith.index_cast %mul3A_105 : i32 to index
        %swap3A_112 = tpu.vector_load %arg13[%swap3A] {strides = array<i32>} : memref<96xi32, #tpu.memory_space<vmem>>, vector<16xi32>,
        tpu.vector_store %arg13[%swap3A], %add3A_111 {strides = array<i32>} : memref<96xi32, #tpu.memory_space<vmem>>, vector<16xi32>,
        %mul3A_113 = arith.constant 16 : i32
        %mul3A_114 = arith.muli %scan3A_102, %mul3A_113 : i32
        %add3A_115 = arith.constant 48 : i32
        %add3A_116 = arith.addi %add3A_115, %mul3A_114 : i32
        %get3A_117 = arith.index_cast %mul3A_105 : i32 to index
        %get3A_118 = tpu.vector_load %arg9[%get3A_117] {strides = array<i32>} : memref<48xi32, #tpu.memory_space<vmem>>, vector<16xi32>,
        %add3A_119 = arith.constant 8 : i32
        %add3A_120 = arith.addi %add3A_119, %add3A : i32
        %mul3A_121 = arith.constant 10240 : i32
        %mul3A_122 = arith.muli %add3A_120, %mul3A_121 : i32
        %add3A_123 = vector.broadcast %mul3A_122 : i32 to vector<16xi32>
        %add3A_124 = arith.addi %get3A_118, %add3A_123 : vector<16xi32>
        %swap3A_125 = arith.index_cast %add3A_116 : i32 to index
        %swap3A_126 = tpu.vector_load %arg13[%swap3A_125] {strides = array<i32>} : memref<96xi32, #tpu.memory_space<vmem>>, vector<16xi32>,
        tpu.vector_store %arg13[%swap3A_125], %add3A_124 {strides = array<i32>} : memref<96xi32, #tpu.memory_space<vmem>>, vector<16xi32>,
        %shift_right_logical3A = arith.constant 7 : i32
        %shift_right_logical3A_127 = vector.broadcast %shift_right_logical3A : i32 to vector<16xi32>
        %shift_right_logical3A_128 = arith.shrui %get3A_118, %shift_right_logical3A_127 : vector<16xi32>
        %add3A_129 = arith.constant 10112 : i32
        %add3A_130 = vector.broadcast %add3A_129 : i32 to vector<16xi32>
        %add3A_131 = arith.addi %add3A_130, %shift_right_logical3A_128 : vector<16xi32>
        %swap3A_132 = arith.index_cast %mul3A_105 : i32 to index
        %swap3A_133 = tpu.vector_load %arg11[%swap3A_132] {strides = array<i32>} : memref<48xi32, #tpu.memory_space<vmem>>, vector<16xi32>,
        tpu.vector_store %arg11[%swap3A_132], %add3A_131 {strides = array<i32>} : memref<48xi32, #tpu.memory_space<vmem>>, vector<16xi32>,
        %scan3A_134 = arith.constant 0 : i32
        scf.yield %scan3A_134 : i32
      }
      %scan3A_65 = arith.constant 3 : i32
      %dma_start3A = arith.constant 0 : i32
      %dma_start3A_66 = arith.constant 0 : i32
      %dma_start3A_67 = tpu.memref_slice %arg2[%dma_start3A, %dma_start3A_66] : memref<163840x128xf32, #tpu.memory_space<hbm>> -> memref<163840x128xf32, #tpu.memory_space<hbm>>
      tpu.enqueue_indirect_dma source(%dma_start3A_67 : memref<163840x128xf32, #tpu.memory_space<hbm>>) target(%arg15 : memref<96x128xf32, #tpu.memory_space<vmem>>) offsets(%arg13 : memref<96xi32, #tpu.memory_space<vmem>>) semaphore(%arg20 : memref<!tpu.dma_semaphore, #tpu.memory_space<semaphore_mem>>)
      %add3A_68 = arith.constant 48 : i32
      %add3A_69 = arith.addi %add3A_37, %add3A_68 : i32
      "tpu.region"() ({
        %run_scoped3A = tpu.sem_alloc : memref<!tpu.dma_semaphore, #tpu.memory_space<semaphore_mem>>
        %dma_start3A_102 = tpu.memref_slice %arg3[%add3A_69] : memref<340992xi32, #tpu.memory_space<hbm>> -> memref<48xi32, #tpu.memory_space<hbm>>
        %dma_start3A_103 = tpu.memref_slice %arg3[%add3A_69] : memref<340992xi32, #tpu.memory_space<hbm>> -> memref<48xi32, #tpu.memory_space<hbm>>
        tpu.enqueue_dma source(%dma_start3A_103 : memref<48xi32, #tpu.memory_space<hbm>>) target(%arg8 : memref<48xi32, #tpu.memory_space<vmem>>) target_semaphore(%run_scoped3A : memref<!tpu.dma_semaphore, #tpu.memory_space<semaphore_mem>>)
        %dma_wait3A_104 = tpu.memref_slice %arg3[%add3A_69] : memref<340992xi32, #tpu.memory_space<hbm>> -> memref<48xi32, #tpu.memory_space<hbm>>
        %dma_wait3A_105 = tpu.memref_slice %arg3[%add3A_69] : memref<340992xi32, #tpu.memory_space<hbm>> -> memref<48xi32, #tpu.memory_space<hbm>>
        tpu.wait_dma2 semaphore(%run_scoped3A : memref<!tpu.dma_semaphore, #tpu.memory_space<semaphore_mem>>) src(%dma_wait3A_105 : memref<48xi32, #tpu.memory_space<hbm>>) dst(%arg8 : memref<48xi32, #tpu.memory_space<vmem>>)
        tpu.yield
      }) : () -> ()
      "tpu.region"() ({
        %run_scoped3A = tpu.sem_alloc : memref<!tpu.dma_semaphore, #tpu.memory_space<semaphore_mem>>
        %dma_start3A_102 = tpu.memref_slice %arg4[%add3A_69] : memref<340992xi32, #tpu.memory_space<hbm>> -> memref<48xi32, #tpu.memory_space<hbm>>
        %dma_start3A_103 = tpu.memref_slice %arg4[%add3A_69] : memref<340992xi32, #tpu.memory_space<hbm>> -> memref<48xi32, #tpu.memory_space<hbm>>
        tpu.enqueue_dma source(%dma_start3A_103 : memref<48xi32, #tpu.memory_space<hbm>>) target(%arg10 : memref<48xi32, #tpu.memory_space<vmem>>) target_semaphore(%run_scoped3A : memref<!tpu.dma_semaphore, #tpu.memory_space<semaphore_mem>>)
        %dma_wait3A_104 = tpu.memref_slice %arg4[%add3A_69] : memref<340992xi32, #tpu.memory_space<hbm>> -> memref<48xi32, #tpu.memory_space<hbm>>
        %dma_wait3A_105 = tpu.memref_slice %arg4[%add3A_69] : memref<340992xi32, #tpu.memory_space<hbm>> -> memref<48xi32, #tpu.memory_space<hbm>>
        tpu.wait_dma2 semaphore(%run_scoped3A : memref<!tpu.dma_semaphore, #tpu.memory_space<semaphore_mem>>) src(%dma_wait3A_105 : memref<48xi32, #tpu.memory_space<hbm>>) dst(%arg10 : memref<48xi32, #tpu.memory_space<vmem>>)
        tpu.yield
      }) : () -> ()
      %scan3A_70 = arith.constant 0 : i32
      %scan3A_71 = arith.constant 0 : i32
      %scan3A_72 = arith.constant 3 : i32
      %scan3A_73 = arith.addi %scan3A_71, %scan3A_72 : i32
      %scan3A_74 = arith.constant 1 : i32
      %scan3A_75 = scf.for %scan3A_102 = %scan3A_71 to %scan3A_73 step %scan3A_74 iter_args(%scan3A_103 = %scan3A_70) -> (i32)  : i32 {
        %mul3A_104 = arith.constant 16 : i32
        %mul3A_105 = arith.muli %scan3A_102, %mul3A_104 : i32
        %get3A_106 = arith.index_cast %mul3A_105 : i32 to index
        %get3A_107 = tpu.vector_load %arg8[%get3A_106] {strides = array<i32>} : memref<48xi32, #tpu.memory_space<vmem>>, vector<16xi32>,
        %mul3A_108 = arith.constant 10240 : i32
        %mul3A_109 = arith.muli %add3A, %mul3A_108 : i32
        %add3A_110 = vector.broadcast %mul3A_109 : i32 to vector<16xi32>
        %add3A_111 = arith.addi %get3A_107, %add3A_110 : vector<16xi32>
        %swap3A = arith.index_cast %mul3A_105 : i32 to index
        %swap3A_112 = tpu.vector_load %arg14[%swap3A] {strides = array<i32>} : memref<96xi32, #tpu.memory_space<vmem>>, vector<16xi32>,
        tpu.vector_store %arg14[%swap3A], %add3A_111 {strides = array<i32>} : memref<96xi32, #tpu.memory_space<vmem>>, vector<16xi32>,
        %mul3A_113 = arith.constant 16 : i32
        %mul3A_114 = arith.muli %scan3A_102, %mul3A_113 : i32
        %add3A_115 = arith.constant 48 : i32
        %add3A_116 = arith.addi %add3A_115, %mul3A_114 : i32
        %get3A_117 = arith.index_cast %mul3A_105 : i32 to index
        %get3A_118 = tpu.vector_load %arg10[%get3A_117] {strides = array<i32>} : memref<48xi32, #tpu.memory_space<vmem>>, vector<16xi32>,
        %add3A_119 = arith.constant 8 : i32
        %add3A_120 = arith.addi %add3A_119, %add3A : i32
        %mul3A_121 = arith.constant 10240 : i32
        %mul3A_122 = arith.muli %add3A_120, %mul3A_121 : i32
        %add3A_123 = vector.broadcast %mul3A_122 : i32 to vector<16xi32>
        %add3A_124 = arith.addi %get3A_118, %add3A_123 : vector<16xi32>
        %swap3A_125 = arith.index_cast %add3A_116 : i32 to index
        %swap3A_126 = tpu.vector_load %arg14[%swap3A_125] {strides = array<i32>} : memref<96xi32, #tpu.memory_space<vmem>>, vector<16xi32>,
        tpu.vector_store %arg14[%swap3A_125], %add3A_124 {strides = array<i32>} : memref<96xi32, #tpu.memory_space<vmem>>, vector<16xi32>,
        %shift_right_logical3A = arith.constant 7 : i32
        %shift_right_logical3A_127 = vector.broadcast %shift_right_logical3A : i32 to vector<16xi32>
        %shift_right_logical3A_128 = arith.shrui %get3A_118, %shift_right_logical3A_127 : vector<16xi32>
        %add3A_129 = arith.constant 10112 : i32
        %add3A_130 = vector.broadcast %add3A_129 : i32 to vector<16xi32>
        %add3A_131 = arith.addi %add3A_130, %shift_right_logical3A_128 : vector<16xi32>
        %swap3A_132 = arith.index_cast %mul3A_105 : i32 to index
        %swap3A_133 = tpu.vector_load %arg12[%swap3A_132] {strides = array<i32>} : memref<48xi32, #tpu.memory_space<vmem>>, vector<16xi32>,
        tpu.vector_store %arg12[%swap3A_132], %add3A_131 {strides = array<i32>} : memref<48xi32, #tpu.memory_space<vmem>>, vector<16xi32>,
        %scan3A_134 = arith.constant 0 : i32
        scf.yield %scan3A_134 : i32
      }
      %scan3A_76 = arith.constant 3 : i32
      %dma_start3A_77 = arith.constant 0 : i32
      %dma_start3A_78 = arith.constant 0 : i32
      %dma_start3A_79 = tpu.memref_slice %arg2[%dma_start3A_77, %dma_start3A_78] : memref<163840x128xf32, #tpu.memory_space<hbm>> -> memref<163840x128xf32, #tpu.memory_space<hbm>>
      tpu.enqueue_indirect_dma source(%dma_start3A_79 : memref<163840x128xf32, #tpu.memory_space<hbm>>) target(%arg16 : memref<96x128xf32, #tpu.memory_space<vmem>>) offsets(%arg14 : memref<96xi32, #tpu.memory_space<vmem>>) semaphore(%arg21 : memref<!tpu.dma_semaphore, #tpu.memory_space<semaphore_mem>>)
      %scan3A_80 = arith.constant 0 : i32
      %scan3A_81 = arith.constant 0 : i32
      %scan3A_82 = arith.constant 111 : i32
      %scan3A_83 = arith.addi %scan3A_81, %scan3A_82 : i32
      %scan3A_84 = arith.constant 1 : i32
      %scan3A_85 = scf.for %scan3A_102 = %scan3A_81 to %scan3A_83 step %scan3A_84 iter_args(%scan3A_103 = %scan3A_80) -> (i32)  : i32 {
        %mul3A_104 = arith.constant 2 : i32
        %mul3A_105 = arith.muli %scan3A_102, %mul3A_104 : i32
        %add3A_106 = arith.constant 0 : i32
        %add3A_107 = arith.addi %mul3A_105, %add3A_106 : i32
        %dma_wait3A_108 = arith.constant 0 : i32
        %dma_wait3A_109 = arith.constant 0 : i32
        %dma_wait3A_110 = tpu.memref_slice %arg2[%dma_wait3A_108, %dma_wait3A_109] : memref<163840x128xf32, #tpu.memory_space<hbm>> -> memref<163840x128xf32, #tpu.memory_space<hbm>>
        tpu.wait_indirect_dma semaphore(%arg20 : memref<!tpu.dma_semaphore, #tpu.memory_space<semaphore_mem>>) src(%dma_wait3A_110 : memref<163840x128xf32, #tpu.memory_space<hbm>>) dst(%arg15 : memref<96x128xf32, #tpu.memory_space<vmem>>)
        %parallel_loop3A = arith.constant 0 : i32
        %parallel_loop3A_111 = arith.constant 48 : i32
        %parallel_loop3A_112 = arith.constant 1 : i32
        scf.for %parallel_loop3A_164 = %parallel_loop3A to %parallel_loop3A_111 step %parallel_loop3A_112  : i32 {
          %parallel_loop3A_165 = arith.constant 0.000000e+00 : f32
          %parallel_loop3A_166 = vector.broadcast %parallel_loop3A_165 : f32 to vector<16xf32>
          %parallel_loop3A_167 = arith.index_cast %parallel_loop3A_164 : i32 to index
          %parallel_loop3A_168 = arith.constant 0 : index
          %parallel_loop3A_169 = tpu.vector_load %arg15[%parallel_loop3A_167, %parallel_loop3A_168] {strides = array<i32>} : memref<96x128xf32, #tpu.memory_space<vmem>>, vector<16xf32>,
          %parallel_loop3A_170 = arith.constant 48 : i32
          %parallel_loop3A_171 = arith.addi %parallel_loop3A_170, %parallel_loop3A_164 : i32
          %parallel_loop3A_172 = arith.index_cast %parallel_loop3A_171 : i32 to index
          %parallel_loop3A_173 = arith.constant 0 : index
          %parallel_loop3A_174 = tpu.vector_load %arg15[%parallel_loop3A_172, %parallel_loop3A_173] {strides = array<i32>} : memref<96x128xf32, #tpu.memory_space<vmem>>, vector<16xf32>,
          %parallel_loop3A_175 = arith.addf %parallel_loop3A_169, %parallel_loop3A_174 : vector<16xf32>
          %parallel_loop3A_176 = arith.constant 2.000000e-01 : f32
          %parallel_loop3A_177 = vector.broadcast %parallel_loop3A_176 : f32 to vector<16xf32>
          %parallel_loop3A_178 = arith.mulf %parallel_loop3A_175, %parallel_loop3A_177 : vector<16xf32>
          %parallel_loop3A_179 = arith.maximumf %parallel_loop3A_175, %parallel_loop3A_178 : vector<16xf32>
          %parallel_loop3A_180 = arith.mulf %parallel_loop3A_179, %get3A_42 : vector<16xf32>
          %parallel_loop3A_181 = arith.addf %parallel_loop3A_166, %parallel_loop3A_180 : vector<16xf32>
          %parallel_loop3A_182 = arith.index_cast %parallel_loop3A_164 : i32 to index
          %parallel_loop3A_183 = arith.constant 16 : index
          %parallel_loop3A_184 = tpu.vector_load %arg15[%parallel_loop3A_182, %parallel_loop3A_183] {strides = array<i32>} : memref<96x128xf32, #tpu.memory_space<vmem>>, vector<16xf32>,
          %parallel_loop3A_185 = arith.constant 48 : i32
          %parallel_loop3A_186 = arith.addi %parallel_loop3A_185, %parallel_loop3A_164 : i32
          %parallel_loop3A_187 = arith.index_cast %parallel_loop3A_186 : i32 to index
          %parallel_loop3A_188 = arith.constant 16 : index
          %parallel_loop3A_189 = tpu.vector_load %arg15[%parallel_loop3A_187, %parallel_loop3A_188] {strides = array<i32>} : memref<96x128xf32, #tpu.memory_space<vmem>>, vector<16xf32>,
          %parallel_loop3A_190 = arith.addf %parallel_loop3A_184, %parallel_loop3A_189 : vector<16xf32>
          %parallel_loop3A_191 = arith.constant 2.000000e-01 : f32
          %parallel_loop3A_192 = vector.broadcast %parallel_loop3A_191 : f32 to vector<16xf32>
          %parallel_loop3A_193 = arith.mulf %parallel_loop3A_190, %parallel_loop3A_192 : vector<16xf32>
          %parallel_loop3A_194 = arith.maximumf %parallel_loop3A_190, %parallel_loop3A_193 : vector<16xf32>
          %parallel_loop3A_195 = arith.mulf %parallel_loop3A_194, %get3A_44 : vector<16xf32>
          %parallel_loop3A_196 = arith.addf %parallel_loop3A_181, %parallel_loop3A_195 : vector<16xf32>
          %parallel_loop3A_197 = arith.index_cast %parallel_loop3A_164 : i32 to index
          %parallel_loop3A_198 = arith.constant 32 : index
          %parallel_loop3A_199 = tpu.vector_load %arg15[%parallel_loop3A_197, %parallel_loop3A_198] {strides = array<i32>} : memref<96x128xf32, #tpu.memory_space<vmem>>, vector<16xf32>,
          %parallel_loop3A_200 = arith.constant 48 : i32
          %parallel_loop3A_201 = arith.addi %parallel_loop3A_200, %parallel_loop3A_164 : i32
          %parallel_loop3A_202 = arith.index_cast %parallel_loop3A_201 : i32 to index
          %parallel_loop3A_203 = arith.constant 32 : index
          %parallel_loop3A_204 = tpu.vector_load %arg15[%parallel_loop3A_202, %parallel_loop3A_203] {strides = array<i32>} : memref<96x128xf32, #tpu.memory_space<vmem>>, vector<16xf32>,
          %parallel_loop3A_205 = arith.addf %parallel_loop3A_199, %parallel_loop3A_204 : vector<16xf32>
          %parallel_loop3A_206 = arith.constant 2.000000e-01 : f32
          %parallel_loop3A_207 = vector.broadcast %parallel_loop3A_206 : f32 to vector<16xf32>
          %parallel_loop3A_208 = arith.mulf %parallel_loop3A_205, %parallel_loop3A_207 : vector<16xf32>
          %parallel_loop3A_209 = arith.maximumf %parallel_loop3A_205, %parallel_loop3A_208 : vector<16xf32>
          %parallel_loop3A_210 = arith.mulf %parallel_loop3A_209, %get3A_46 : vector<16xf32>
          %parallel_loop3A_211 = arith.addf %parallel_loop3A_196, %parallel_loop3A_210 : vector<16xf32>
          %parallel_loop3A_212 = arith.index_cast %parallel_loop3A_164 : i32 to index
          %parallel_loop3A_213 = arith.constant 48 : index
          %parallel_loop3A_214 = tpu.vector_load %arg15[%parallel_loop3A_212, %parallel_loop3A_213] {strides = array<i32>} : memref<96x128xf32, #tpu.memory_space<vmem>>, vector<16xf32>,
          %parallel_loop3A_215 = arith.constant 48 : i32
          %parallel_loop3A_216 = arith.addi %parallel_loop3A_215, %parallel_loop3A_164 : i32
          %parallel_loop3A_217 = arith.index_cast %parallel_loop3A_216 : i32 to index
          %parallel_loop3A_218 = arith.constant 48 : index
          %parallel_loop3A_219 = tpu.vector_load %arg15[%parallel_loop3A_217, %parallel_loop3A_218] {strides = array<i32>} : memref<96x128xf32, #tpu.memory_space<vmem>>, vector<16xf32>,
          %parallel_loop3A_220 = arith.addf %parallel_loop3A_214, %parallel_loop3A_219 : vector<16xf32>
          %parallel_loop3A_221 = arith.constant 2.000000e-01 : f32
          %parallel_loop3A_222 = vector.broadcast %parallel_loop3A_221 : f32 to vector<16xf32>
          %parallel_loop3A_223 = arith.mulf %parallel_loop3A_220, %parallel_loop3A_222 : vector<16xf32>
          %parallel_loop3A_224 = arith.maximumf %parallel_loop3A_220, %parallel_loop3A_223 : vector<16xf32>
          %parallel_loop3A_225 = arith.mulf %parallel_loop3A_224, %get3A_48 : vector<16xf32>
          %parallel_loop3A_226 = arith.addf %parallel_loop3A_211, %parallel_loop3A_225 : vector<16xf32>
          %parallel_loop3A_227 = arith.index_cast %parallel_loop3A_164 : i32 to index
          %parallel_loop3A_228 = arith.constant 64 : index
          %parallel_loop3A_229 = tpu.vector_load %arg15[%parallel_loop3A_227, %parallel_loop3A_228] {strides = array<i32>} : memref<96x128xf32, #tpu.memory_space<vmem>>, vector<16xf32>,
          %parallel_loop3A_230 = arith.constant 48 : i32
          %parallel_loop3A_231 = arith.addi %parallel_loop3A_230, %parallel_loop3A_164 : i32
          %parallel_loop3A_232 = arith.index_cast %parallel_loop3A_231 : i32 to index
          %parallel_loop3A_233 = arith.constant 64 : index
          %parallel_loop3A_234 = tpu.vector_load %arg15[%parallel_loop3A_232, %parallel_loop3A_233] {strides = array<i32>} : memref<96x128xf32, #tpu.memory_space<vmem>>, vector<16xf32>,
          %parallel_loop3A_235 = arith.addf %parallel_loop3A_229, %parallel_loop3A_234 : vector<16xf32>
          %parallel_loop3A_236 = arith.constant 2.000000e-01 : f32
          %parallel_loop3A_237 = vector.broadcast %parallel_loop3A_236 : f32 to vector<16xf32>
          %parallel_loop3A_238 = arith.mulf %parallel_loop3A_235, %parallel_loop3A_237 : vector<16xf32>
          %parallel_loop3A_239 = arith.maximumf %parallel_loop3A_235, %parallel_loop3A_238 : vector<16xf32>
          %parallel_loop3A_240 = arith.mulf %parallel_loop3A_239, %get3A_50 : vector<16xf32>
          %parallel_loop3A_241 = arith.addf %parallel_loop3A_226, %parallel_loop3A_240 : vector<16xf32>
          %parallel_loop3A_242 = arith.index_cast %parallel_loop3A_164 : i32 to index
          %parallel_loop3A_243 = arith.constant 80 : index
          %parallel_loop3A_244 = tpu.vector_load %arg15[%parallel_loop3A_242, %parallel_loop3A_243] {strides = array<i32>} : memref<96x128xf32, #tpu.memory_space<vmem>>, vector<16xf32>,
          %parallel_loop3A_245 = arith.constant 48 : i32
          %parallel_loop3A_246 = arith.addi %parallel_loop3A_245, %parallel_loop3A_164 : i32
          %parallel_loop3A_247 = arith.index_cast %parallel_loop3A_246 : i32 to index
          %parallel_loop3A_248 = arith.constant 80 : index
          %parallel_loop3A_249 = tpu.vector_load %arg15[%parallel_loop3A_247, %parallel_loop3A_248] {strides = array<i32>} : memref<96x128xf32, #tpu.memory_space<vmem>>, vector<16xf32>,
          %parallel_loop3A_250 = arith.addf %parallel_loop3A_244, %parallel_loop3A_249 : vector<16xf32>
          %parallel_loop3A_251 = arith.constant 2.000000e-01 : f32
          %parallel_loop3A_252 = vector.broadcast %parallel_loop3A_251 : f32 to vector<16xf32>
          %parallel_loop3A_253 = arith.mulf %parallel_loop3A_250, %parallel_loop3A_252 : vector<16xf32>
          %parallel_loop3A_254 = arith.maximumf %parallel_loop3A_250, %parallel_loop3A_253 : vector<16xf32>
          %parallel_loop3A_255 = arith.mulf %parallel_loop3A_254, %get3A_52 : vector<16xf32>
          %parallel_loop3A_256 = arith.addf %parallel_loop3A_241, %parallel_loop3A_255 : vector<16xf32>
          %parallel_loop3A_257 = arith.index_cast %parallel_loop3A_164 : i32 to index
          %parallel_loop3A_258 = arith.constant 96 : index
          %parallel_loop3A_259 = tpu.vector_load %arg15[%parallel_loop3A_257, %parallel_loop3A_258] {strides = array<i32>} : memref<96x128xf32, #tpu.memory_space<vmem>>, vector<16xf32>,
          %parallel_loop3A_260 = arith.constant 48 : i32
          %parallel_loop3A_261 = arith.addi %parallel_loop3A_260, %parallel_loop3A_164 : i32
          %parallel_loop3A_262 = arith.index_cast %parallel_loop3A_261 : i32 to index
          %parallel_loop3A_263 = arith.constant 96 : index
          %parallel_loop3A_264 = tpu.vector_load %arg15[%parallel_loop3A_262, %parallel_loop3A_263] {strides = array<i32>} : memref<96x128xf32, #tpu.memory_space<vmem>>, vector<16xf32>,
          %parallel_loop3A_265 = arith.addf %parallel_loop3A_259, %parallel_loop3A_264 : vector<16xf32>
          %parallel_loop3A_266 = arith.constant 2.000000e-01 : f32
          %parallel_loop3A_267 = vector.broadcast %parallel_loop3A_266 : f32 to vector<16xf32>
          %parallel_loop3A_268 = arith.mulf %parallel_loop3A_265, %parallel_loop3A_267 : vector<16xf32>
          %parallel_loop3A_269 = arith.maximumf %parallel_loop3A_265, %parallel_loop3A_268 : vector<16xf32>
          %parallel_loop3A_270 = arith.mulf %parallel_loop3A_269, %get3A_54 : vector<16xf32>
          %parallel_loop3A_271 = arith.addf %parallel_loop3A_256, %parallel_loop3A_270 : vector<16xf32>
          %parallel_loop3A_272 = arith.index_cast %parallel_loop3A_164 : i32 to index
          %parallel_loop3A_273 = arith.constant 112 : index
          %parallel_loop3A_274 = tpu.vector_load %arg15[%parallel_loop3A_272, %parallel_loop3A_273] {strides = array<i32>} : memref<96x128xf32, #tpu.memory_space<vmem>>, vector<16xf32>,
          %parallel_loop3A_275 = arith.constant 48 : i32
          %parallel_loop3A_276 = arith.addi %parallel_loop3A_275, %parallel_loop3A_164 : i32
          %parallel_loop3A_277 = arith.index_cast %parallel_loop3A_276 : i32 to index
          %parallel_loop3A_278 = arith.constant 112 : index
          %parallel_loop3A_279 = tpu.vector_load %arg15[%parallel_loop3A_277, %parallel_loop3A_278] {strides = array<i32>} : memref<96x128xf32, #tpu.memory_space<vmem>>, vector<16xf32>,
          %parallel_loop3A_280 = arith.addf %parallel_loop3A_274, %parallel_loop3A_279 : vector<16xf32>
          %parallel_loop3A_281 = arith.constant 2.000000e-01 : f32
          %parallel_loop3A_282 = vector.broadcast %parallel_loop3A_281 : f32 to vector<16xf32>
          %parallel_loop3A_283 = arith.mulf %parallel_loop3A_280, %parallel_loop3A_282 : vector<16xf32>
          %parallel_loop3A_284 = arith.maximumf %parallel_loop3A_280, %parallel_loop3A_283 : vector<16xf32>
          %parallel_loop3A_285 = arith.mulf %parallel_loop3A_284, %get3A_56 : vector<16xf32>
          %parallel_loop3A_286 = arith.addf %parallel_loop3A_271, %parallel_loop3A_285 : vector<16xf32>
          %parallel_loop3A_287 = arith.constant true
          %parallel_loop3A_288 = vector.broadcast %parallel_loop3A_287 : i1 to vector<16xi1>
          %parallel_loop3A_289 = tpu.scan <sum>, %parallel_loop3A_286 masked %parallel_loop3A_288 : vector<16xf32>, vector<16xi1> -> vector<16xf32>
          %parallel_loop3A_290 = vector.extract %parallel_loop3A_289[15] : f32 from vector<16xf32>
          %parallel_loop3A_291 = vector.broadcast %parallel_loop3A_290 : f32 to vector<16xf32>
          %parallel_loop3A_292 = math.exp %parallel_loop3A_291 : vector<16xf32>
          %parallel_loop3A_293 = arith.mulf %parallel_loop3A_292, %parallel_loop3A_169 : vector<16xf32>
          %parallel_loop3A_294 = arith.index_cast %parallel_loop3A_164 : i32 to index
          %parallel_loop3A_295 = arith.constant 0 : index
          %parallel_loop3A_296 = tpu.vector_load %arg15[%parallel_loop3A_294, %parallel_loop3A_295] {strides = array<i32>} : memref<96x128xf32, #tpu.memory_space<vmem>>, vector<16xf32>,
          tpu.vector_store %arg15[%parallel_loop3A_294, %parallel_loop3A_295], %parallel_loop3A_293 {strides = array<i32>} : memref<96x128xf32, #tpu.memory_space<vmem>>, vector<16xf32>,
          %parallel_loop3A_297 = arith.mulf %parallel_loop3A_292, %parallel_loop3A_184 : vector<16xf32>
          %parallel_loop3A_298 = arith.index_cast %parallel_loop3A_164 : i32 to index
          %parallel_loop3A_299 = arith.constant 16 : index
          %parallel_loop3A_300 = tpu.vector_load %arg15[%parallel_loop3A_298, %parallel_loop3A_299] {strides = array<i32>} : memref<96x128xf32, #tpu.memory_space<vmem>>, vector<16xf32>,
          tpu.vector_store %arg15[%parallel_loop3A_298, %parallel_loop3A_299], %parallel_loop3A_297 {strides = array<i32>} : memref<96x128xf32, #tpu.memory_space<vmem>>, vector<16xf32>,
          %parallel_loop3A_301 = arith.mulf %parallel_loop3A_292, %parallel_loop3A_199 : vector<16xf32>
          %parallel_loop3A_302 = arith.index_cast %parallel_loop3A_164 : i32 to index
          %parallel_loop3A_303 = arith.constant 32 : index
          %parallel_loop3A_304 = tpu.vector_load %arg15[%parallel_loop3A_302, %parallel_loop3A_303] {strides = array<i32>} : memref<96x128xf32, #tpu.memory_space<vmem>>, vector<16xf32>,
          tpu.vector_store %arg15[%parallel_loop3A_302, %parallel_loop3A_303], %parallel_loop3A_301 {strides = array<i32>} : memref<96x128xf32, #tpu.memory_space<vmem>>, vector<16xf32>,
          %parallel_loop3A_305 = arith.mulf %parallel_loop3A_292, %parallel_loop3A_214 : vector<16xf32>
          %parallel_loop3A_306 = arith.index_cast %parallel_loop3A_164 : i32 to index
          %parallel_loop3A_307 = arith.constant 48 : index
          %parallel_loop3A_308 = tpu.vector_load %arg15[%parallel_loop3A_306, %parallel_loop3A_307] {strides = array<i32>} : memref<96x128xf32, #tpu.memory_space<vmem>>, vector<16xf32>,
          tpu.vector_store %arg15[%parallel_loop3A_306, %parallel_loop3A_307], %parallel_loop3A_305 {strides = array<i32>} : memref<96x128xf32, #tpu.memory_space<vmem>>, vector<16xf32>,
          %parallel_loop3A_309 = arith.mulf %parallel_loop3A_292, %parallel_loop3A_229 : vector<16xf32>
          %parallel_loop3A_310 = arith.index_cast %parallel_loop3A_164 : i32 to index
          %parallel_loop3A_311 = arith.constant 64 : index
          %parallel_loop3A_312 = tpu.vector_load %arg15[%parallel_loop3A_310, %parallel_loop3A_311] {strides = array<i32>} : memref<96x128xf32, #tpu.memory_space<vmem>>, vector<16xf32>,
          tpu.vector_store %arg15[%parallel_loop3A_310, %parallel_loop3A_311], %parallel_loop3A_309 {strides = array<i32>} : memref<96x128xf32, #tpu.memory_space<vmem>>, vector<16xf32>,
          %parallel_loop3A_313 = arith.mulf %parallel_loop3A_292, %parallel_loop3A_244 : vector<16xf32>
          %parallel_loop3A_314 = arith.index_cast %parallel_loop3A_164 : i32 to index
          %parallel_loop3A_315 = arith.constant 80 : index
          %parallel_loop3A_316 = tpu.vector_load %arg15[%parallel_loop3A_314, %parallel_loop3A_315] {strides = array<i32>} : memref<96x128xf32, #tpu.memory_space<vmem>>, vector<16xf32>,
          tpu.vector_store %arg15[%parallel_loop3A_314, %parallel_loop3A_315], %parallel_loop3A_313 {strides = array<i32>} : memref<96x128xf32, #tpu.memory_space<vmem>>, vector<16xf32>,
          %parallel_loop3A_317 = arith.mulf %parallel_loop3A_292, %parallel_loop3A_259 : vector<16xf32>
          %parallel_loop3A_318 = arith.index_cast %parallel_loop3A_164 : i32 to index
          %parallel_loop3A_319 = arith.constant 96 : index
          %parallel_loop3A_320 = tpu.vector_load %arg15[%parallel_loop3A_318, %parallel_loop3A_319] {strides = array<i32>} : memref<96x128xf32, #tpu.memory_space<vmem>>, vector<16xf32>,
          tpu.vector_store %arg15[%parallel_loop3A_318, %parallel_loop3A_319], %parallel_loop3A_317 {strides = array<i32>} : memref<96x128xf32, #tpu.memory_space<vmem>>, vector<16xf32>,
          %parallel_loop3A_321 = arith.mulf %parallel_loop3A_292, %parallel_loop3A_274 : vector<16xf32>
          %parallel_loop3A_322 = arith.index_cast %parallel_loop3A_164 : i32 to index
          %parallel_loop3A_323 = arith.constant 112 : index
          %parallel_loop3A_324 = tpu.vector_load %arg15[%parallel_loop3A_322, %parallel_loop3A_323] {strides = array<i32>} : memref<96x128xf32, #tpu.memory_space<vmem>>, vector<16xf32>,
          tpu.vector_store %arg15[%parallel_loop3A_322, %parallel_loop3A_323], %parallel_loop3A_321 {strides = array<i32>} : memref<96x128xf32, #tpu.memory_space<vmem>>, vector<16xf32>,
          %parallel_loop3A_325 = vector.broadcast %parallel_loop3A_164 : i32 to vector<16xi32>
          %parallel_loop3A_326 = tpu.vector_load_idx %arg9[%parallel_loop3A_325] : memref<48xi32, #tpu.memory_space<vmem>>[vector<16xi32>], vector<16xi32>,
          %parallel_loop3A_327 = arith.constant 127 : i32
          %parallel_loop3A_328 = vector.broadcast %parallel_loop3A_327 : i32 to vector<16xi32>
          %parallel_loop3A_329 = arith.andi %parallel_loop3A_326, %parallel_loop3A_328 : vector<16xi32>
          tpu.vector_store_idx %arg17[%parallel_loop3A_325, %parallel_loop3A_329], %parallel_loop3A_292 : memref<48x128xf32, #tpu.memory_space<vmem>>[vector<16xi32>, vector<16xi32>], vector<16xf32>,
        } {sc.loop_unroll_factor = 8 : i64, sc.parallel_access}
        "tpu.region"() ({
          %run_scoped3A = tpu.sem_alloc : memref<!tpu.dma_semaphore, #tpu.memory_space<semaphore_mem>>
          %dma_start3A_164 = arith.constant 0 : i32
          %dma_start3A_165 = arith.constant 0 : i32
          %dma_start3A_166 = tpu.memref_slice %arg15[%dma_start3A_164, %dma_start3A_165] : memref<96x128xf32, #tpu.memory_space<vmem>> -> memref<48x128xf32, #tpu.memory_space<vmem>>
          %dma_start3A_167 = arith.constant 0 : i32
          %dma_start3A_168 = arith.constant 0 : i32
          %dma_start3A_169 = tpu.memref_slice %arg19[%dma_start3A_167, %dma_start3A_168] : memref<10240x128xf32, #tpu.memory_space<vmem_shared>> -> memref<10240x128xf32, #tpu.memory_space<vmem_shared>>
          tpu.enqueue_indirect_dma source(%dma_start3A_166 : memref<48x128xf32, #tpu.memory_space<vmem>>) target(%dma_start3A_169 : memref<10240x128xf32, #tpu.memory_space<vmem_shared>>) offsets(%arg9 : memref<48xi32, #tpu.memory_space<vmem>>) semaphore(%run_scoped3A : memref<!tpu.dma_semaphore, #tpu.memory_space<semaphore_mem>>) {add = true}
          %dma_wait3A_170 = arith.constant 0 : i32
          %dma_wait3A_171 = arith.constant 0 : i32
          %dma_wait3A_172 = tpu.memref_slice %arg15[%dma_wait3A_170, %dma_wait3A_171] : memref<96x128xf32, #tpu.memory_space<vmem>> -> memref<48x128xf32, #tpu.memory_space<vmem>>
          %dma_wait3A_173 = arith.constant 0 : i32
          %dma_wait3A_174 = arith.constant 0 : i32
          %dma_wait3A_175 = tpu.memref_slice %arg19[%dma_wait3A_173, %dma_wait3A_174] : memref<10240x128xf32, #tpu.memory_space<vmem_shared>> -> memref<10240x128xf32, #tpu.memory_space<vmem_shared>>
          tpu.wait_indirect_dma semaphore(%run_scoped3A : memref<!tpu.dma_semaphore, #tpu.memory_space<semaphore_mem>>) src(%dma_wait3A_172 : memref<48x128xf32, #tpu.memory_space<vmem>>) dst(%dma_wait3A_175 : memref<10240x128xf32, #tpu.memory_space<vmem_shared>>)
          tpu.yield
        }) : () -> ()
        "tpu.region"() ({
          %run_scoped3A = tpu.sem_alloc : memref<!tpu.dma_semaphore, #tpu.memory_space<semaphore_mem>>
          %dma_start3A_164 = arith.constant 0 : i32
          %dma_start3A_165 = arith.constant 0 : i32
          %dma_start3A_166 = tpu.memref_slice %arg19[%dma_start3A_164, %dma_start3A_165] : memref<10240x128xf32, #tpu.memory_space<vmem_shared>> -> memref<10240x128xf32, #tpu.memory_space<vmem_shared>>
          tpu.enqueue_indirect_dma source(%arg17 : memref<48x128xf32, #tpu.memory_space<vmem>>) target(%dma_start3A_166 : memref<10240x128xf32, #tpu.memory_space<vmem_shared>>) offsets(%arg11 : memref<48xi32, #tpu.memory_space<vmem>>) semaphore(%run_scoped3A : memref<!tpu.dma_semaphore, #tpu.memory_space<semaphore_mem>>) {add = true}
          %dma_wait3A_167 = arith.constant 0 : i32
          %dma_wait3A_168 = arith.constant 0 : i32
          %dma_wait3A_169 = tpu.memref_slice %arg19[%dma_wait3A_167, %dma_wait3A_168] : memref<10240x128xf32, #tpu.memory_space<vmem_shared>> -> memref<10240x128xf32, #tpu.memory_space<vmem_shared>>
          tpu.wait_indirect_dma semaphore(%run_scoped3A : memref<!tpu.dma_semaphore, #tpu.memory_space<semaphore_mem>>) src(%arg17 : memref<48x128xf32, #tpu.memory_space<vmem>>) dst(%dma_wait3A_169 : memref<10240x128xf32, #tpu.memory_space<vmem_shared>>)
          tpu.yield
        }) : () -> ()
        %parallel_loop3A_113 = arith.constant 0 : i32
        %parallel_loop3A_114 = arith.constant 48 : i32
        %parallel_loop3A_115 = arith.constant 1 : i32
        scf.for %parallel_loop3A_164 = %parallel_loop3A_113 to %parallel_loop3A_114 step %parallel_loop3A_115  : i32 {
          %parallel_loop3A_165 = vector.broadcast %parallel_loop3A_164 : i32 to vector<16xi32>
          %parallel_loop3A_166 = tpu.vector_load_idx %arg9[%parallel_loop3A_165] : memref<48xi32, #tpu.memory_space<vmem>>[vector<16xi32>], vector<16xi32>,
          %parallel_loop3A_167 = arith.constant 127 : i32
          %parallel_loop3A_168 = vector.broadcast %parallel_loop3A_167 : i32 to vector<16xi32>
          %parallel_loop3A_169 = arith.andi %parallel_loop3A_166, %parallel_loop3A_168 : vector<16xi32>
          tpu.vector_store_idx %arg17[%parallel_loop3A_165, %parallel_loop3A_169], %broadcast_in_dim3A_0 : memref<48x128xf32, #tpu.memory_space<vmem>>[vector<16xi32>, vector<16xi32>], vector<16xf32>,
        } {sc.loop_unroll_factor = 4 : i64, sc.parallel_access}
        %add3A_116 = arith.constant 2 : i32
        %add3A_117 = arith.addi %add3A_107, %add3A_116 : i32
        %rem3A_118 = arith.constant 222 : i32
        %rem3A_119 = arith.remsi %add3A_117, %rem3A_118 : i32
        %mul3A_120 = arith.constant 48 : i32
        %mul3A_121 = arith.muli %rem3A_119, %mul3A_120 : i32
        %add3A_122 = arith.addi %add3A_37, %mul3A_121 : i32
        "tpu.region"() ({
          %run_scoped3A = tpu.sem_alloc : memref<!tpu.dma_semaphore, #tpu.memory_space<semaphore_mem>>
          %dma_start3A_164 = tpu.memref_slice %arg3[%add3A_122] : memref<340992xi32, #tpu.memory_space<hbm>> -> memref<48xi32, #tpu.memory_space<hbm>>
          %dma_start3A_165 = tpu.memref_slice %arg3[%add3A_122] : memref<340992xi32, #tpu.memory_space<hbm>> -> memref<48xi32, #tpu.memory_space<hbm>>
          tpu.enqueue_dma source(%dma_start3A_165 : memref<48xi32, #tpu.memory_space<hbm>>) target(%arg8 : memref<48xi32, #tpu.memory_space<vmem>>) target_semaphore(%run_scoped3A : memref<!tpu.dma_semaphore, #tpu.memory_space<semaphore_mem>>)
          %dma_wait3A_166 = tpu.memref_slice %arg3[%add3A_122] : memref<340992xi32, #tpu.memory_space<hbm>> -> memref<48xi32, #tpu.memory_space<hbm>>
          %dma_wait3A_167 = tpu.memref_slice %arg3[%add3A_122] : memref<340992xi32, #tpu.memory_space<hbm>> -> memref<48xi32, #tpu.memory_space<hbm>>
          tpu.wait_dma2 semaphore(%run_scoped3A : memref<!tpu.dma_semaphore, #tpu.memory_space<semaphore_mem>>) src(%dma_wait3A_167 : memref<48xi32, #tpu.memory_space<hbm>>) dst(%arg8 : memref<48xi32, #tpu.memory_space<vmem>>)
          tpu.yield
        }) : () -> ()
        "tpu.region"() ({
          %run_scoped3A = tpu.sem_alloc : memref<!tpu.dma_semaphore, #tpu.memory_space<semaphore_mem>>
          %dma_start3A_164 = tpu.memref_slice %arg4[%add3A_122] : memref<340992xi32, #tpu.memory_space<hbm>> -> memref<48xi32, #tpu.memory_space<hbm>>
          %dma_start3A_165 = tpu.memref_slice %arg4[%add3A_122] : memref<340992xi32, #tpu.memory_space<hbm>> -> memref<48xi32, #tpu.memory_space<hbm>>
          tpu.enqueue_dma source(%dma_start3A_165 : memref<48xi32, #tpu.memory_space<hbm>>) target(%arg9 : memref<48xi32, #tpu.memory_space<vmem>>) target_semaphore(%run_scoped3A : memref<!tpu.dma_semaphore, #tpu.memory_space<semaphore_mem>>)
          %dma_wait3A_166 = tpu.memref_slice %arg4[%add3A_122] : memref<340992xi32, #tpu.memory_space<hbm>> -> memref<48xi32, #tpu.memory_space<hbm>>
          %dma_wait3A_167 = tpu.memref_slice %arg4[%add3A_122] : memref<340992xi32, #tpu.memory_space<hbm>> -> memref<48xi32, #tpu.memory_space<hbm>>
          tpu.wait_dma2 semaphore(%run_scoped3A : memref<!tpu.dma_semaphore, #tpu.memory_space<semaphore_mem>>) src(%dma_wait3A_167 : memref<48xi32, #tpu.memory_space<hbm>>) dst(%arg9 : memref<48xi32, #tpu.memory_space<vmem>>)
          tpu.yield
        }) : () -> ()
        %scan3A_123 = arith.constant 0 : i32
        %scan3A_124 = arith.constant 0 : i32
        %scan3A_125 = arith.constant 3 : i32
        %scan3A_126 = arith.addi %scan3A_124, %scan3A_125 : i32
        %scan3A_127 = arith.constant 1 : i32
        %scan3A_128 = scf.for %scan3A_164 = %scan3A_124 to %scan3A_126 step %scan3A_127 iter_args(%scan3A_165 = %scan3A_123) -> (i32)  : i32 {
          %mul3A_166 = arith.constant 16 : i32
          %mul3A_167 = arith.muli %scan3A_164, %mul3A_166 : i32
          %get3A_168 = arith.index_cast %mul3A_167 : i32 to index
          %get3A_169 = tpu.vector_load %arg8[%get3A_168] {strides = array<i32>} : memref<48xi32, #tpu.memory_space<vmem>>, vector<16xi32>,
          %mul3A_170 = arith.constant 10240 : i32
          %mul3A_171 = arith.muli %add3A, %mul3A_170 : i32
          %add3A_172 = vector.broadcast %mul3A_171 : i32 to vector<16xi32>
          %add3A_173 = arith.addi %get3A_169, %add3A_172 : vector<16xi32>
          %swap3A = arith.index_cast %mul3A_167 : i32 to index
          %swap3A_174 = tpu.vector_load %arg13[%swap3A] {strides = array<i32>} : memref<96xi32, #tpu.memory_space<vmem>>, vector<16xi32>,
          tpu.vector_store %arg13[%swap3A], %add3A_173 {strides = array<i32>} : memref<96xi32, #tpu.memory_space<vmem>>, vector<16xi32>,
          %mul3A_175 = arith.constant 16 : i32
          %mul3A_176 = arith.muli %scan3A_164, %mul3A_175 : i32
          %add3A_177 = arith.constant 48 : i32
          %add3A_178 = arith.addi %add3A_177, %mul3A_176 : i32
          %get3A_179 = arith.index_cast %mul3A_167 : i32 to index
          %get3A_180 = tpu.vector_load %arg9[%get3A_179] {strides = array<i32>} : memref<48xi32, #tpu.memory_space<vmem>>, vector<16xi32>,
          %add3A_181 = arith.constant 8 : i32
          %add3A_182 = arith.addi %add3A_181, %add3A : i32
          %mul3A_183 = arith.constant 10240 : i32
          %mul3A_184 = arith.muli %add3A_182, %mul3A_183 : i32
          %add3A_185 = vector.broadcast %mul3A_184 : i32 to vector<16xi32>
          %add3A_186 = arith.addi %get3A_180, %add3A_185 : vector<16xi32>
          %swap3A_187 = arith.index_cast %add3A_178 : i32 to index
          %swap3A_188 = tpu.vector_load %arg13[%swap3A_187] {strides = array<i32>} : memref<96xi32, #tpu.memory_space<vmem>>, vector<16xi32>,
          tpu.vector_store %arg13[%swap3A_187], %add3A_186 {strides = array<i32>} : memref<96xi32, #tpu.memory_space<vmem>>, vector<16xi32>,
          %shift_right_logical3A = arith.constant 7 : i32
          %shift_right_logical3A_189 = vector.broadcast %shift_right_logical3A : i32 to vector<16xi32>
          %shift_right_logical3A_190 = arith.shrui %get3A_180, %shift_right_logical3A_189 : vector<16xi32>
          %add3A_191 = arith.constant 10112 : i32
          %add3A_192 = vector.broadcast %add3A_191 : i32 to vector<16xi32>
          %add3A_193 = arith.addi %add3A_192, %shift_right_logical3A_190 : vector<16xi32>
          %swap3A_194 = arith.index_cast %mul3A_167 : i32 to index
          %swap3A_195 = tpu.vector_load %arg11[%swap3A_194] {strides = array<i32>} : memref<48xi32, #tpu.memory_space<vmem>>, vector<16xi32>,
          tpu.vector_store %arg11[%swap3A_194], %add3A_193 {strides = array<i32>} : memref<48xi32, #tpu.memory_space<vmem>>, vector<16xi32>,
          %scan3A_196 = arith.constant 0 : i32
          scf.yield %scan3A_196 : i32
        }
        %scan3A_129 = arith.constant 3 : i32
        %dma_start3A_130 = arith.constant 0 : i32
        %dma_start3A_131 = arith.constant 0 : i32
        %dma_start3A_132 = tpu.memref_slice %arg2[%dma_start3A_130, %dma_start3A_131] : memref<163840x128xf32, #tpu.memory_space<hbm>> -> memref<163840x128xf32, #tpu.memory_space<hbm>>
        tpu.enqueue_indirect_dma source(%dma_start3A_132 : memref<163840x128xf32, #tpu.memory_space<hbm>>) target(%arg15 : memref<96x128xf32, #tpu.memory_space<vmem>>) offsets(%arg13 : memref<96xi32, #tpu.memory_space<vmem>>) semaphore(%arg20 : memref<!tpu.dma_semaphore, #tpu.memory_space<semaphore_mem>>)
        %mul3A_133 = arith.constant 2 : i32
        %mul3A_134 = arith.muli %scan3A_102, %mul3A_133 : i32
        %add3A_135 = arith.constant 1 : i32
        %add3A_136 = arith.addi %mul3A_134, %add3A_135 : i32
        %dma_wait3A_137 = arith.constant 0 : i32
        %dma_wait3A_138 = arith.constant 0 : i32
        %dma_wait3A_139 = tpu.memref_slice %arg2[%dma_wait3A_137, %dma_wait3A_138] : memref<163840x128xf32, #tpu.memory_space<hbm>> -> memref<163840x128xf32, #tpu.memory_space<hbm>>
        tpu.wait_indirect_dma semaphore(%arg21 : memref<!tpu.dma_semaphore, #tpu.memory_space<semaphore_mem>>) src(%dma_wait3A_139 : memref<163840x128xf32, #tpu.memory_space<hbm>>) dst(%arg16 : memref<96x128xf32, #tpu.memory_space<vmem>>)
        %parallel_loop3A_140 = arith.constant 0 : i32
        %parallel_loop3A_141 = arith.constant 48 : i32
        %parallel_loop3A_142 = arith.constant 1 : i32
        scf.for %parallel_loop3A_164 = %parallel_loop3A_140 to %parallel_loop3A_141 step %parallel_loop3A_142  : i32 {
          %parallel_loop3A_165 = arith.constant 0.000000e+00 : f32
          %parallel_loop3A_166 = vector.broadcast %parallel_loop3A_165 : f32 to vector<16xf32>
          %parallel_loop3A_167 = arith.index_cast %parallel_loop3A_164 : i32 to index
          %parallel_loop3A_168 = arith.constant 0 : index
          %parallel_loop3A_169 = tpu.vector_load %arg16[%parallel_loop3A_167, %parallel_loop3A_168] {strides = array<i32>} : memref<96x128xf32, #tpu.memory_space<vmem>>, vector<16xf32>,
          %parallel_loop3A_170 = arith.constant 48 : i32
          %parallel_loop3A_171 = arith.addi %parallel_loop3A_170, %parallel_loop3A_164 : i32
          %parallel_loop3A_172 = arith.index_cast %parallel_loop3A_171 : i32 to index
          %parallel_loop3A_173 = arith.constant 0 : index
          %parallel_loop3A_174 = tpu.vector_load %arg16[%parallel_loop3A_172, %parallel_loop3A_173] {strides = array<i32>} : memref<96x128xf32, #tpu.memory_space<vmem>>, vector<16xf32>,
          %parallel_loop3A_175 = arith.addf %parallel_loop3A_169, %parallel_loop3A_174 : vector<16xf32>
          %parallel_loop3A_176 = arith.constant 2.000000e-01 : f32
          %parallel_loop3A_177 = vector.broadcast %parallel_loop3A_176 : f32 to vector<16xf32>
          %parallel_loop3A_178 = arith.mulf %parallel_loop3A_175, %parallel_loop3A_177 : vector<16xf32>
          %parallel_loop3A_179 = arith.maximumf %parallel_loop3A_175, %parallel_loop3A_178 : vector<16xf32>
          %parallel_loop3A_180 = arith.mulf %parallel_loop3A_179, %get3A_42 : vector<16xf32>
          %parallel_loop3A_181 = arith.addf %parallel_loop3A_166, %parallel_loop3A_180 : vector<16xf32>
          %parallel_loop3A_182 = arith.index_cast %parallel_loop3A_164 : i32 to index
          %parallel_loop3A_183 = arith.constant 16 : index
          %parallel_loop3A_184 = tpu.vector_load %arg16[%parallel_loop3A_182, %parallel_loop3A_183] {strides = array<i32>} : memref<96x128xf32, #tpu.memory_space<vmem>>, vector<16xf32>,
          %parallel_loop3A_185 = arith.constant 48 : i32
          %parallel_loop3A_186 = arith.addi %parallel_loop3A_185, %parallel_loop3A_164 : i32
          %parallel_loop3A_187 = arith.index_cast %parallel_loop3A_186 : i32 to index
          %parallel_loop3A_188 = arith.constant 16 : index
          %parallel_loop3A_189 = tpu.vector_load %arg16[%parallel_loop3A_187, %parallel_loop3A_188] {strides = array<i32>} : memref<96x128xf32, #tpu.memory_space<vmem>>, vector<16xf32>,
          %parallel_loop3A_190 = arith.addf %parallel_loop3A_184, %parallel_loop3A_189 : vector<16xf32>
          %parallel_loop3A_191 = arith.constant 2.000000e-01 : f32
          %parallel_loop3A_192 = vector.broadcast %parallel_loop3A_191 : f32 to vector<16xf32>
          %parallel_loop3A_193 = arith.mulf %parallel_loop3A_190, %parallel_loop3A_192 : vector<16xf32>
          %parallel_loop3A_194 = arith.maximumf %parallel_loop3A_190, %parallel_loop3A_193 : vector<16xf32>
          %parallel_loop3A_195 = arith.mulf %parallel_loop3A_194, %get3A_44 : vector<16xf32>
          %parallel_loop3A_196 = arith.addf %parallel_loop3A_181, %parallel_loop3A_195 : vector<16xf32>
          %parallel_loop3A_197 = arith.index_cast %parallel_loop3A_164 : i32 to index
          %parallel_loop3A_198 = arith.constant 32 : index
          %parallel_loop3A_199 = tpu.vector_load %arg16[%parallel_loop3A_197, %parallel_loop3A_198] {strides = array<i32>} : memref<96x128xf32, #tpu.memory_space<vmem>>, vector<16xf32>,
          %parallel_loop3A_200 = arith.constant 48 : i32
          %parallel_loop3A_201 = arith.addi %parallel_loop3A_200, %parallel_loop3A_164 : i32
          %parallel_loop3A_202 = arith.index_cast %parallel_loop3A_201 : i32 to index
          %parallel_loop3A_203 = arith.constant 32 : index
          %parallel_loop3A_204 = tpu.vector_load %arg16[%parallel_loop3A_202, %parallel_loop3A_203] {strides = array<i32>} : memref<96x128xf32, #tpu.memory_space<vmem>>, vector<16xf32>,
          %parallel_loop3A_205 = arith.addf %parallel_loop3A_199, %parallel_loop3A_204 : vector<16xf32>
          %parallel_loop3A_206 = arith.constant 2.000000e-01 : f32
          %parallel_loop3A_207 = vector.broadcast %parallel_loop3A_206 : f32 to vector<16xf32>
          %parallel_loop3A_208 = arith.mulf %parallel_loop3A_205, %parallel_loop3A_207 : vector<16xf32>
          %parallel_loop3A_209 = arith.maximumf %parallel_loop3A_205, %parallel_loop3A_208 : vector<16xf32>
          %parallel_loop3A_210 = arith.mulf %parallel_loop3A_209, %get3A_46 : vector<16xf32>
          %parallel_loop3A_211 = arith.addf %parallel_loop3A_196, %parallel_loop3A_210 : vector<16xf32>
          %parallel_loop3A_212 = arith.index_cast %parallel_loop3A_164 : i32 to index
          %parallel_loop3A_213 = arith.constant 48 : index
          %parallel_loop3A_214 = tpu.vector_load %arg16[%parallel_loop3A_212, %parallel_loop3A_213] {strides = array<i32>} : memref<96x128xf32, #tpu.memory_space<vmem>>, vector<16xf32>,
          %parallel_loop3A_215 = arith.constant 48 : i32
          %parallel_loop3A_216 = arith.addi %parallel_loop3A_215, %parallel_loop3A_164 : i32
          %parallel_loop3A_217 = arith.index_cast %parallel_loop3A_216 : i32 to index
          %parallel_loop3A_218 = arith.constant 48 : index
          %parallel_loop3A_219 = tpu.vector_load %arg16[%parallel_loop3A_217, %parallel_loop3A_218] {strides = array<i32>} : memref<96x128xf32, #tpu.memory_space<vmem>>, vector<16xf32>,
          %parallel_loop3A_220 = arith.addf %parallel_loop3A_214, %parallel_loop3A_219 : vector<16xf32>
          %parallel_loop3A_221 = arith.constant 2.000000e-01 : f32
          %parallel_loop3A_222 = vector.broadcast %parallel_loop3A_221 : f32 to vector<16xf32>
          %parallel_loop3A_223 = arith.mulf %parallel_loop3A_220, %parallel_loop3A_222 : vector<16xf32>
          %parallel_loop3A_224 = arith.maximumf %parallel_loop3A_220, %parallel_loop3A_223 : vector<16xf32>
          %parallel_loop3A_225 = arith.mulf %parallel_loop3A_224, %get3A_48 : vector<16xf32>
          %parallel_loop3A_226 = arith.addf %parallel_loop3A_211, %parallel_loop3A_225 : vector<16xf32>
          %parallel_loop3A_227 = arith.index_cast %parallel_loop3A_164 : i32 to index
          %parallel_loop3A_228 = arith.constant 64 : index
          %parallel_loop3A_229 = tpu.vector_load %arg16[%parallel_loop3A_227, %parallel_loop3A_228] {strides = array<i32>} : memref<96x128xf32, #tpu.memory_space<vmem>>, vector<16xf32>,
          %parallel_loop3A_230 = arith.constant 48 : i32
          %parallel_loop3A_231 = arith.addi %parallel_loop3A_230, %parallel_loop3A_164 : i32
          %parallel_loop3A_232 = arith.index_cast %parallel_loop3A_231 : i32 to index
          %parallel_loop3A_233 = arith.constant 64 : index
          %parallel_loop3A_234 = tpu.vector_load %arg16[%parallel_loop3A_232, %parallel_loop3A_233] {strides = array<i32>} : memref<96x128xf32, #tpu.memory_space<vmem>>, vector<16xf32>,
          %parallel_loop3A_235 = arith.addf %parallel_loop3A_229, %parallel_loop3A_234 : vector<16xf32>
          %parallel_loop3A_236 = arith.constant 2.000000e-01 : f32
          %parallel_loop3A_237 = vector.broadcast %parallel_loop3A_236 : f32 to vector<16xf32>
          %parallel_loop3A_238 = arith.mulf %parallel_loop3A_235, %parallel_loop3A_237 : vector<16xf32>
          %parallel_loop3A_239 = arith.maximumf %parallel_loop3A_235, %parallel_loop3A_238 : vector<16xf32>
          %parallel_loop3A_240 = arith.mulf %parallel_loop3A_239, %get3A_50 : vector<16xf32>
          %parallel_loop3A_241 = arith.addf %parallel_loop3A_226, %parallel_loop3A_240 : vector<16xf32>
          %parallel_loop3A_242 = arith.index_cast %parallel_loop3A_164 : i32 to index
          %parallel_loop3A_243 = arith.constant 80 : index
          %parallel_loop3A_244 = tpu.vector_load %arg16[%parallel_loop3A_242, %parallel_loop3A_243] {strides = array<i32>} : memref<96x128xf32, #tpu.memory_space<vmem>>, vector<16xf32>,
          %parallel_loop3A_245 = arith.constant 48 : i32
          %parallel_loop3A_246 = arith.addi %parallel_loop3A_245, %parallel_loop3A_164 : i32
          %parallel_loop3A_247 = arith.index_cast %parallel_loop3A_246 : i32 to index
          %parallel_loop3A_248 = arith.constant 80 : index
          %parallel_loop3A_249 = tpu.vector_load %arg16[%parallel_loop3A_247, %parallel_loop3A_248] {strides = array<i32>} : memref<96x128xf32, #tpu.memory_space<vmem>>, vector<16xf32>,
          %parallel_loop3A_250 = arith.addf %parallel_loop3A_244, %parallel_loop3A_249 : vector<16xf32>
          %parallel_loop3A_251 = arith.constant 2.000000e-01 : f32
          %parallel_loop3A_252 = vector.broadcast %parallel_loop3A_251 : f32 to vector<16xf32>
          %parallel_loop3A_253 = arith.mulf %parallel_loop3A_250, %parallel_loop3A_252 : vector<16xf32>
          %parallel_loop3A_254 = arith.maximumf %parallel_loop3A_250, %parallel_loop3A_253 : vector<16xf32>
          %parallel_loop3A_255 = arith.mulf %parallel_loop3A_254, %get3A_52 : vector<16xf32>
          %parallel_loop3A_256 = arith.addf %parallel_loop3A_241, %parallel_loop3A_255 : vector<16xf32>
          %parallel_loop3A_257 = arith.index_cast %parallel_loop3A_164 : i32 to index
          %parallel_loop3A_258 = arith.constant 96 : index
          %parallel_loop3A_259 = tpu.vector_load %arg16[%parallel_loop3A_257, %parallel_loop3A_258] {strides = array<i32>} : memref<96x128xf32, #tpu.memory_space<vmem>>, vector<16xf32>,
          %parallel_loop3A_260 = arith.constant 48 : i32
          %parallel_loop3A_261 = arith.addi %parallel_loop3A_260, %parallel_loop3A_164 : i32
          %parallel_loop3A_262 = arith.index_cast %parallel_loop3A_261 : i32 to index
          %parallel_loop3A_263 = arith.constant 96 : index
          %parallel_loop3A_264 = tpu.vector_load %arg16[%parallel_loop3A_262, %parallel_loop3A_263] {strides = array<i32>} : memref<96x128xf32, #tpu.memory_space<vmem>>, vector<16xf32>,
          %parallel_loop3A_265 = arith.addf %parallel_loop3A_259, %parallel_loop3A_264 : vector<16xf32>
          %parallel_loop3A_266 = arith.constant 2.000000e-01 : f32
          %parallel_loop3A_267 = vector.broadcast %parallel_loop3A_266 : f32 to vector<16xf32>
          %parallel_loop3A_268 = arith.mulf %parallel_loop3A_265, %parallel_loop3A_267 : vector<16xf32>
          %parallel_loop3A_269 = arith.maximumf %parallel_loop3A_265, %parallel_loop3A_268 : vector<16xf32>
          %parallel_loop3A_270 = arith.mulf %parallel_loop3A_269, %get3A_54 : vector<16xf32>
          %parallel_loop3A_271 = arith.addf %parallel_loop3A_256, %parallel_loop3A_270 : vector<16xf32>
          %parallel_loop3A_272 = arith.index_cast %parallel_loop3A_164 : i32 to index
          %parallel_loop3A_273 = arith.constant 112 : index
          %parallel_loop3A_274 = tpu.vector_load %arg16[%parallel_loop3A_272, %parallel_loop3A_273] {strides = array<i32>} : memref<96x128xf32, #tpu.memory_space<vmem>>, vector<16xf32>,
          %parallel_loop3A_275 = arith.constant 48 : i32
          %parallel_loop3A_276 = arith.addi %parallel_loop3A_275, %parallel_loop3A_164 : i32
          %parallel_loop3A_277 = arith.index_cast %parallel_loop3A_276 : i32 to index
          %parallel_loop3A_278 = arith.constant 112 : index
          %parallel_loop3A_279 = tpu.vector_load %arg16[%parallel_loop3A_277, %parallel_loop3A_278] {strides = array<i32>} : memref<96x128xf32, #tpu.memory_space<vmem>>, vector<16xf32>,
          %parallel_loop3A_280 = arith.addf %parallel_loop3A_274, %parallel_loop3A_279 : vector<16xf32>
          %parallel_loop3A_281 = arith.constant 2.000000e-01 : f32
          %parallel_loop3A_282 = vector.broadcast %parallel_loop3A_281 : f32 to vector<16xf32>
          %parallel_loop3A_283 = arith.mulf %parallel_loop3A_280, %parallel_loop3A_282 : vector<16xf32>
          %parallel_loop3A_284 = arith.maximumf %parallel_loop3A_280, %parallel_loop3A_283 : vector<16xf32>
          %parallel_loop3A_285 = arith.mulf %parallel_loop3A_284, %get3A_56 : vector<16xf32>
          %parallel_loop3A_286 = arith.addf %parallel_loop3A_271, %parallel_loop3A_285 : vector<16xf32>
          %parallel_loop3A_287 = arith.constant true
          %parallel_loop3A_288 = vector.broadcast %parallel_loop3A_287 : i1 to vector<16xi1>
          %parallel_loop3A_289 = tpu.scan <sum>, %parallel_loop3A_286 masked %parallel_loop3A_288 : vector<16xf32>, vector<16xi1> -> vector<16xf32>
          %parallel_loop3A_290 = vector.extract %parallel_loop3A_289[15] : f32 from vector<16xf32>
          %parallel_loop3A_291 = vector.broadcast %parallel_loop3A_290 : f32 to vector<16xf32>
          %parallel_loop3A_292 = math.exp %parallel_loop3A_291 : vector<16xf32>
          %parallel_loop3A_293 = arith.mulf %parallel_loop3A_292, %parallel_loop3A_169 : vector<16xf32>
          %parallel_loop3A_294 = arith.index_cast %parallel_loop3A_164 : i32 to index
          %parallel_loop3A_295 = arith.constant 0 : index
          %parallel_loop3A_296 = tpu.vector_load %arg16[%parallel_loop3A_294, %parallel_loop3A_295] {strides = array<i32>} : memref<96x128xf32, #tpu.memory_space<vmem>>, vector<16xf32>,
          tpu.vector_store %arg16[%parallel_loop3A_294, %parallel_loop3A_295], %parallel_loop3A_293 {strides = array<i32>} : memref<96x128xf32, #tpu.memory_space<vmem>>, vector<16xf32>,
          %parallel_loop3A_297 = arith.mulf %parallel_loop3A_292, %parallel_loop3A_184 : vector<16xf32>
          %parallel_loop3A_298 = arith.index_cast %parallel_loop3A_164 : i32 to index
          %parallel_loop3A_299 = arith.constant 16 : index
          %parallel_loop3A_300 = tpu.vector_load %arg16[%parallel_loop3A_298, %parallel_loop3A_299] {strides = array<i32>} : memref<96x128xf32, #tpu.memory_space<vmem>>, vector<16xf32>,
          tpu.vector_store %arg16[%parallel_loop3A_298, %parallel_loop3A_299], %parallel_loop3A_297 {strides = array<i32>} : memref<96x128xf32, #tpu.memory_space<vmem>>, vector<16xf32>,
          %parallel_loop3A_301 = arith.mulf %parallel_loop3A_292, %parallel_loop3A_199 : vector<16xf32>
          %parallel_loop3A_302 = arith.index_cast %parallel_loop3A_164 : i32 to index
          %parallel_loop3A_303 = arith.constant 32 : index
          %parallel_loop3A_304 = tpu.vector_load %arg16[%parallel_loop3A_302, %parallel_loop3A_303] {strides = array<i32>} : memref<96x128xf32, #tpu.memory_space<vmem>>, vector<16xf32>,
          tpu.vector_store %arg16[%parallel_loop3A_302, %parallel_loop3A_303], %parallel_loop3A_301 {strides = array<i32>} : memref<96x128xf32, #tpu.memory_space<vmem>>, vector<16xf32>,
          %parallel_loop3A_305 = arith.mulf %parallel_loop3A_292, %parallel_loop3A_214 : vector<16xf32>
          %parallel_loop3A_306 = arith.index_cast %parallel_loop3A_164 : i32 to index
          %parallel_loop3A_307 = arith.constant 48 : index
          %parallel_loop3A_308 = tpu.vector_load %arg16[%parallel_loop3A_306, %parallel_loop3A_307] {strides = array<i32>} : memref<96x128xf32, #tpu.memory_space<vmem>>, vector<16xf32>,
          tpu.vector_store %arg16[%parallel_loop3A_306, %parallel_loop3A_307], %parallel_loop3A_305 {strides = array<i32>} : memref<96x128xf32, #tpu.memory_space<vmem>>, vector<16xf32>,
          %parallel_loop3A_309 = arith.mulf %parallel_loop3A_292, %parallel_loop3A_229 : vector<16xf32>
          %parallel_loop3A_310 = arith.index_cast %parallel_loop3A_164 : i32 to index
          %parallel_loop3A_311 = arith.constant 64 : index
          %parallel_loop3A_312 = tpu.vector_load %arg16[%parallel_loop3A_310, %parallel_loop3A_311] {strides = array<i32>} : memref<96x128xf32, #tpu.memory_space<vmem>>, vector<16xf32>,
          tpu.vector_store %arg16[%parallel_loop3A_310, %parallel_loop3A_311], %parallel_loop3A_309 {strides = array<i32>} : memref<96x128xf32, #tpu.memory_space<vmem>>, vector<16xf32>,
          %parallel_loop3A_313 = arith.mulf %parallel_loop3A_292, %parallel_loop3A_244 : vector<16xf32>
          %parallel_loop3A_314 = arith.index_cast %parallel_loop3A_164 : i32 to index
          %parallel_loop3A_315 = arith.constant 80 : index
          %parallel_loop3A_316 = tpu.vector_load %arg16[%parallel_loop3A_314, %parallel_loop3A_315] {strides = array<i32>} : memref<96x128xf32, #tpu.memory_space<vmem>>, vector<16xf32>,
          tpu.vector_store %arg16[%parallel_loop3A_314, %parallel_loop3A_315], %parallel_loop3A_313 {strides = array<i32>} : memref<96x128xf32, #tpu.memory_space<vmem>>, vector<16xf32>,
          %parallel_loop3A_317 = arith.mulf %parallel_loop3A_292, %parallel_loop3A_259 : vector<16xf32>
          %parallel_loop3A_318 = arith.index_cast %parallel_loop3A_164 : i32 to index
          %parallel_loop3A_319 = arith.constant 96 : index
          %parallel_loop3A_320 = tpu.vector_load %arg16[%parallel_loop3A_318, %parallel_loop3A_319] {strides = array<i32>} : memref<96x128xf32, #tpu.memory_space<vmem>>, vector<16xf32>,
          tpu.vector_store %arg16[%parallel_loop3A_318, %parallel_loop3A_319], %parallel_loop3A_317 {strides = array<i32>} : memref<96x128xf32, #tpu.memory_space<vmem>>, vector<16xf32>,
          %parallel_loop3A_321 = arith.mulf %parallel_loop3A_292, %parallel_loop3A_274 : vector<16xf32>
          %parallel_loop3A_322 = arith.index_cast %parallel_loop3A_164 : i32 to index
          %parallel_loop3A_323 = arith.constant 112 : index
          %parallel_loop3A_324 = tpu.vector_load %arg16[%parallel_loop3A_322, %parallel_loop3A_323] {strides = array<i32>} : memref<96x128xf32, #tpu.memory_space<vmem>>, vector<16xf32>,
          tpu.vector_store %arg16[%parallel_loop3A_322, %parallel_loop3A_323], %parallel_loop3A_321 {strides = array<i32>} : memref<96x128xf32, #tpu.memory_space<vmem>>, vector<16xf32>,
          %parallel_loop3A_325 = vector.broadcast %parallel_loop3A_164 : i32 to vector<16xi32>
          %parallel_loop3A_326 = tpu.vector_load_idx %arg10[%parallel_loop3A_325] : memref<48xi32, #tpu.memory_space<vmem>>[vector<16xi32>], vector<16xi32>,
          %parallel_loop3A_327 = arith.constant 127 : i32
          %parallel_loop3A_328 = vector.broadcast %parallel_loop3A_327 : i32 to vector<16xi32>
          %parallel_loop3A_329 = arith.andi %parallel_loop3A_326, %parallel_loop3A_328 : vector<16xi32>
          tpu.vector_store_idx %arg17[%parallel_loop3A_325, %parallel_loop3A_329], %parallel_loop3A_292 : memref<48x128xf32, #tpu.memory_space<vmem>>[vector<16xi32>, vector<16xi32>], vector<16xf32>,
        } {sc.loop_unroll_factor = 8 : i64, sc.parallel_access}
        "tpu.region"() ({
          %run_scoped3A = tpu.sem_alloc : memref<!tpu.dma_semaphore, #tpu.memory_space<semaphore_mem>>
          %dma_start3A_164 = arith.constant 0 : i32
          %dma_start3A_165 = arith.constant 0 : i32
          %dma_start3A_166 = tpu.memref_slice %arg16[%dma_start3A_164, %dma_start3A_165] : memref<96x128xf32, #tpu.memory_space<vmem>> -> memref<48x128xf32, #tpu.memory_space<vmem>>
          %dma_start3A_167 = arith.constant 0 : i32
          %dma_start3A_168 = arith.constant 0 : i32
          %dma_start3A_169 = tpu.memref_slice %arg19[%dma_start3A_167, %dma_start3A_168] : memref<10240x128xf32, #tpu.memory_space<vmem_shared>> -> memref<10240x128xf32, #tpu.memory_space<vmem_shared>>
          tpu.enqueue_indirect_dma source(%dma_start3A_166 : memref<48x128xf32, #tpu.memory_space<vmem>>) target(%dma_start3A_169 : memref<10240x128xf32, #tpu.memory_space<vmem_shared>>) offsets(%arg10 : memref<48xi32, #tpu.memory_space<vmem>>) semaphore(%run_scoped3A : memref<!tpu.dma_semaphore, #tpu.memory_space<semaphore_mem>>) {add = true}
          %dma_wait3A_170 = arith.constant 0 : i32
          %dma_wait3A_171 = arith.constant 0 : i32
          %dma_wait3A_172 = tpu.memref_slice %arg16[%dma_wait3A_170, %dma_wait3A_171] : memref<96x128xf32, #tpu.memory_space<vmem>> -> memref<48x128xf32, #tpu.memory_space<vmem>>
          %dma_wait3A_173 = arith.constant 0 : i32
          %dma_wait3A_174 = arith.constant 0 : i32
          %dma_wait3A_175 = tpu.memref_slice %arg19[%dma_wait3A_173, %dma_wait3A_174] : memref<10240x128xf32, #tpu.memory_space<vmem_shared>> -> memref<10240x128xf32, #tpu.memory_space<vmem_shared>>
          tpu.wait_indirect_dma semaphore(%run_scoped3A : memref<!tpu.dma_semaphore, #tpu.memory_space<semaphore_mem>>) src(%dma_wait3A_172 : memref<48x128xf32, #tpu.memory_space<vmem>>) dst(%dma_wait3A_175 : memref<10240x128xf32, #tpu.memory_space<vmem_shared>>)
          tpu.yield
        }) : () -> ()
        "tpu.region"() ({
          %run_scoped3A = tpu.sem_alloc : memref<!tpu.dma_semaphore, #tpu.memory_space<semaphore_mem>>
          %dma_start3A_164 = arith.constant 0 : i32
          %dma_start3A_165 = arith.constant 0 : i32
          %dma_start3A_166 = tpu.memref_slice %arg19[%dma_start3A_164, %dma_start3A_165] : memref<10240x128xf32, #tpu.memory_space<vmem_shared>> -> memref<10240x128xf32, #tpu.memory_space<vmem_shared>>
          tpu.enqueue_indirect_dma source(%arg17 : memref<48x128xf32, #tpu.memory_space<vmem>>) target(%dma_start3A_166 : memref<10240x128xf32, #tpu.memory_space<vmem_shared>>) offsets(%arg12 : memref<48xi32, #tpu.memory_space<vmem>>) semaphore(%run_scoped3A : memref<!tpu.dma_semaphore, #tpu.memory_space<semaphore_mem>>) {add = true}
          %dma_wait3A_167 = arith.constant 0 : i32
          %dma_wait3A_168 = arith.constant 0 : i32
          %dma_wait3A_169 = tpu.memref_slice %arg19[%dma_wait3A_167, %dma_wait3A_168] : memref<10240x128xf32, #tpu.memory_space<vmem_shared>> -> memref<10240x128xf32, #tpu.memory_space<vmem_shared>>
          tpu.wait_indirect_dma semaphore(%run_scoped3A : memref<!tpu.dma_semaphore, #tpu.memory_space<semaphore_mem>>) src(%arg17 : memref<48x128xf32, #tpu.memory_space<vmem>>) dst(%dma_wait3A_169 : memref<10240x128xf32, #tpu.memory_space<vmem_shared>>)
          tpu.yield
        }) : () -> ()
        %parallel_loop3A_143 = arith.constant 0 : i32
        %parallel_loop3A_144 = arith.constant 48 : i32
        %parallel_loop3A_145 = arith.constant 1 : i32
        scf.for %parallel_loop3A_164 = %parallel_loop3A_143 to %parallel_loop3A_144 step %parallel_loop3A_145  : i32 {
          %parallel_loop3A_165 = vector.broadcast %parallel_loop3A_164 : i32 to vector<16xi32>
          %parallel_loop3A_166 = tpu.vector_load_idx %arg10[%parallel_loop3A_165] : memref<48xi32, #tpu.memory_space<vmem>>[vector<16xi32>], vector<16xi32>,
          %parallel_loop3A_167 = arith.constant 127 : i32
          %parallel_loop3A_168 = vector.broadcast %parallel_loop3A_167 : i32 to vector<16xi32>
          %parallel_loop3A_169 = arith.andi %parallel_loop3A_166, %parallel_loop3A_168 : vector<16xi32>
          tpu.vector_store_idx %arg17[%parallel_loop3A_165, %parallel_loop3A_169], %broadcast_in_dim3A_0 : memref<48x128xf32, #tpu.memory_space<vmem>>[vector<16xi32>, vector<16xi32>], vector<16xf32>,
        } {sc.loop_unroll_factor = 4 : i64, sc.parallel_access}
        %add3A_146 = arith.constant 2 : i32
        %add3A_147 = arith.addi %add3A_136, %add3A_146 : i32
        %rem3A_148 = arith.constant 222 : i32
        %rem3A_149 = arith.remsi %add3A_147, %rem3A_148 : i32
        %mul3A_150 = arith.constant 48 : i32
        %mul3A_151 = arith.muli %rem3A_149, %mul3A_150 : i32
        %add3A_152 = arith.addi %add3A_37, %mul3A_151 : i32
        "tpu.region"() ({
          %run_scoped3A = tpu.sem_alloc : memref<!tpu.dma_semaphore, #tpu.memory_space<semaphore_mem>>
          %dma_start3A_164 = tpu.memref_slice %arg3[%add3A_152] : memref<340992xi32, #tpu.memory_space<hbm>> -> memref<48xi32, #tpu.memory_space<hbm>>
          %dma_start3A_165 = tpu.memref_slice %arg3[%add3A_152] : memref<340992xi32, #tpu.memory_space<hbm>> -> memref<48xi32, #tpu.memory_space<hbm>>
          tpu.enqueue_dma source(%dma_start3A_165 : memref<48xi32, #tpu.memory_space<hbm>>) target(%arg8 : memref<48xi32, #tpu.memory_space<vmem>>) target_semaphore(%run_scoped3A : memref<!tpu.dma_semaphore, #tpu.memory_space<semaphore_mem>>)
          %dma_wait3A_166 = tpu.memref_slice %arg3[%add3A_152] : memref<340992xi32, #tpu.memory_space<hbm>> -> memref<48xi32, #tpu.memory_space<hbm>>
          %dma_wait3A_167 = tpu.memref_slice %arg3[%add3A_152] : memref<340992xi32, #tpu.memory_space<hbm>> -> memref<48xi32, #tpu.memory_space<hbm>>
          tpu.wait_dma2 semaphore(%run_scoped3A : memref<!tpu.dma_semaphore, #tpu.memory_space<semaphore_mem>>) src(%dma_wait3A_167 : memref<48xi32, #tpu.memory_space<hbm>>) dst(%arg8 : memref<48xi32, #tpu.memory_space<vmem>>)
          tpu.yield
        }) : () -> ()
        "tpu.region"() ({
          %run_scoped3A = tpu.sem_alloc : memref<!tpu.dma_semaphore, #tpu.memory_space<semaphore_mem>>
          %dma_start3A_164 = tpu.memref_slice %arg4[%add3A_152] : memref<340992xi32, #tpu.memory_space<hbm>> -> memref<48xi32, #tpu.memory_space<hbm>>
          %dma_start3A_165 = tpu.memref_slice %arg4[%add3A_152] : memref<340992xi32, #tpu.memory_space<hbm>> -> memref<48xi32, #tpu.memory_space<hbm>>
          tpu.enqueue_dma source(%dma_start3A_165 : memref<48xi32, #tpu.memory_space<hbm>>) target(%arg10 : memref<48xi32, #tpu.memory_space<vmem>>) target_semaphore(%run_scoped3A : memref<!tpu.dma_semaphore, #tpu.memory_space<semaphore_mem>>)
          %dma_wait3A_166 = tpu.memref_slice %arg4[%add3A_152] : memref<340992xi32, #tpu.memory_space<hbm>> -> memref<48xi32, #tpu.memory_space<hbm>>
          %dma_wait3A_167 = tpu.memref_slice %arg4[%add3A_152] : memref<340992xi32, #tpu.memory_space<hbm>> -> memref<48xi32, #tpu.memory_space<hbm>>
          tpu.wait_dma2 semaphore(%run_scoped3A : memref<!tpu.dma_semaphore, #tpu.memory_space<semaphore_mem>>) src(%dma_wait3A_167 : memref<48xi32, #tpu.memory_space<hbm>>) dst(%arg10 : memref<48xi32, #tpu.memory_space<vmem>>)
          tpu.yield
        }) : () -> ()
        %scan3A_153 = arith.constant 0 : i32
        %scan3A_154 = arith.constant 0 : i32
        %scan3A_155 = arith.constant 3 : i32
        %scan3A_156 = arith.addi %scan3A_154, %scan3A_155 : i32
        %scan3A_157 = arith.constant 1 : i32
        %scan3A_158 = scf.for %scan3A_164 = %scan3A_154 to %scan3A_156 step %scan3A_157 iter_args(%scan3A_165 = %scan3A_153) -> (i32)  : i32 {
          %mul3A_166 = arith.constant 16 : i32
          %mul3A_167 = arith.muli %scan3A_164, %mul3A_166 : i32
          %get3A_168 = arith.index_cast %mul3A_167 : i32 to index
          %get3A_169 = tpu.vector_load %arg8[%get3A_168] {strides = array<i32>} : memref<48xi32, #tpu.memory_space<vmem>>, vector<16xi32>,
          %mul3A_170 = arith.constant 10240 : i32
          %mul3A_171 = arith.muli %add3A, %mul3A_170 : i32
          %add3A_172 = vector.broadcast %mul3A_171 : i32 to vector<16xi32>
          %add3A_173 = arith.addi %get3A_169, %add3A_172 : vector<16xi32>
          %swap3A = arith.index_cast %mul3A_167 : i32 to index
          %swap3A_174 = tpu.vector_load %arg14[%swap3A] {strides = array<i32>} : memref<96xi32, #tpu.memory_space<vmem>>, vector<16xi32>,
          tpu.vector_store %arg14[%swap3A], %add3A_173 {strides = array<i32>} : memref<96xi32, #tpu.memory_space<vmem>>, vector<16xi32>,
          %mul3A_175 = arith.constant 16 : i32
          %mul3A_176 = arith.muli %scan3A_164, %mul3A_175 : i32
          %add3A_177 = arith.constant 48 : i32
          %add3A_178 = arith.addi %add3A_177, %mul3A_176 : i32
          %get3A_179 = arith.index_cast %mul3A_167 : i32 to index
          %get3A_180 = tpu.vector_load %arg10[%get3A_179] {strides = array<i32>} : memref<48xi32, #tpu.memory_space<vmem>>, vector<16xi32>,
          %add3A_181 = arith.constant 8 : i32
          %add3A_182 = arith.addi %add3A_181, %add3A : i32
          %mul3A_183 = arith.constant 10240 : i32
          %mul3A_184 = arith.muli %add3A_182, %mul3A_183 : i32
          %add3A_185 = vector.broadcast %mul3A_184 : i32 to vector<16xi32>
          %add3A_186 = arith.addi %get3A_180, %add3A_185 : vector<16xi32>
          %swap3A_187 = arith.index_cast %add3A_178 : i32 to index
          %swap3A_188 = tpu.vector_load %arg14[%swap3A_187] {strides = array<i32>} : memref<96xi32, #tpu.memory_space<vmem>>, vector<16xi32>,
          tpu.vector_store %arg14[%swap3A_187], %add3A_186 {strides = array<i32>} : memref<96xi32, #tpu.memory_space<vmem>>, vector<16xi32>,
          %shift_right_logical3A = arith.constant 7 : i32
          %shift_right_logical3A_189 = vector.broadcast %shift_right_logical3A : i32 to vector<16xi32>
          %shift_right_logical3A_190 = arith.shrui %get3A_180, %shift_right_logical3A_189 : vector<16xi32>
          %add3A_191 = arith.constant 10112 : i32
          %add3A_192 = vector.broadcast %add3A_191 : i32 to vector<16xi32>
          %add3A_193 = arith.addi %add3A_192, %shift_right_logical3A_190 : vector<16xi32>
          %swap3A_194 = arith.index_cast %mul3A_167 : i32 to index
          %swap3A_195 = tpu.vector_load %arg12[%swap3A_194] {strides = array<i32>} : memref<48xi32, #tpu.memory_space<vmem>>, vector<16xi32>,
          tpu.vector_store %arg12[%swap3A_194], %add3A_193 {strides = array<i32>} : memref<48xi32, #tpu.memory_space<vmem>>, vector<16xi32>,
          %scan3A_196 = arith.constant 0 : i32
          scf.yield %scan3A_196 : i32
        }
        %scan3A_159 = arith.constant 3 : i32
        %dma_start3A_160 = arith.constant 0 : i32
        %dma_start3A_161 = arith.constant 0 : i32
        %dma_start3A_162 = tpu.memref_slice %arg2[%dma_start3A_160, %dma_start3A_161] : memref<163840x128xf32, #tpu.memory_space<hbm>> -> memref<163840x128xf32, #tpu.memory_space<hbm>>
        tpu.enqueue_indirect_dma source(%dma_start3A_162 : memref<163840x128xf32, #tpu.memory_space<hbm>>) target(%arg16 : memref<96x128xf32, #tpu.memory_space<vmem>>) offsets(%arg14 : memref<96xi32, #tpu.memory_space<vmem>>) semaphore(%arg21 : memref<!tpu.dma_semaphore, #tpu.memory_space<semaphore_mem>>)
        %scan3A_163 = arith.constant 0 : i32
        scf.yield %scan3A_163 : i32
      }
      %scan3A_86 = arith.constant 111 : i32
      %dma_wait3A = arith.constant 0 : i32
      %dma_wait3A_87 = arith.constant 0 : i32
      %dma_wait3A_88 = tpu.memref_slice %arg2[%dma_wait3A, %dma_wait3A_87] : memref<163840x128xf32, #tpu.memory_space<hbm>> -> memref<163840x128xf32, #tpu.memory_space<hbm>>
      tpu.wait_indirect_dma semaphore(%arg20 : memref<!tpu.dma_semaphore, #tpu.memory_space<semaphore_mem>>) src(%dma_wait3A_88 : memref<163840x128xf32, #tpu.memory_space<hbm>>) dst(%arg15 : memref<96x128xf32, #tpu.memory_space<vmem>>)
      %dma_wait3A_89 = arith.constant 0 : i32
      %dma_wait3A_90 = arith.constant 0 : i32
      %dma_wait3A_91 = tpu.memref_slice %arg2[%dma_wait3A_89, %dma_wait3A_90] : memref<163840x128xf32, #tpu.memory_space<hbm>> -> memref<163840x128xf32, #tpu.memory_space<hbm>>
      tpu.wait_indirect_dma semaphore(%arg21 : memref<!tpu.dma_semaphore, #tpu.memory_space<semaphore_mem>>) src(%dma_wait3A_91 : memref<163840x128xf32, #tpu.memory_space<hbm>>) dst(%arg16 : memref<96x128xf32, #tpu.memory_space<vmem>>)
      %barrier3A_92 = arith.constant 0 : index
      tpu.barrier barrier_id(%barrier3A_92)
      %mul3A_93 = arith.constant 10240 : i32
      %mul3A_94 = arith.muli %add3A, %mul3A_93 : i32
      %mul3A_95 = arith.constant 640 : i32
      %mul3A_96 = arith.muli %arg1, %mul3A_95 : i32
      %add3A_97 = arith.addi %mul3A_94, %mul3A_96 : i32
      %mul3A_98 = arith.constant 640 : i32
      %mul3A_99 = arith.muli %arg1, %mul3A_98 : i32
      "tpu.region"() ({
        %run_scoped3A = tpu.sem_alloc : memref<!tpu.dma_semaphore, #tpu.memory_space<semaphore_mem>>
        %dma_start3A_102 = arith.constant 0 : i32
        %dma_start3A_103 = tpu.memref_slice %arg7[%add3A_97, %dma_start3A_102] : memref<81920x128xf32, #tpu.memory_space<hbm>> -> memref<640x128xf32, #tpu.memory_space<hbm>>
        %dma_start3A_104 = arith.constant 0 : i32
        %dma_start3A_105 = tpu.memref_slice %arg19[%mul3A_99, %dma_start3A_104] : memref<10240x128xf32, #tpu.memory_space<vmem_shared>> -> memref<640x128xf32, #tpu.memory_space<vmem_shared>>
        tpu.enqueue_dma source(%dma_start3A_105 : memref<640x128xf32, #tpu.memory_space<vmem_shared>>) target(%dma_start3A_103 : memref<640x128xf32, #tpu.memory_space<hbm>>) target_semaphore(%run_scoped3A : memref<!tpu.dma_semaphore, #tpu.memory_space<semaphore_mem>>)
        %dma_wait3A_106 = arith.constant 0 : i32
        %dma_wait3A_107 = tpu.memref_slice %arg7[%add3A_97, %dma_wait3A_106] : memref<81920x128xf32, #tpu.memory_space<hbm>> -> memref<640x128xf32, #tpu.memory_space<hbm>>
        %dma_wait3A_108 = arith.constant 0 : i32
        %dma_wait3A_109 = tpu.memref_slice %arg19[%mul3A_99, %dma_wait3A_108] : memref<10240x128xf32, #tpu.memory_space<vmem_shared>> -> memref<640x128xf32, #tpu.memory_space<vmem_shared>>
        tpu.wait_dma2 semaphore(%run_scoped3A : memref<!tpu.dma_semaphore, #tpu.memory_space<semaphore_mem>>) src(%dma_wait3A_109 : memref<640x128xf32, #tpu.memory_space<vmem_shared>>) dst(%dma_wait3A_107 : memref<640x128xf32, #tpu.memory_space<hbm>>)
        tpu.yield
      }) : () -> ()
      %barrier3A_100 = arith.constant 0 : index
      tpu.barrier barrier_id(%barrier3A_100)
      %scan3A_101 = arith.constant 0 : i32
      scf.yield %scan3A_101 : i32
    }
    %scan3A_13 = arith.constant 4 : i32
    return
  }
}

module attributes {stable_mosaic.version = 14 : i64} {
  func.func @_pre_body(%arg0: i32, %arg1: i32, %arg2: memref<1280x128xf32, #tpu.memory_space<vmem>>, %arg3: memref<1x128x128xf32, #tpu.memory_space<vmem>>, %arg4: memref<1x1x128xf32, #tpu.memory_space<vmem>>, %arg5: memref<1x1280x128xf32, #tpu.memory_space<vmem>>) attributes {dimension_semantics = [#tpu.dimension_semantics<arbitrary>, #tpu.dimension_semantics<arbitrary>], iteration_bounds = array<i64: 16, 8>, scalar_prefetch = 0 : i64, scratch_operands = 0 : i64, tpu.core_type = #tpu.core_type<tc>, window_params = [{transform_indices = @transform_0, window_bounds = array<i64: 1280, 128>}, {transform_indices = @transform_1, window_bounds = array<i64: 1, 128, 128>}, {transform_indices = @transform_2, window_bounds = array<i64: 1, 1, 128>}, {transform_indices = @transform_3, window_bounds = array<i64: 1, 1280, 128>}]} {
    %get3A = arith.constant 0 : index
    %get3A_0 = arith.constant 0 : index
    %get3A_1 = vector.load %arg2[%get3A, %get3A_0] : memref<1280x128xf32, #tpu.memory_space<vmem>>, vector<1280x128xf32>
    %get3A_2 = arith.constant 0 : index
    %get3A_3 = arith.constant 0 : index
    %get3A_4 = arith.constant 0 : index
    %get3A_5 = vector.load %arg3[%get3A_2, %get3A_3, %get3A_4] : memref<1x128x128xf32, #tpu.memory_space<vmem>>, vector<1x128x128xf32>
    %get3A_6 = vector.shape_cast %get3A_5 : vector<1x128x128xf32> to vector<128x128xf32>
    %dot_general3A = arith.constant dense<0.000000e+00> : vector<1280x128xf32>
    %dot_general3A_7 = tpu.matmul %get3A_1, %get3A_6, %dot_general3A {dimension_numbers = #tpu.dot_dimension_numbers<[1], [0], [0], [1], [0, 0, 1, 1], [], []>, transpose_lhs_hint = false} : vector<1280x128xf32>, vector<128x128xf32>, vector<1280x128xf32> -> vector<1280x128xf32>
    %get3A_8 = arith.constant 0 : index
    %get3A_9 = arith.constant 0 : index
    %get3A_10 = arith.constant 0 : index
    %get3A_11 = vector.load %arg4[%get3A_8, %get3A_9, %get3A_10] : memref<1x1x128xf32, #tpu.memory_space<vmem>>, vector<1x1x128xf32>
    %get3A_12 = vector.shape_cast %get3A_11 : vector<1x1x128xf32> to vector<1x128xf32>
    %add3A = vector.broadcast %get3A_12 : vector<1x128xf32> to vector<1280x128xf32>
    %add3A_13 = arith.addf %dot_general3A_7, %add3A : vector<1280x128xf32>
    %swap3A = arith.constant 0 : index
    %swap3A_14 = arith.constant 0 : index
    %swap3A_15 = arith.constant 0 : index
    %swap3A_16 = vector.load %arg5[%swap3A, %swap3A_14, %swap3A_15] : memref<1x1280x128xf32, #tpu.memory_space<vmem>>, vector<1x1280x128xf32>
    %swap3A_17 = vector.shape_cast %swap3A_16 : vector<1x1280x128xf32> to vector<1280x128xf32>
    %swap3A_18 = vector.shape_cast %add3A_13 : vector<1280x128xf32> to vector<1x1280x128xf32>
    tpu.vector_store %arg5[%swap3A, %swap3A_14, %swap3A_15], %swap3A_18 {strides = array<i32>} : memref<1x1280x128xf32, #tpu.memory_space<vmem>>, vector<1x1280x128xf32>,
    return
  }
  func.func @transform_0(%arg0: i32, %arg1: i32) -> (i32, i32) {
    %c0_i32 = arith.constant 0 : i32
    %c0_i32_0 = arith.constant 0 : i32
    return %arg1, %c0_i32 : i32, i32
  }
  func.func @transform_1(%arg0: i32, %arg1: i32) -> (i32, i32, i32) {
    %c0_i32 = arith.constant 0 : i32
    %c0_i32_0 = arith.constant 0 : i32
    %c0_i32_1 = arith.constant 0 : i32
    return %arg0, %c0_i32, %c0_i32_0 : i32, i32, i32
  }
  func.func @transform_2(%arg0: i32, %arg1: i32) -> (i32, i32, i32) {
    %c0_i32 = arith.constant 0 : i32
    %c0_i32_0 = arith.constant 0 : i32
    %c0_i32_1 = arith.constant 0 : i32
    return %arg0, %c0_i32, %c0_i32_0 : i32, i32, i32
  }
  func.func @transform_3(%arg0: i32, %arg1: i32) -> (i32, i32, i32) {
    %c0_i32 = arith.constant 0 : i32
    %c0_i32_0 = arith.constant 0 : i32
    return %arg0, %arg1, %c0_i32 : i32, i32, i32
  }
}

module attributes {stable_mosaic.version = 14 : i64} {
  func.func @_post_body(%arg0: i32, %arg1: memref<8x400x128xf32, #tpu.memory_space<vmem>>, %arg2: memref<400x8xf32, #tpu.memory_space<vmem>>, %arg3: memref<400x128xf32, #tpu.memory_space<vmem>>, %arg4: memref<2x128xf32, #tpu.memory_space<vmem>>, %arg5: memref<128x128xf32, #tpu.memory_space<vmem>>, %arg6: memref<128xf32, #tpu.memory_space<vmem>>, %arg7: memref<128xf32, #tpu.memory_space<vmem>>, %arg8: memref<128xf32, #tpu.memory_space<vmem>>, %arg9: memref<128xf32, #tpu.memory_space<vmem>>, %arg10: memref<400x128xf32, #tpu.memory_space<vmem>>) attributes {dimension_semantics = [#tpu.dimension_semantics<arbitrary>], iteration_bounds = array<i64: 25>, scalar_prefetch = 0 : i64, scratch_operands = 0 : i64, tpu.core_type = #tpu.core_type<tc>, window_params = [{transform_indices = @transform_0, window_bounds = array<i64: 8, 400, 128>}, {transform_indices = @transform_1, window_bounds = array<i64: 400, 8>}, {transform_indices = @transform_2, window_bounds = array<i64: 400, 128>}, {pipeline_mode = #tpu.pipeline_mode<synchronous>, transform_indices = @transform_3, window_bounds = array<i64: 2, 128>}, {pipeline_mode = #tpu.pipeline_mode<synchronous>, transform_indices = @transform_4, window_bounds = array<i64: 128, 128>}, {pipeline_mode = #tpu.pipeline_mode<synchronous>, transform_indices = @transform_5, window_bounds = array<i64: 128>}, {pipeline_mode = #tpu.pipeline_mode<synchronous>, transform_indices = @transform_6, window_bounds = array<i64: 128>}, {pipeline_mode = #tpu.pipeline_mode<synchronous>, transform_indices = @transform_7, window_bounds = array<i64: 128>}, {pipeline_mode = #tpu.pipeline_mode<synchronous>, transform_indices = @transform_8, window_bounds = array<i64: 128>}, {transform_indices = @transform_9, window_bounds = array<i64: 400, 128>}]} {
    %get3A = arith.constant 0 : index
    %get3A_0 = arith.constant 0 : index
    %get3A_1 = arith.constant 0 : index
    %get3A_2 = vector.load %arg1[%get3A, %get3A_0, %get3A_1] : memref<8x400x128xf32, #tpu.memory_space<vmem>>, vector<8x400x128xf32>
    %get3A_3 = arith.constant 0 : index
    %get3A_4 = arith.constant 0 : index
    %get3A_5 = vector.load %arg2[%get3A_3, %get3A_4] : memref<400x8xf32, #tpu.memory_space<vmem>>, vector<400x8xf32>
    %slice3A = vector.extract_strided_slice %get3A_2 {offsets = [0, 0, 0], sizes = [1, 400, 128], strides = [1, 1, 1]} : vector<8x400x128xf32> to vector<1x400x128xf32>
    %squeeze3A = vector.shape_cast %slice3A : vector<1x400x128xf32> to vector<400x128xf32>
    %slice3A_6 = vector.extract_strided_slice %get3A_5 {offsets = [0, 0], sizes = [400, 1], strides = [1, 1]} : vector<400x8xf32> to vector<400x1xf32>
    %div3A = vector.broadcast %slice3A_6 : vector<400x1xf32> to vector<400x128xf32>
    %div3A_7 = arith.divf %squeeze3A, %div3A : vector<400x128xf32>
    %slice3A_8 = vector.extract_strided_slice %get3A_2 {offsets = [1, 0, 0], sizes = [1, 400, 128], strides = [1, 1, 1]} : vector<8x400x128xf32> to vector<1x400x128xf32>
    %squeeze3A_9 = vector.shape_cast %slice3A_8 : vector<1x400x128xf32> to vector<400x128xf32>
    %slice3A_10 = vector.extract_strided_slice %get3A_5 {offsets = [0, 1], sizes = [400, 1], strides = [1, 1]} : vector<400x8xf32> to vector<400x1xf32>
    %div3A_11 = vector.broadcast %slice3A_10 : vector<400x1xf32> to vector<400x128xf32>
    %div3A_12 = arith.divf %squeeze3A_9, %div3A_11 : vector<400x128xf32>
    %slice3A_13 = vector.extract_strided_slice %get3A_2 {offsets = [2, 0, 0], sizes = [1, 400, 128], strides = [1, 1, 1]} : vector<8x400x128xf32> to vector<1x400x128xf32>
    %squeeze3A_14 = vector.shape_cast %slice3A_13 : vector<1x400x128xf32> to vector<400x128xf32>
    %slice3A_15 = vector.extract_strided_slice %get3A_5 {offsets = [0, 2], sizes = [400, 1], strides = [1, 1]} : vector<400x8xf32> to vector<400x1xf32>
    %div3A_16 = vector.broadcast %slice3A_15 : vector<400x1xf32> to vector<400x128xf32>
    %div3A_17 = arith.divf %squeeze3A_14, %div3A_16 : vector<400x128xf32>
    %slice3A_18 = vector.extract_strided_slice %get3A_2 {offsets = [3, 0, 0], sizes = [1, 400, 128], strides = [1, 1, 1]} : vector<8x400x128xf32> to vector<1x400x128xf32>
    %squeeze3A_19 = vector.shape_cast %slice3A_18 : vector<1x400x128xf32> to vector<400x128xf32>
    %slice3A_20 = vector.extract_strided_slice %get3A_5 {offsets = [0, 3], sizes = [400, 1], strides = [1, 1]} : vector<400x8xf32> to vector<400x1xf32>
    %div3A_21 = vector.broadcast %slice3A_20 : vector<400x1xf32> to vector<400x128xf32>
    %div3A_22 = arith.divf %squeeze3A_19, %div3A_21 : vector<400x128xf32>
    %slice3A_23 = vector.extract_strided_slice %get3A_2 {offsets = [4, 0, 0], sizes = [1, 400, 128], strides = [1, 1, 1]} : vector<8x400x128xf32> to vector<1x400x128xf32>
    %squeeze3A_24 = vector.shape_cast %slice3A_23 : vector<1x400x128xf32> to vector<400x128xf32>
    %slice3A_25 = vector.extract_strided_slice %get3A_5 {offsets = [0, 4], sizes = [400, 1], strides = [1, 1]} : vector<400x8xf32> to vector<400x1xf32>
    %div3A_26 = vector.broadcast %slice3A_25 : vector<400x1xf32> to vector<400x128xf32>
    %div3A_27 = arith.divf %squeeze3A_24, %div3A_26 : vector<400x128xf32>
    %slice3A_28 = vector.extract_strided_slice %get3A_2 {offsets = [5, 0, 0], sizes = [1, 400, 128], strides = [1, 1, 1]} : vector<8x400x128xf32> to vector<1x400x128xf32>
    %squeeze3A_29 = vector.shape_cast %slice3A_28 : vector<1x400x128xf32> to vector<400x128xf32>
    %slice3A_30 = vector.extract_strided_slice %get3A_5 {offsets = [0, 5], sizes = [400, 1], strides = [1, 1]} : vector<400x8xf32> to vector<400x1xf32>
    %div3A_31 = vector.broadcast %slice3A_30 : vector<400x1xf32> to vector<400x128xf32>
    %div3A_32 = arith.divf %squeeze3A_29, %div3A_31 : vector<400x128xf32>
    %slice3A_33 = vector.extract_strided_slice %get3A_2 {offsets = [6, 0, 0], sizes = [1, 400, 128], strides = [1, 1, 1]} : vector<8x400x128xf32> to vector<1x400x128xf32>
    %squeeze3A_34 = vector.shape_cast %slice3A_33 : vector<1x400x128xf32> to vector<400x128xf32>
    %slice3A_35 = vector.extract_strided_slice %get3A_5 {offsets = [0, 6], sizes = [400, 1], strides = [1, 1]} : vector<400x8xf32> to vector<400x1xf32>
    %div3A_36 = vector.broadcast %slice3A_35 : vector<400x1xf32> to vector<400x128xf32>
    %div3A_37 = arith.divf %squeeze3A_34, %div3A_36 : vector<400x128xf32>
    %slice3A_38 = vector.extract_strided_slice %get3A_2 {offsets = [7, 0, 0], sizes = [1, 400, 128], strides = [1, 1, 1]} : vector<8x400x128xf32> to vector<1x400x128xf32>
    %squeeze3A_39 = vector.shape_cast %slice3A_38 : vector<1x400x128xf32> to vector<400x128xf32>
    %slice3A_40 = vector.extract_strided_slice %get3A_5 {offsets = [0, 7], sizes = [400, 1], strides = [1, 1]} : vector<400x8xf32> to vector<400x1xf32>
    %div3A_41 = vector.broadcast %slice3A_40 : vector<400x1xf32> to vector<400x128xf32>
    %div3A_42 = arith.divf %squeeze3A_39, %div3A_41 : vector<400x128xf32>
    %add3A = arith.addf %div3A_7, %div3A_12 : vector<400x128xf32>
    %add3A_43 = arith.addf %add3A, %div3A_17 : vector<400x128xf32>
    %add3A_44 = arith.addf %add3A_43, %div3A_22 : vector<400x128xf32>
    %mul3A = arith.constant 2.500000e-01 : f32
    %mul3A_45 = vector.broadcast %mul3A : f32 to vector<400x128xf32>
    %mul3A_46 = arith.mulf %add3A_44, %mul3A_45 : vector<400x128xf32>
    %get3A_47 = arith.constant 0 : index
    %get3A_48 = arith.constant 0 : index
    %get3A_49 = vector.load %arg4[%get3A_47, %get3A_48] : memref<2x128xf32, #tpu.memory_space<vmem>>, vector<1x128xf32>
    %get3A_50 = vector.shape_cast %get3A_49 : vector<1x128xf32> to vector<128xf32>
    %broadcast_in_dim3A = vector.shape_cast %get3A_50 : vector<128xf32> to vector<1x128xf32>
    %add3A_51 = vector.broadcast %broadcast_in_dim3A : vector<1x128xf32> to vector<400x128xf32>
    %add3A_52 = arith.addf %mul3A_46, %add3A_51 : vector<400x128xf32>
    %add3A_53 = arith.addf %div3A_27, %div3A_32 : vector<400x128xf32>
    %add3A_54 = arith.addf %add3A_53, %div3A_37 : vector<400x128xf32>
    %add3A_55 = arith.addf %add3A_54, %div3A_42 : vector<400x128xf32>
    %mul3A_56 = arith.constant 2.500000e-01 : f32
    %mul3A_57 = vector.broadcast %mul3A_56 : f32 to vector<400x128xf32>
    %mul3A_58 = arith.mulf %add3A_55, %mul3A_57 : vector<400x128xf32>
    %get3A_59 = arith.constant 1 : index
    %get3A_60 = arith.constant 0 : index
    %get3A_61 = vector.load %arg4[%get3A_59, %get3A_60] : memref<2x128xf32, #tpu.memory_space<vmem>>, vector<1x128xf32>
    %get3A_62 = vector.shape_cast %get3A_61 : vector<1x128xf32> to vector<128xf32>
    %broadcast_in_dim3A_63 = vector.shape_cast %get3A_62 : vector<128xf32> to vector<1x128xf32>
    %add3A_64 = vector.broadcast %broadcast_in_dim3A_63 : vector<1x128xf32> to vector<400x128xf32>
    %add3A_65 = arith.addf %mul3A_58, %add3A_64 : vector<400x128xf32>
    %get3A_66 = arith.constant 0 : index
    %get3A_67 = arith.constant 0 : index
    %get3A_68 = vector.load %arg5[%get3A_66, %get3A_67] : memref<128x128xf32, #tpu.memory_space<vmem>>, vector<128x128xf32>
    %get3A_69 = arith.constant 0 : index
    %get3A_70 = vector.load %arg6[%get3A_69] : memref<128xf32, #tpu.memory_space<vmem>>, vector<128xf32>
    %broadcast_in_dim3A_71 = vector.shape_cast %get3A_70 : vector<128xf32> to vector<1x128xf32>
    %get3A_72 = arith.constant 0 : index
    %get3A_73 = vector.load %arg7[%get3A_72] : memref<128xf32, #tpu.memory_space<vmem>>, vector<128xf32>
    %broadcast_in_dim3A_74 = vector.shape_cast %get3A_73 : vector<128xf32> to vector<1x128xf32>
    %dot_general3A = arith.constant dense<0.000000e+00> : vector<400x128xf32>
    %dot_general3A_75 = tpu.matmul %add3A_52, %get3A_68, %dot_general3A {dimension_numbers = #tpu.dot_dimension_numbers<[1], [0], [0], [1], [0, 0, 1, 1], [], []>, transpose_lhs_hint = false} : vector<400x128xf32>, vector<128x128xf32>, vector<400x128xf32> -> vector<400x128xf32>
    %add3A_76 = vector.broadcast %broadcast_in_dim3A_71 : vector<1x128xf32> to vector<400x128xf32>
    %add3A_77 = arith.addf %dot_general3A_75, %add3A_76 : vector<400x128xf32>
    %tanh3A = math.tanh %add3A_77 : vector<400x128xf32>
    %dot_general3A_78 = arith.constant dense<0.000000e+00> : vector<400x128xf32>
    %dot_general3A_79 = tpu.matmul %add3A_65, %get3A_68, %dot_general3A_78 {dimension_numbers = #tpu.dot_dimension_numbers<[1], [0], [0], [1], [0, 0, 1, 1], [], []>, transpose_lhs_hint = false} : vector<400x128xf32>, vector<128x128xf32>, vector<400x128xf32> -> vector<400x128xf32>
    %add3A_80 = vector.broadcast %broadcast_in_dim3A_71 : vector<1x128xf32> to vector<400x128xf32>
    %add3A_81 = arith.addf %dot_general3A_79, %add3A_80 : vector<400x128xf32>
    %tanh3A_82 = math.tanh %add3A_81 : vector<400x128xf32>
    %mul3A_83 = vector.broadcast %broadcast_in_dim3A_74 : vector<1x128xf32> to vector<400x128xf32>
    %mul3A_84 = arith.mulf %tanh3A, %mul3A_83 : vector<400x128xf32>
    %reduce_sum3A = arith.constant dense<0.000000e+00> : vector<400xf32>
    %reduce_sum3A_85 = vector.multi_reduction <add>, %mul3A_84, %reduce_sum3A [1] : vector<400x128xf32> to vector<400xf32>
    %broadcast_in_dim3A_86 = vector.shape_cast %reduce_sum3A_85 : vector<400xf32> to vector<400x1xf32>
    %mul3A_87 = vector.broadcast %broadcast_in_dim3A_74 : vector<1x128xf32> to vector<400x128xf32>
    %mul3A_88 = arith.mulf %tanh3A_82, %mul3A_87 : vector<400x128xf32>
    %reduce_sum3A_89 = arith.constant dense<0.000000e+00> : vector<400xf32>
    %reduce_sum3A_90 = vector.multi_reduction <add>, %mul3A_88, %reduce_sum3A_89 [1] : vector<400x128xf32> to vector<400xf32>
    %broadcast_in_dim3A_91 = vector.shape_cast %reduce_sum3A_90 : vector<400xf32> to vector<400x1xf32>
    %max3A = arith.maximumf %broadcast_in_dim3A_86, %broadcast_in_dim3A_91 : vector<400x1xf32>
    %sub3A = arith.subf %broadcast_in_dim3A_86, %max3A : vector<400x1xf32>
    %exp3A = math.exp %sub3A : vector<400x1xf32>
    %sub3A_92 = arith.subf %broadcast_in_dim3A_91, %max3A : vector<400x1xf32>
    %exp3A_93 = math.exp %sub3A_92 : vector<400x1xf32>
    %add3A_94 = arith.addf %exp3A, %exp3A_93 : vector<400x1xf32>
    %div3A_95 = arith.constant 1.000000e+00 : f32
    %div3A_96 = vector.broadcast %div3A_95 : f32 to vector<400x1xf32>
    %div3A_97 = arith.divf %div3A_96, %add3A_94 : vector<400x1xf32>
    %mul3A_98 = arith.mulf %exp3A, %div3A_97 : vector<400x1xf32>
    %mul3A_99 = vector.broadcast %mul3A_98 : vector<400x1xf32> to vector<400x128xf32>
    %mul3A_100 = arith.mulf %mul3A_99, %add3A_52 : vector<400x128xf32>
    %mul3A_101 = arith.mulf %exp3A_93, %div3A_97 : vector<400x1xf32>
    %mul3A_102 = vector.broadcast %mul3A_101 : vector<400x1xf32> to vector<400x128xf32>
    %mul3A_103 = arith.mulf %mul3A_102, %add3A_65 : vector<400x128xf32>
    %add3A_104 = arith.addf %mul3A_100, %mul3A_103 : vector<400x128xf32>
    %get3A_105 = arith.constant 0 : index
    %get3A_106 = arith.constant 0 : index
    %get3A_107 = vector.load %arg3[%get3A_105, %get3A_106] : memref<400x128xf32, #tpu.memory_space<vmem>>, vector<400x128xf32>
    %add3A_108 = arith.addf %get3A_107, %add3A_104 : vector<400x128xf32>
    %reduce_sum3A_109 = arith.constant dense<0.000000e+00> : vector<400xf32>
    %reduce_sum3A_110 = vector.multi_reduction <add>, %add3A_108, %reduce_sum3A_109 [1] : vector<400x128xf32> to vector<400xf32>
    %broadcast_in_dim3A_111 = vector.shape_cast %reduce_sum3A_110 : vector<400xf32> to vector<400x1xf32>
    %div3A_112 = arith.constant 1.280000e+02 : f32
    %div3A_113 = vector.broadcast %div3A_112 : f32 to vector<400x1xf32>
    %div3A_114 = arith.divf %broadcast_in_dim3A_111, %div3A_113 : vector<400x1xf32>
    %sub3A_115 = vector.broadcast %div3A_114 : vector<400x1xf32> to vector<400x128xf32>
    %sub3A_116 = arith.subf %add3A_108, %sub3A_115 : vector<400x128xf32>
    %mul3A_117 = arith.mulf %sub3A_116, %sub3A_116 : vector<400x128xf32>
    %reduce_sum3A_118 = arith.constant dense<0.000000e+00> : vector<400xf32>
    %reduce_sum3A_119 = vector.multi_reduction <add>, %mul3A_117, %reduce_sum3A_118 [1] : vector<400x128xf32> to vector<400xf32>
    %broadcast_in_dim3A_120 = vector.shape_cast %reduce_sum3A_119 : vector<400xf32> to vector<400x1xf32>
    %div3A_121 = arith.constant 1.280000e+02 : f32
    %div3A_122 = vector.broadcast %div3A_121 : f32 to vector<400x1xf32>
    %div3A_123 = arith.divf %broadcast_in_dim3A_120, %div3A_122 : vector<400x1xf32>
    %add3A_124 = arith.constant 9.99999974E-6 : f32
    %add3A_125 = vector.broadcast %add3A_124 : f32 to vector<400x1xf32>
    %add3A_126 = arith.addf %div3A_123, %add3A_125 : vector<400x1xf32>
    %rsqrt3A = math.rsqrt %add3A_126 : vector<400x1xf32>
    %mul3A_127 = vector.broadcast %rsqrt3A : vector<400x1xf32> to vector<400x128xf32>
    %mul3A_128 = arith.mulf %sub3A_116, %mul3A_127 : vector<400x128xf32>
    %get3A_129 = arith.constant 0 : index
    %get3A_130 = vector.load %arg8[%get3A_129] : memref<128xf32, #tpu.memory_space<vmem>>, vector<128xf32>
    %broadcast_in_dim3A_131 = vector.shape_cast %get3A_130 : vector<128xf32> to vector<1x128xf32>
    %mul3A_132 = vector.broadcast %broadcast_in_dim3A_131 : vector<1x128xf32> to vector<400x128xf32>
    %mul3A_133 = arith.mulf %mul3A_128, %mul3A_132 : vector<400x128xf32>
    %get3A_134 = arith.constant 0 : index
    %get3A_135 = vector.load %arg9[%get3A_134] : memref<128xf32, #tpu.memory_space<vmem>>, vector<128xf32>
    %broadcast_in_dim3A_136 = vector.shape_cast %get3A_135 : vector<128xf32> to vector<1x128xf32>
    %add3A_137 = vector.broadcast %broadcast_in_dim3A_136 : vector<1x128xf32> to vector<400x128xf32>
    %add3A_138 = arith.addf %mul3A_133, %add3A_137 : vector<400x128xf32>
    %max3A_139 = arith.constant 0.000000e+00 : f32
    %max3A_140 = vector.broadcast %max3A_139 : f32 to vector<400x128xf32>
    %max3A_141 = arith.maximumf %add3A_138, %max3A_140 : vector<400x128xf32>
    %swap3A = arith.constant 0 : index
    %swap3A_142 = arith.constant 0 : index
    %swap3A_143 = vector.load %arg10[%swap3A, %swap3A_142] : memref<400x128xf32, #tpu.memory_space<vmem>>, vector<400x128xf32>
    tpu.vector_store %arg10[%swap3A, %swap3A_142], %max3A_141 {strides = array<i32>} : memref<400x128xf32, #tpu.memory_space<vmem>>, vector<400x128xf32>,
    return
  }
  func.func @transform_0(%arg0: i32) -> (i32, i32, i32) {
    %c0_i32 = arith.constant 0 : i32
    %c0_i32_0 = arith.constant 0 : i32
    %c0_i32_1 = arith.constant 0 : i32
    return %c0_i32, %arg0, %c0_i32_0 : i32, i32, i32
  }
  func.func @transform_1(%arg0: i32) -> (i32, i32) {
    %c0_i32 = arith.constant 0 : i32
    %c0_i32_0 = arith.constant 0 : i32
    return %arg0, %c0_i32 : i32, i32
  }
  func.func @transform_2(%arg0: i32) -> (i32, i32) {
    %c0_i32 = arith.constant 0 : i32
    %c0_i32_0 = arith.constant 0 : i32
    return %arg0, %c0_i32 : i32, i32
  }
  func.func @transform_3(%arg0: i32) -> (i32, i32) {
    %c0_i32 = arith.constant 0 : i32
    %c0_i32_0 = arith.constant 0 : i32
    %c0_i32_1 = arith.constant 0 : i32
    return %c0_i32, %c0_i32_0 : i32, i32
  }
  func.func @transform_4(%arg0: i32) -> (i32, i32) {
    %c0_i32 = arith.constant 0 : i32
    %c0_i32_0 = arith.constant 0 : i32
    %c0_i32_1 = arith.constant 0 : i32
    return %c0_i32, %c0_i32_0 : i32, i32
  }
  func.func @transform_5(%arg0: i32) -> i32 {
    %c0_i32 = arith.constant 0 : i32
    %c0_i32_0 = arith.constant 0 : i32
    return %c0_i32 : i32
  }
  func.func @transform_6(%arg0: i32) -> i32 {
    %c0_i32 = arith.constant 0 : i32
    %c0_i32_0 = arith.constant 0 : i32
    return %c0_i32 : i32
  }
  func.func @transform_7(%arg0: i32) -> i32 {
    %c0_i32 = arith.constant 0 : i32
    %c0_i32_0 = arith.constant 0 : i32
    return %c0_i32 : i32
  }
  func.func @transform_8(%arg0: i32) -> i32 {
    %c0_i32 = arith.constant 0 : i32
    %c0_i32_0 = arith.constant 0 : i32
    return %c0_i32 : i32
  }
  func.func @transform_9(%arg0: i32) -> (i32, i32) {
    %c0_i32 = arith.constant 0 : i32
    %c0_i32_0 = arith.constant 0 : i32
    return %arg0, %c0_i32 : i32, i32
  }
}

</mosaic_0001>

<sc_bundles>
// kernel: kernel.5.cloned.1.call-start
scs
__scs_entry_jumppad:
0x0: {  	(pc) =	sbr.rel $0x88, $3  }
0x1: {  	(tag) =	ssettag $0x0;
	lr =	simm.s32 $0x1  }
0x2: {  	[smem:$0x3F8D] =	sst lr;
	_ =	strace $0xD0000000  }
0x3: {  	_ = 	snop  }
0x4: {  	_ = 	snop  }
0x5: {  	_ = 	snop  }
0x6: {  	_ = 	snop  }
0x7: {  	_ = 	snop  }
__scs_overlays_trampoline_lowered:
0x8: {  	[smem:$0x3F9C] =	sst s0  }
0x9: {  	[smem:$0x3F9D] =	sst s1  }
0xa: {  	[smem:$0x3F9E] =	sst s2  }
0xb: {  	[smem:$0x3F9F] =	sst s3  }
0xc: {  	[smem:$0x3FA0] =	sst s4  }
0xd: {  	[smem:$0x3FA1] =	sst s5  }
0xe: {  	[smem:$0x3FA2] =	sst s6  }
0xf: {  	[smem:$0x3FA3] =	sst s7  }
0x10: {  	[smem:$0x3FA4] =	sst s8  }
0x11: {  	[smem:$0x3FA5] =	sst s9;
	s0 =	simm.s32 @!p0 $0x0  }
0x12: {  	s1 =	sld [smem:$0x3F8B];
	s0 =	simm.s32 @p0 $0x1  }
0x13: {  	[smem:$0x3FA6] =	sst s0;
	s0 =	simm.s32 @!p1 $0x0  }
0x14: {  	s2 =	sld [smem:$0x3F8A];
	s0 =	simm.s32 @p1 $0x1  }
0x15: {  	[smem:$0x3FA7] =	sst s0;
	s0 =	simm.s32 @!p2 $0x0  }
0x16: {  	s3 =	sld [smem:$0x3FDB];
	s0 =	simm.s32 @p2 $0x1  }
0x17: {  	s4 =	simm.s32 $0x1BF5;
	[smem:$0x3FA9] =	sst s0  }
0x18: {  	s0 =	sld [smem:$0x3F8C];
	_ =	swait.ge [sflag:s4], $0x0  }
0x19: {  	s7 =	sld [smem:$0x3F8D]  }
0x1a: {  	s8 =	sadd.s32 $0xFFFFE003, lr  }
0x1b: {  	s9 =	sadd.s32 $0xFFFFFEF7, lr;
	s5 =	simm.s32 $0xFFFFFFFF;
	p2 =	slt.u32 s8, $0xFFFFF086  }
0x1c: {  	p1 =	slt.u32 s9, $0xF7A;
	s5 =	simm.s32 @!p2 $0x0  }
0x1d: {  	s5 =	simm.s32 @p1 $0x1;
	p0 =	seq.s32 s7, s2  }
0x1e: {  	s7 =	smul.u32 @!p0 $0xF7A, s2;
	p2 =	seq.s32 @!p0 s5, $0x0  }
0x1f: {  	s9 =	smul.u32 $0xF7A, s1;
	s8 =	simm.s32 @!p0 $0x1BF5;
	p2 =	por !p2, p0  }
0x20: {  	[sflag:s8] =	ssyncset.s32 @!p0 $0xFFFFF086;
	s6 =	sadd.s32 @!p0 s3, s7;
	s7 =	simm.s32 @!p0 $0x108  }
0x21: {  	s3 =	sadd.s32 s3, s9;
	s6 =	sadd.s32 @!p0 $0x88, s6;
	s7 =	simm.s32 @p2 $0x1082  }
0x22: {  	[simem:s7], [sflag:s8] =	dma.local @!p0 [hbm:s6], $0xF7A  }
0x23: {  	s9 =	sor.u32 $0xD0000000, s2;
	s6 =	simm.s32 $0x108;
	_ =	swait.ge @!p0 [sflag:s8], $0x0  }
0x24: {  	s3 =	sadd.s32 $0x88, s3;
	s6 =	simm.s32 @!p1 $0x1082;
	[sflag:s4] =	ssyncset.s32 $0xFFFFF086  }
0x25: {  	[simem:s6], [sflag:s4] =	dma.local [hbm:s3], $0xF7A  }
0x26: {  	[smem:$0x3F8D] =	sst s1;
	(tag) =	ssettag s2;
	_ =	strace s9  }
0x27: {  	s1 =	sld [smem:$0x3F9D]  }
0x28: {  	s2 =	sld [smem:$0x3F9E]  }
0x29: {  	s4 =	sld [smem:$0x3FA0]  }
0x2a: {  	p0 =	seq.s32 s5, $0x0;
	s5 =	sld [smem:$0x3FA1]  }
0x2b: {  	s6 =	sld [smem:$0x3FA2]  }
0x2c: {  	s7 =	sld [smem:$0x3FA3]  }
0x2d: {  	s3 =	simm.s32 $0x108;
	s8 =	sld [smem:$0x3FA4]  }
0x2e: {  	s3 =	simm.s32 @!p0 $0x1082;
	s9 =	sld [smem:$0x3FA5]  }
0x2f: {  	lr =	sadd.s32 s0, s3;
	s0 =	sld [smem:$0x3F9C]  }
0x30: {  	s3 =	sld [smem:$0x3F9F]  }
0x31: {  	[smem:$0x3FA8] =	sst s10  }
0x32: {  	s10 =	sld [smem:$0x3FA6];
	_ =	sdelay $0x3  }
0x33: {  	p0 =	seq.s32 s10, $0x1;
	s10 =	sld [smem:$0x3FA8];
	_ =	sdelay $0x3  }
0x34: {  	[smem:$0x3FA8] =	sst s10  }
0x35: {  	s10 =	sld [smem:$0x3FA7];
	_ =	sdelay $0x3  }
0x36: {  	p1 =	seq.s32 s10, $0x1;
	s10 =	sld [smem:$0x3FA8];
	_ =	sdelay $0x3  }
0x37: {  	[smem:$0x3FA8] =	sst s10  }
0x38: {  	s10 =	sld [smem:$0x3FA9]  }
0x39: {  	_ = 	snop;
	(pc) =	sbr.ind lr, $3  }
0x3a: {  	_ = 	snop  }
0x3b: {  	_ = 	snop  }
0x3c: {  	p2 =	seq.s32 s10, $0x1;
	s10 =	sld [smem:$0x3FA8]  }
0x3d: {  	_ =	shalt  }
0x3e: {  	_ =	shalt  }
0x3f: {  	_ =	shalt  }
0x40: {  	_ =	shalt  }
0x41: {  	_ =	shalt  }
0x42: {  	_ =	shalt  }
0x43: {  	_ =	shalt  }
0x44: {  	_ =	shalt  }
0x45: {  	_ =	shalt  }
0x46: {  	_ =	shalt  }
0x47: {  	_ =	shalt  }
0x48: {  	_ =	shalt  }
0x49: {  	_ =	shalt  }
0x4a: {  	_ =	shalt  }
0x4b: {  	_ =	shalt  }
0x4c: {  	_ =	shalt  }
0x4d: {  	_ =	shalt  }
0x4e: {  	_ =	shalt  }
0x4f: {  	_ =	shalt  }
0x50: {  	_ =	shalt  }
0x51: {  	_ =	shalt  }
0x52: {  	_ =	shalt  }
0x53: {  	_ =	shalt  }
0x54: {  	_ =	shalt  }
0x55: {  	_ =	shalt  }
0x56: {  	_ =	shalt  }
0x57: {  	_ =	shalt  }
0x58: {  	_ =	shalt  }
0x59: {  	_ =	shalt  }
0x5a: {  	_ =	shalt  }
0x5b: {  	_ =	shalt  }
0x5c: {  	_ =	shalt  }
0x5d: {  	_ =	shalt  }
0x5e: {  	_ =	shalt  }
0x5f: {  	_ =	shalt  }
0x60: {  	_ =	shalt  }
0x61: {  	_ =	shalt  }
0x62: {  	_ =	shalt  }
0x63: {  	_ =	shalt  }
0x64: {  	_ =	shalt  }
0x65: {  	_ =	shalt  }
0x66: {  	_ =	shalt  }
0x67: {  	_ =	shalt  }
0x68: {  	_ =	shalt  }
0x69: {  	_ =	shalt  }
0x6a: {  	_ =	shalt  }
0x6b: {  	_ =	shalt  }
0x6c: {  	_ =	shalt  }
0x6d: {  	_ =	shalt  }
0x6e: {  	_ =	shalt  }
0x6f: {  	_ =	shalt  }
0x70: {  	_ =	shalt  }
0x71: {  	_ =	shalt  }
0x72: {  	_ =	shalt  }
0x73: {  	_ =	shalt  }
0x74: {  	_ =	shalt  }
0x75: {  	_ =	shalt  }
0x76: {  	_ =	shalt  }
0x77: {  	_ =	shalt  }
0x78: {  	_ =	shalt  }
0x79: {  	_ =	shalt  }
0x7a: {  	_ =	shalt  }
0x7b: {  	_ =	shalt  }
0x7c: {  	_ =	shalt  }
0x7d: {  	_ =	shalt  }
0x7e: {  	_ =	shalt  }
0x7f: {  	_ =	shalt  }
0x80: {  	_ =	shalt  }
0x81: {  	_ =	shalt  }
0x82: {  	_ =	shalt  }
0x83: {  	_ =	shalt  }
0x84: {  	_ =	shalt  }
0x85: {  	_ =	shalt  }
0x86: {  	_ =	shalt  }
0x87: {  	_ =	shalt  }
.Lfunc_end0:
.L_simem_size_0:
called_computation_lowered:
.L_overlay_start_0:
0x88: {  	s2 =	sld [smem:$0x3FD9]  }
0x89: {  	s3 =	sld [smem:$0x3FFE];
	_ =	sdelay $0x1  }
0x8a: {  	s1 =	srdreg.scid  }
0x8b: {  	s0 =	sand.u32 $0x1, s1  }
0x8c: {  	s17 =	sshll.u32 s0, $0xA;
	s2 =	sadd.s32 s3, s2  }
0x8d: {  	s2 =	sadd.s32 s2, s17  }
0x8e: {  	[smem:$0x3FB4] =	sst s2  }
0x8f: {  	_ = 	snop  }
0x90: {  	s2 =	sld [smem:$0x3FD0];
	(tm) =	ssettm $0x1  }
0x91: {  	s18 =	sld [smem:$0x3FFB];
	_ =	sdelay $0x3  }
0x92: {  	_ =	strace s18  }
0x93: {  	s3 =	sld [smem:$0x3FFC];
	_ =	sdelay $0x3  }
0x94: {  	_ =	strace s3  }
0x95: {  	s3 =	sld [smem:$0x3FFD];
	_ =	sdelay $0x3  }
0x96: {  	_ =	strace s3  }
0x97: {  	_ =	strace $0x8FFFFFFF  }
0x98: {  	s19 =	sld [smem:$0x3FDB];
	_ =	sdelay $0x1  }
0x99: {  	s4 =	simm.s32 $_scs_section_size  }
0x9a: {  	s5 =	simm.s32 $_size__tile_overlayer_lowered;
	s6 =	simm.s32 $_tile_overlayer_lowered  }
0x9b: {  	s22 =	simm.s32 $0x1BFF;
	s21 =	sshll.u32 s6, $0x1;
	s3 =	sadd.s32 s4, s19  }
0x9c: {  	s7 =	simm.s32 $0x0;
	s20 =	sshll.u32 s5, $0x1;
	s5 =	sadd.s32 s21, s3  }
0x9d: {  	[timem:s7], [sflag:s22] =	dma.local [hbm:s5], s20  }
0x9e: {  	_ =	swait.ge [sflag:s22], s20  }
0x9f: {  	s4 =	ssub.s32 $0x0, s20;
	[sflag:s22] =	ssyncset.done $0x0  }
0xa0: {  	[sflag:s22] =	ssyncadd.s32 s4;
	_ =	sdelay $0x1  }
0xa1: {  	s23 =	simm.s32 $0x1B8B  }
0xa2: {  	_ =	swait.ge [sflag:s23], $0x1  }
0xa3: {  	[sflag:s23] =	ssyncset.done $0x0  }
0xa4: {  	s25 =	simm.s32 $0x1B8E;
	s24 =	sld [smem:$0x3FFE];
	[sflag:s23] =	ssyncadd.s32 $0xFFFFFFFF  }
0xa5: {  	s26 =	simm.s32 $execute0_lowered;
	[smem:$0x3FD2] =	sst s25  }
0xa6: {  	s5 =	sshll.u32 s26, $0x1;
	_ =	strace $0x80000046;
	[dreg:$0x1] =	wrdreg $0xFFFFFFFF  }
0xa7: {  	s28 =	simm.s32 $_size_execute0_lowered;
	s3 =	sadd.s32 s3, s5;
	[dreg:$0x0] =	wrdreg $0x0  }
0xa8: {  	s5 =	sshll.u32 s28, $0x1;
	[dreg:$0x2] =	wrdreg s3  }
0xa9: {  	[dreg:$0x3] =	wrdreg s5  }
0xaa: {  	[dreg:$0x4] =	wrdreg $0xC0  }
0xab: {  	_ =	task [dreg:s7], $0x5FFFF  }
0xac: {  	[dreg:$0x1] =	wrdreg $0xFFFFFFFF  }
0xad: {  	[dreg:$0x0] =	wrdreg $0x60  }
0xae: {  	[dreg:$0x2] =	wrdreg s24  }
0xaf: {  	[dreg:$0x3] =	wrdreg s2  }
0xb0: {  	[dreg:$0x4] =	wrdreg $0x7C000  }
0xb1: {  	[dreg:$0x5] =	wrdreg $0x9  }
0xb2: {  	_ =	task.clear_ibuf [dreg:s7], $0x6FFFF;
	_ =	strace $0x90000046  }
0xb3: {  	s29 =	simm.s32 $0x9;
	_ =	strace $0x80000048  }
0xb4: {  	_ =	swait.ge [sflag:s29], $0x1  }
0xb5: {  	[sflag:s29] =	ssyncadd.s32 $0xFFFFFFFF  }
0xb6: {  	_ =	strace $0x90000048  }
0xb7: {  	_ =	sfence  }
0xb8: {  	s30 =	sld [smem:$0x0];
	_ =	sdelay $0x2  }
0xb9: {  	s31 =	sshll.u32 s1, $0xD;
	s1 =	sshrl.u32 s1, $0x2  }
0xba: {  	s3 =	sand.u32 $0x4000, s31;
	s1 =	sadd.s32 s1, s30  }
0xbb: {  	s0 =	sor.u32 s3, s0;
	s1 =	sshll.u32 s1, $0x11  }
0xbc: {  	s0 =	sor.u32 s1, s0  }
0xbd: {  	s0 =	sadd.s32 $0x8F2B, s0  }
0xbe: {  	[sflag:s0] =	ssyncadd.remote.s32 $0x1  }
0xbf: {  	_ =	sfence.sel $0xFFFF  }
0xc0: {  	[dreg:$0x0] =	wrdreg $0xFFFFFFFF;
	(pc) =	sbr.abs _section_cstart, $3  }
0xc1: {  	[dreg:$0x1] =	wrdreg $0xFFFFFFFF  }
0xc2: {  	_ =	task.clear_ibuf [dreg:s7], $0x2FFFF;
	_ =	strace $0x9FFFFFFF  }
0xc3: {  	(tm) =	ssettm $0x7FFFFFFF  }
tec
execute0_lowered:
.L_overlay_start_1:
0x0: {  	(tag) =	ssettag $0x1  }
0x1: {  	s0 =	rddreg [dreg:$0x0]  }
0x2: {  	s29 =	rddreg [dreg:$0x1]  }
0x3: {  	s2 =	rddreg [dreg:$0x2];
	s1 =	simm.s32 $0x0  }
0x4: {  	s16 =	srdreg.scid;
	s9 =	stileid.u32;
	s30 =	simm.s32 $0x1  }
0x5: {  	s31 =	simm.s32 $0x6380;
	[smem:$0x7FF] =	sst s1;
	s4 =	sadd.s32 $0x2600, s0  }
0x6: {  	s6 =	sadd.s32 $0x282600, s0;
	s3 =	sadd.s32 $0x2400, s0;
	s8 =	smul.u32 $0x29A0, s9  }
0x7: {  	s1 =	sand.u32 $0x1, s16;
	s7 =	sadd.s32 $0x28CE00, s0;
	s20 =	smul.u32 $0x50000, s9  }
0x8: {  	s0 =	sadd.s32 $0x28F600, s0;
	s21 =	smul.u32 $0x280, s9;
	s23 =	sshll.u32 s9, $0x6  }
0x9: {  	s9 =	simm.s32 $0x3380;
	_ =	strace $0x80000047;
	[dreg:$0x4] =	wrdreg s3  }
0xa: {  	s17 =	ssub.s32 $0x2, s1;
	s5 =	smul.u32 $0x29A00, s1;
	[dreg:$0x5] =	wrdreg s7  }
0xb: {  	[dreg:$0x6] =	wrdreg s0;
	s1 =	sshll.u32 s1, $0x2;
	s3 =	simm.s32 $0x0  }
0xc: {  	s18 =	sshrl.u32 s17, $0x1;
	[dreg:$0x7] =	wrdreg s1;
	s22 =	sshrl.u32 s20, $0x2  }
0xd: {  	[dreg:$0x8] =	wrdreg s21;
	s19 =	ssub.s32 s17, s18;
	s1 =	sadd.s32 s22, s2  }
0xe: {  	s11 =	sadd.s32 s8, s5;
	s8 =	sor.u32 $0x1C03, s23;
	[dreg:$0x9] =	wrdreg s1  }
0xf: {  	s5 =	sshrl.u32 s11, $0x3;
	s0 =	smax.u32 s19, $0x1;
	[dreg:$0xa] =	wrdreg s8  }
0x10: {  	s20 =	simm.s32 $0x3;
	s25 =	sadd.s32 s6, s5;
	[dreg:$0xf] =	wrdreg s0  }
0x11: {  	s24 =	sadd.s32 $0x6, s5;
	s26 =	sadd.s32 s29, s5;
	[dreg:$0xb] =	wrdreg s25  }
0x12: {  	s22 =	simm.s32 $0x80;
	[dreg:$0xc] =	wrdreg s26;
	s28 =	sadd.s32 s6, s24  }
0x13: {  	s19 =	simm.s32 $0x2;
	s1 =	sadd.s32 s29, s24;
	[dreg:$0xd] =	wrdreg s28  }
0x14: {  	v0 =	vimm.f32 $0.0e+00;
	s0 =	simm.s32 $0x30;
	s26 =	simm.s32 $0x100;
	[dreg:$0xe] =	wrdreg s1  }
.LBB2_1:
0x15: {  	s28 =	simm.s32 $0x0  }
0x16: {  	s1 =	sand.u32 $0x7E00, s28  }
0x17: {  	[dreg:$0x10] =	wrdreg s3;
	s3 =	sand.u32 $0x70, s28;
	s5 =	sshrl.u32 s1, $0x2  }
0x18: {  	s1 =	simm.s32 $0x40;
	s5 =	sor.u32 s3, s5;
	s3 =	simm.s32 $0x0  }
.LBB2_2:
0x19: {  	p0 =	sne.s32 s1, $0x5FC0  }
0x1a: {  	[tilespmem:s5+$0x6380] =	vst v0;
	s3 =	sadd.s32 $0x10, s3;
	s5 =	smov.u32 s1;
	s1 =	sadd.s32 $0x40, s1  }
.Ltmp0:
0x1b: {  	(pc) =	sbr.rel @p0 .LBB2_2-.Ltmp0, $4  }
0x1c: {  	_ = 	snop  }
0x1d: {  	s5 =	sand.u32 $0x7E00, s5  }
0x1e: {  	s7 =	sand.u32 $0x70, s3;
	s5 =	sshrl.u32 s5, $0x2  }
0x1f: {  	s5 =	sor.u32 s7, s5;
	s7 =	simm.s32 $0x0  }
0x20: {  	[tilespmem:s5+$0x6380] =	vst v0;
	s3 =	simm.s32 $0x0  }
.LBB2_4:
0x21: {  	s1 =	rddreg [dreg:$0x9]  }
0x22: {  	s13 =	rddreg [dreg:$0x5];
	s5 =	sshrl.u32 s1, $0x3  }
0x23: {  	[dreg:$0x12] =	wrdreg s5  }
0x24: {  	[spmem:s5], [sflag:s8] =	dma.local [hbm:s13], $0x2800  }
0x25: {  	[dreg:$0x11] =	wrdreg s3  }
0x26: {  	s1 =	rddreg [dreg:$0x7]  }
0x27: {  	_ =	swait.ge [sflag:s20], $0x2800;
	s1 =	sadd.s32 s1, s3  }
0x28: {  	[sflag:s20] =	ssyncset.done $0x0;
	s14 =	rddreg [dreg:$0x4];
	s3 =	sshll.u32 s1, $0x4  }
0x29: {  	s15 =	simm.s32 $0x7B80;
	[sflag:s20] =	ssyncadd.s32 $0xFFFFD800;
	s3 =	sadd.s32 s14, s3  }
0x2a: {  	[tilespmem:s15], [sflag:$0x3] =	stream.linear.gather [hbm4b:s3+s7], $0x80, $0x38;
	[tilespmem:$0x1BC00] =	vst v63  }
0x2b: {  	_ =	swait.ge [sflag:s20], $0x80  }
0x2c: {  	[sflag:s20] =	ssyncset.done $0x0  }
0x2d: {  	[sflag:s20] =	ssyncadd.s32 $0xFFFFFF80  }
0x2e: {  	[bflag:$0x0] =	sbarrier.arrive $0xFFFF  }
0x2f: {  	v63 =	vld [tilespmem:$0x7B80]  }
0x30: {  	v58 =	vld [tilespmem:$0x7B90]  }
0x31: {  	v62 =	vld [tilespmem:$0x7BA0]  }
0x32: {  	v35 =	vld [tilespmem:$0x7BB0]  }
0x33: {  	v31 =	vld [tilespmem:$0x7BC0]  }
0x34: {  	v34 =	vld [tilespmem:$0x7BD0]  }
0x35: {  	v59 =	vld [tilespmem:$0x7BE0];
	s16 =	rddreg [dreg:$0xb]  }
0x36: {  	v61 =	vld [tilespmem:$0x7BF0];
	[tilespmem:s7], [sflag:$0x3] =	stream.linear.gather [hbm4b:s16+s7], $0x30, $0x38  }
0x37: {  	_ =	swait.ge [sflag:s20], $0x30  }
0x38: {  	[sflag:s20] =	ssyncset.done $0x0  }
0x39: {  	s17 =	rddreg [dreg:$0xc];
	[sflag:s20] =	ssyncadd.s32 $0xFFFFFFD0  }
0x3a: {  	[tilespmem:s22], [sflag:$0x3] =	stream.linear.gather [hbm4b:s17+s7], $0x30, $0x38;
	[tilespmem:$0x1BC00] =	vst v63  }
0x3b: {  	_ =	swait.ge [sflag:s20], $0x30  }
0x3c: {  	[sflag:s20] =	ssyncset.done $0x0  }
0x3d: {  	[sflag:s20] =	ssyncadd.s32 $0xFFFFFFD0  }
0x3e: {  	v9 =	vld [tilespmem:$0x0]  }
0x3f: {  	v10 =	vld [tilespmem:$0x80]  }
0x40: {  	v11 =	vld [tilespmem:$0x10]  }
0x41: {  	s10 =	smul.u32 $0x2800, s1;
	v12 =	vld [tilespmem:$0x90]  }
0x42: {  	v13 =	vld [tilespmem:$0x20]  }
0x43: {  	s1 =	sadd.s32 $0x14000, s10;
	v36 =	vld [tilespmem:$0xA0];
	v9 =	vadd.s32 s10, v9  }
0x44: {  	v32 =	vadd.s32 s1, v10;
	[tilespmem:$0x280] =	vst v9  }
0x45: {  	v37 =	vadd.s32 s10, v11;
	[tilespmem:$0x2B0] =	vst v32  }
0x46: {  	v38 =	vadd.s32 s1, v12;
	[tilespmem:$0x290] =	vst v37  }
0x47: {  	v41 =	vadd.s32 s10, v13;
	[tilespmem:$0x2C0] =	vst v38  }
0x48: {  	v10 =	vshrl.u32 v10, $0x7;
	v42 =	vadd.s32 s1, v36;
	[tilespmem:$0x2A0] =	vst v41  }
0x49: {  	v39 =	vshrl.u32 v12, $0x7;
	v33 =	vadd.s32 $0x2780, v10;
	[tilespmem:$0x2D0] =	vst v42  }
0x4a: {  	v40 =	vadd.s32 $0x2780, v39;
	v10 =	vshrl.u32 v36, $0x7;
	[tilespmem:$0x180] =	vst v33  }
0x4b: {  	[tilespmem:$0x190] =	vst v40;
	v43 =	vadd.s32 $0x2780, v10  }
0x4c: {  	s18 =	simm.s32 $0x60;
	s21 =	simm.s32 $0x280;
	s23 =	simm.s32 $0x380;
	[tilespmem:$0x1A0] =	vst v43  }
0x4d: {  	[tilespmem:s23], [sflag:$0x1] =	stream.indirect.gather [hbm4b:s4+s18], $0x80, s21, s18, $0xb8;
	[tilespmem:$0x1BC00] =	vst v63  }
0x4e: {  	s24 =	rddreg [dreg:$0xd]  }
0x4f: {  	[tilespmem:s7], [sflag:$0x3] =	stream.linear.gather [hbm4b:s24+s7], $0x30, $0x38;
	[tilespmem:$0x1BC00] =	vst v63  }
0x50: {  	_ =	swait.ge [sflag:s20], $0x30  }
0x51: {  	[sflag:s20] =	ssyncset.done $0x0  }
0x52: {  	s25 =	rddreg [dreg:$0xe];
	[sflag:s20] =	ssyncadd.s32 $0xFFFFFFD0  }
0x53: {  	[tilespmem:s26], [sflag:$0x3] =	stream.linear.gather [hbm4b:s25+s7], $0x30, $0x38;
	[tilespmem:$0x1BC00] =	vst v63  }
0x54: {  	_ =	swait.ge [sflag:s20], $0x30  }
0x55: {  	[sflag:s20] =	ssyncset.done $0x0  }
0x56: {  	[sflag:s20] =	ssyncadd.s32 $0xFFFFFFD0  }
0x57: {  	v1 =	vmov s10;
	v44 =	vld [tilespmem:$0x0]  }
0x58: {  	[tilespmem:$0x1FFB0] =	vst v1;
	v45 =	vld [tilespmem:$0x100]  }
0x59: {  	[tilespmem:$0x1FFD0] =	vst v35;
	v46 =	vld [tilespmem:$0x10]  }
0x5a: {  	[tilespmem:$0x1FFE0] =	vst v31;
	v47 =	vld [tilespmem:$0x110]  }
0x5b: {  	v1 =	vmov s1;
	[tilespmem:$0x1FFF0] =	vst v34;
	v49 =	vld [tilespmem:$0x20]  }
0x5c: {  	[tilespmem:$0x1FFC0] =	vst v1;
	v51 =	vld [tilespmem:$0x120];
	v9 =	vadd.s32 s10, v44  }
0x5d: {  	v48 =	vadd.s32 s1, v45;
	[tilespmem:$0x300] =	vst v9  }
0x5e: {  	v52 =	vadd.s32 s10, v46;
	[tilespmem:$0x330] =	vst v48  }
0x5f: {  	v53 =	vadd.s32 s1, v47;
	[tilespmem:$0x310] =	vst v52  }
0x60: {  	v56 =	vadd.s32 s10, v49;
	[tilespmem:$0x340] =	vst v53  }
0x61: {  	v10 =	vshrl.u32 v45, $0x7;
	v57 =	vadd.s32 s1, v51;
	[tilespmem:$0x320] =	vst v56  }
0x62: {  	v54 =	vshrl.u32 v47, $0x7;
	v50 =	vadd.s32 $0x2780, v10;
	[tilespmem:$0x350] =	vst v57  }
0x63: {  	v55 =	vadd.s32 $0x2780, v54;
	v10 =	vshrl.u32 v51, $0x7;
	[tilespmem:$0x200] =	vst v50  }
0x64: {  	[tilespmem:$0x210] =	vst v55;
	v60 =	vadd.s32 $0x2780, v10  }
0x65: {  	s28 =	simm.s32 $0x300;
	s12 =	simm.s32 $0x0;
	[dreg:$0x13] =	wrdreg s10;
	[tilespmem:$0x220] =	vst v60  }
0x66: {  	[tilespmem:s9], [sflag:$0x2] =	stream.indirect.gather [hbm4b:s4+s18], $0x80, s28, s18, $0xb8;
	[tilespmem:$0x1BC00] =	vst v63  }
.LBB2_5:
0x67: {  	_ =	swait.ge [sflag:s30], $0x3000  }
0x68: {  	[sflag:s30] =	ssyncset.done $0x0  }
0x69: {  	s13 =	simm.s32 $0x0;
	[sflag:s30] =	ssyncadd.s32 $0xFFFFD000  }
.LBB2_6:
0x6a: {  	s1 =	sshll.u32 s13, $0x7  }
0x6b: {  	s17 =	sand.u32 $0x3FFFFF80, s1  }
0x6c: {  	v40 =	vld [tilespmem:s17+$0x380]  }
0x6d: {  	v9 =	vld [tilespmem:s17+$0x1B80]  }
0x6e: {  	v41 =	vld [tilespmem:s17+$0x390]  }
0x6f: {  	v10 =	vld [tilespmem:s17+$0x1B90]  }
0x70: {  	v43 =	vld [tilespmem:s17+$0x3A0]  }
0x71: {  	v11 =	vld [tilespmem:s17+$0x1BA0]  }
0x72: {  	v42 =	vld [tilespmem:s17+$0x3B0]  }
0x73: {  	v12 =	vld [tilespmem:s17+$0x1BB0]  }
0x74: {  	v44 =	vld [tilespmem:s17+$0x3C0]  }
0x75: {  	v14 =	vld [tilespmem:s17+$0x1BC0]  }
0x76: {  	v45 =	vld [tilespmem:s17+$0x3D0]  }
0x77: {  	v15 =	vld [tilespmem:s17+$0x1BD0]  }
0x78: {  	v46 =	vld [tilespmem:s17+$0x3E0]  }
0x79: {  	v16 =	vld [tilespmem:s17+$0x1BE0]  }
0x7a: {  	v47 =	vld [tilespmem:s17+$0x3F0]  }
0x7b: {  	v22 =	vld [tilespmem:s17+$0x1BF0];
	v9 =	vadd.f32 v9, v40  }
0x7c: {  	v50 =	vld [tilespmem:s17+$0x1C00]  }
0x7d: {  	v52 =	vld [tilespmem:s17+$0x1C10];
	v10 =	vadd.f32 v10, v41;
	v13 =	vmul.f32 $2.000000030e-01, v9  }
0x7e: {  	v54 =	vld [tilespmem:s17+$0x1C20]  }
0x7f: {  	v55 =	vld [tilespmem:s17+$0x1C30];
	v11 =	vadd.f32 v11, v43;
	v6 =	vmul.f32 $2.000000030e-01, v10;
	v9 =	vmax.f32 v9, v13  }
0x80: {  	v56 =	vld [tilespmem:s17+$0x1C40];
	v9 =	vmul.f32 v9, v63  }
0x81: {  	v57 =	vld [tilespmem:s17+$0x1C50];
	v12 =	vadd.f32 v12, v42;
	v7 =	vmul.f32 $2.000000030e-01, v11;
	v10 =	vmax.f32 v10, v6  }
0x82: {  	s15 =	sor.u32 $0x1, s13;
	v60 =	vld [tilespmem:s17+$0x1C60];
	v10 =	vmul.f32 v10, v58;
	v9 =	vadd.f32 $0.0e+00, v9  }
0x83: {  	s16 =	sshll.u32 s15, $0x7;
	v18 =	vld [tilespmem:s17+$0x1C70];
	v14 =	vadd.f32 v14, v44;
	v20 =	vmul.f32 $2.000000030e-01, v12;
	v11 =	vmax.f32 v11, v7  }
0x84: {  	s10 =	sand.u32 $0x3FFFFF80, s16;
	s16 =	sor.u32 $0x2, s13;
	v17 =	vld [tilespmem:s17+$0x1C80];
	v21 =	vmul.f32 v11, v62;
	v9 =	vadd.f32 v10, v9  }
0x85: {  	v32 =	vld [tilespmem:s10+$0x380];
	s18 =	sshll.u32 s16, $0x7;
	v15 =	vadd.f32 v15, v45;
	v23 =	vmul.f32 $2.000000030e-01, v14;
	v12 =	vmax.f32 v12, v20  }
0x86: {  	v33 =	vld [tilespmem:s10+$0x3B0];
	s14 =	sand.u32 $0x3FFFFF80, s18;
	v24 =	vmul.f32 v12, v35;
	v9 =	vadd.f32 v21, v9  }
0x87: {  	v1 =	vld [tilespmem:s14+$0x380];
	v27 =	vadd.f32 v16, v46;
	v26 =	vmul.f32 $2.000000030e-01, v15;
	v25 =	vmax.f32 v14, v23  }
0x88: {  	v28 =	vld [tilespmem:s14+$0x390];
	v36 =	vmul.f32 v25, v31;
	v9 =	vadd.f32 v24, v9  }
0x89: {  	v29 =	vld [tilespmem:s14+$0x3A0];
	v38 =	vmul.f32 $2.000000030e-01, v27;
	v37 =	vmax.f32 v15, v26;
	v11 =	vadd.f32 v22, v47  }
0x8a: {  	v26 =	vld [tilespmem:s10+$0x3D0];
	v39 =	vmul.f32 v37, v34;
	v9 =	vadd.f32 v36, v9  }
0x8b: {  	v48 =	vmax.f32 v27, v38;
	v27 =	vld [tilespmem:s10+$0x3E0];
	v49 =	vmul.f32 $2.000000030e-01, v11  }
0x8c: {  	v14 =	vadd.f32 v50, v32;
	v20 =	vld [tilespmem:s17+$0x1C90];
	v51 =	vmul.f32 v48, v59;
	v9 =	vadd.f32 v39, v9  }
0x8d: {  	v25 =	vld [tilespmem:s10+$0x3A0];
	v11 =	vmax.f32 v11, v49  }
0x8e: {  	v22 =	vld [tilespmem:s17+$0x1CA0];
	v23 =	vmul.f32 $2.000000030e-01, v14;
	v53 =	vmul.f32 v11, v61;
	v9 =	vadd.f32 v51, v9  }
0x8f: {  	v21 =	vld [tilespmem:s10+$0x390]  }
0x90: {  	v30 =	vld [tilespmem:s10+$0x3C0];
	v14 =	vmax.f32 v14, v23;
	v10 =	vadd.f32 v55, v33;
	v9 =	vadd.f32 v53, v9  }
0x91: {  	v5 =	vld [tilespmem:s10+$0x3F0];
	v17 =	vadd.f32 v17, v1;
	v14 =	vmul.f32 v14, v63;
	v13 =	vadd.f32 v57, v26  }
0x92: {  	v4 =	vld [tilespmem:s14+$0x3B0];
	v49 =	vadd.f32 v60, v27;
	v20 =	vadd.f32 v20, v28;
	v37 =	vmul.f32 $2.000000030e-01, v10;
	(xrf2) =	vadd.scan.msk.f32 $0xffff, v9  }
0x93: {  	v3 =	vld [tilespmem:s14+$0x3C0];
	v11 =	vadd.f32 v54, v25;
	v22 =	vadd.f32 v22, v29;
	v48 =	vmul.f32 $2.000000030e-01, v13  }
0x94: {  	v2 =	vld [tilespmem:s14+$0x3E0];
	v23 =	vmul.f32 $2.000000030e-01, v49;
	v10 =	vmax.f32 v10, v37;
	v12 =	vadd.f32 v52, v21  }
0x95: {  	v14 =	vadd.f32 $0.0e+00, v14;
	v57 =	vmul.f32 $2.000000030e-01, v22;
	v10 =	vmul.f32 v10, v35;
	v39 =	vld [tilespmem:s17+$0x1CB0]  }
0x96: {  	[tilespmem:$0x1FF10] =	vst v1;
	v1 =	vld [tilespmem:s14+$0x3D0];
	v13 =	vmax.f32 v13, v48;
	v36 =	vmul.f32 $2.000000030e-01, v11;
	v24 =	vmul.f32 $2.000000030e-01, v12  }
0x97: {  	v50 =	vld [tilespmem:s17+$0x1CC0];
	v54 =	vmax.f32 v49, v23;
	v52 =	vmul.f32 v13, v34;
	v51 =	vmul.f32 $2.000000030e-01, v17  }
0x98: {  	v37 =	vld [tilespmem:s17+$0x1CF0];
	v11 =	vmax.f32 v11, v36;
	v12 =	vmax.f32 v12, v24;
	v53 =	vmul.f32 $2.000000030e-01, v20  }
0x99: {  	v11 =	vmul.f32 v11, v62;
	v24 =	vld [tilespmem:s17+$0x1CD0];
	v12 =	vmul.f32 v12, v58;
	v15 =	vmax.f32 v17, v51  }
0x9a: {  	v48 =	vld [tilespmem:s17+$0x1D20];
	v36 =	vadd.f32 v39, v4;
	v9 =	vadd.f32 v56, v30;
	v17 =	vmax.f32 v20, v53  }
0x9b: {  	s18 =	sor.u32 $0x3, s13;
	[tilespmem:$0x1FF20] =	vst v4;
	v55 =	vmul.f32 v15, v63;
	v4 =	vld [tilespmem:s14+$0x3F0];
	v12 =	vadd.f32 v12, v14;
	v17 =	vmul.f32 v17, v58  }
0x9c: {  	s21 =	sshll.u32 s18, $0x7;
	v15 =	vld [tilespmem:s17+$0x1D10];
	v20 =	vmax.f32 v22, v57;
	v60 =	vmul.f32 $2.000000030e-01, v36;
	v38 =	vmul.f32 $2.000000030e-01, v9;
	v19, _, _ =	vpop (xrf2)  }
0x9d: {  	s9 =	sand.u32 $0x3FFFFF80, s21;
	v56 =	vld [tilespmem:s17+$0x1CE0];
	v7 =	vmul.f32 v20, v62;
	v11 =	vadd.f32 v11, v12;
	v19 =	vmul.f32 $1.442695020e+00, v19  }
0x9e: {  	[tilespmem:$0x1FF40] =	vst v1;
	v24 =	vadd.f32 v24, v1;
	v1 =	vld [tilespmem:s9+$0x390];
	v22 =	vmax.f32 v36, v60;
	v9 =	vmax.f32 v9, v38  }
0x9f: {  	v53 =	vld [tilespmem:s17+$0x1D30];
	v10 =	vadd.f32 v10, v11;
	v9 =	vmul.f32 v9, v31;
	v19 =	vbroadcast v19, $0xF  }
0xa0: {  	v12 =	vld [tilespmem:s17+$0x1D00];
	v11 =	vadd.f32 $0.0e+00, v55;
	v38 =	vadd.f32 v18, v5;
	v14 =	vmul.f32 v22, v35  }
0xa1: {  	[tilespmem:$0x1FF30] =	vst v3;
	v9 =	vadd.f32 v9, v10;
	(erf) = vpow2.f32 v19;
	v19 =	vadd.f32 v50, v3;
	v3 =	vld [tilespmem:s9+$0x380]  }
0xa2: {  	v20 =	vld [tilespmem:s9+$0x3C0];
	v23 =	vadd.f32 v56, v2;
	v6 =	vadd.f32 v17, v11;
	v17 =	vmul.f32 $2.000000030e-01, v24  }
0xa3: {  	[tilespmem:$0x1FF50] =	vst v2;
	v2 =	vld [tilespmem:s9+$0x3A0];
	v10 =	vmul.f32 v54, v59;
	v55 =	vadd.f32 v15, v1;
	v9 =	vadd.f32 v52, v9  }
0xa4: {  	v22 =	vld [tilespmem:s9+$0x3D0];
	v37 =	vadd.f32 v37, v4;
	v39 =	vmul.f32 $2.000000030e-01, v38;
	v24 =	vmax.f32 v24, v17  }
0xa5: {  	v60 =	vmul.f32 $2.000000030e-01, v55;
	v9 =	vadd.f32 v10, v9;
	v10 =	vadd.f32 v7, v6;
	v7 =	vld [tilespmem:s17+$0x1D50]  }
0xa6: {  	v38 =	vmax.f32 v38, v39;
	v52 =	vmul.f32 v24, v34;
	v50 =	vld [tilespmem:s17+$0x1D40];
	v49 =	vadd.f32 v12, v3  }
0xa7: {  	v38 =	vmul.f32 v38, v61;
	v36 =	vmax.f32 v55, v60;
	v13 =	vmul.f32 $2.000000030e-01, v19;
	[tilespmem:$0x1FF70] =	vst v3;
	v3 =	vld [tilespmem:s9+$0x3B0]  }
0xa8: {  	v48 =	vadd.f32 v48, v2;
	v36 =	vmul.f32 v36, v58;
	v54 =	vmul.f32 $2.000000030e-01, v49  }
0xa9: {  	v10 =	vadd.f32 v14, v10;
	v9 =	vadd.f32 v38, v9;
	v19 =	vmax.f32 v19, v13  }
0xaa: {  	v18 =	vmul.f32 v19, v31;
	v19 =	vmul.f32 $2.000000030e-01, v23;
	v57 =	vmax.f32 v49, v54  }
0xab: {  	v38 =	vadd.f32 v7, v22;
	v12 =	vmul.f32 $2.000000030e-01, v48;
	v6 =	vmul.f32 v57, v63  }
0xac: {  	v51 =	vld [tilespmem:s17+$0x1D60];
	v50 =	vadd.f32 v50, v20;
	v23 =	vmax.f32 v23, v19;
	v13 =	vadd.f32 v53, v3  }
0xad: {  	v10 =	vadd.f32 v18, v10;
	v56 =	vmul.f32 v23, v59;
	v23 =	vld [tilespmem:s9+$0x3E0];
	v11 =	vadd.f32 $0.0e+00, v6  }
0xae: {  	v16 =	vld [tilespmem:s17+$0x1D70];
	v39 =	vmax.f32 v48, v12;
	v17 =	vmul.f32 $2.000000030e-01, v50;
	v14 =	vmul.f32 $2.000000030e-01, v13  }
0xaf: {  	s8 =	sor.u32 $0x4, s13;
	v24 =	vld [tilespmem:s9+$0x3F0];
	v15 =	vmul.f32 v39, v62;
	v10 =	vadd.f32 v52, v10;
	v11 =	vadd.f32 v36, v11  }
0xb0: {  	s23 =	sshll.u32 s8, $0x7;
	(xrf2) =	vadd.scan.msk.f32 $0xffff, v9;
	v52 =	vmul.f32 $2.000000030e-01, v37;
	v19 =	vmax.f32 v50, v17;
	v48 =	vmax.f32 v13, v14  }
0xb1: {  	s5 =	sand.u32 $0x3FFFFF80, s23;
	v55 =	vmul.f32 v19, v31;
	v18 =	vmul.f32 v48, v35;
	v11 =	vadd.f32 v15, v11  }
0xb2: {  	v8 =	vld [tilespmem:s5+$0x3B0];
	v37 =	vmax.f32 v37, v52;
	v52 =	vmul.f32 $2.000000030e-01, v38;
	v53 =	vadd.f32 v51, v23  }
0xb3: {  	[tilespmem:$0x1FF60] =	vst v4;
	v4 =	vld [tilespmem:s17+$0x1D80];
	v10 =	vadd.f32 v56, v10;
	v54 =	vmul.f32 v37, v61;
	v11 =	vadd.f32 v18, v11  }
0xb4: {  	v39 =	vadd.f32 v16, v24;
	v38 =	vmax.f32 v38, v52;
	v52 =	vld [tilespmem:s17+$0x1DB0];
	v56 =	vmul.f32 $2.000000030e-01, v53  }
0xb5: {  	[tilespmem:$0x1FF90] =	vst v2;
	v2 =	vld [tilespmem:$0x1FFE0];
	v9 =	vadd.f32 v54, v10;
	v60 =	vmul.f32 v38, v34;
	v57 =	vadd.f32 v55, v11  }
0xb6: {  	v50 =	vld [tilespmem:s17+$0x1D90];
	v12 =	vmul.f32 $2.000000030e-01, v39;
	v7 =	vmax.f32 v53, v56  }
0xb7: {  	v49 =	vld [tilespmem:s17+$0x1DD0];
	(xrf2) =	vadd.scan.msk.f32 $0xffff, v9;
	v14 =	vmul.f32 v7, v59;
	v13 =	vadd.f32 v60, v57  }
0xb8: {  	v36 =	vld [tilespmem:s5+$0x380];
	v15 =	vmax.f32 v39, v12  }
0xb9: {  	v19 =	vld [tilespmem:s5+$0x390];
	v37 =	vmul.f32 v15, v61;
	v52 =	vadd.f32 v52, v8;
	v9 =	vadd.f32 v14, v13  }
0xba: {  	v48 =	vld [tilespmem:s17+$0x1DA0];
	v55, _, _ =	vpop (xrf2)  }
0xbb: {  	v18 =	vld [tilespmem:s5+$0x3A0];
	v39 =	vmul.f32 $2.000000030e-01, v52;
	v11 =	vpop (erf);
	v38 =	vadd.f32 v37, v9  }
0xbc: {  	v51 =	vld [tilespmem:s17+$0x1DC0];
	v56 =	vmul.f32 $1.442695020e+00, v55;
	v10 =	vmul.f32 v11, v40  }
0xbd: {  	v53 =	vld [tilespmem:s17+$0x1DF0];
	v57 =	vadd.f32 v4, v36;
	v12 =	vmul.f32 v11, v43;
	v15 =	vmul.f32 v11, v45;
	(xrf2) =	vadd.scan.msk.f32 $0xffff, v38  }
0xbe: {  	v40 =	vld [tilespmem:s5+$0x3C0];
	v16 =	vmul.f32 v11, v46;
	v60 =	vbroadcast v56, $0xF  }
0xbf: {  	v7 =	vadd.f32 v50, v19;
	v50 =	vld [tilespmem:s17+$0x1DE0];
	v17 =	vmul.f32 v11, v47;
	v6 =	vmul.f32 $2.000000030e-01, v57  }
0xc0: {  	s21 =	sor.u32 $0x5, s13;
	v55 =	vld [tilespmem:s17+$0x1E00];
	v48 =	vadd.f32 v48, v18;
	v13 =	vmul.f32 v11, v42;
	v14 =	vmul.f32 v11, v44  }
0xc1: {  	s24 =	sshll.u32 s21, $0x7;
	v43 =	vld [tilespmem:s5+$0x3F0];
	v9 =	vmul.f32 v11, v41;
	v4, _, _ =	vpop (xrf2);
	v44 =	vmax.f32 v57, v6;
	v37 =	vmul.f32 $2.000000030e-01, v7  }
0xc2: {  	s24 =	sand.u32 $0x3FFFFF80, s24;
	v41 =	vld [tilespmem:s5+$0x3D0];
	v45 =	vmul.f32 $1.442695020e+00, v4;
	v54 =	vmul.f32 v44, v63  }
0xc3: {  	v44 =	vld [tilespmem:s24+$0x380];
	v46 =	vmax.f32 v7, v37;
	v38 =	vmul.f32 $2.000000030e-01, v48;
	v51 =	vadd.f32 v51, v40  }
0xc4: {  	v56 =	vld [tilespmem:s17+$0x1E20];
	v45 =	vbroadcast v45, $0xF;
	v54 =	vadd.f32 $0.0e+00, v54;
	v46 =	vmul.f32 v46, v58  }
0xc5: {  	(erf) = vpow2.f32 v60;
	v60 =	vld [tilespmem:s17+$0x1E10];
	v47 =	vmax.f32 v48, v38;
	v48 =	vmax.f32 v52, v39  }
0xc6: {  	v6 =	vmul.f32 $2.000000030e-01, v51;
	(erf) = vpow2.f32 v45;
	v45 =	vld [tilespmem:s24+$0x390];
	v46 =	vadd.f32 v46, v54  }
0xc7: {  	[tilespmem:$0x1FF80] =	vst v1;
	v42 =	vld [tilespmem:s5+$0x3E0];
	v4 =	vmul.f32 v47, v62;
	v1 =	vadd.f32 v49, v41;
	v37 =	vmul.f32 v48, v35;
	v57, _, _ =	vpop (xrf2)  }
0xc8: {  	v47 =	vld [tilespmem:s24+$0x3A0];
	v51 =	vmax.f32 v51, v6;
	v55 =	vadd.f32 v55, v44;
	v57 =	vmul.f32 $1.442695020e+00, v57  }
0xc9: {  	v48 =	vld [tilespmem:s24+$0x3B0];
	v46 =	vadd.f32 v4, v46;
	v38 =	vmul.f32 $2.000000030e-01, v1;
	v51 =	vmul.f32 v51, v31  }
0xca: {  	v49 =	vld [tilespmem:s24+$0x3C0];
	v39 =	vmul.f32 $2.000000030e-01, v55;
	v7 =	vbroadcast v57, $0xF  }
0xcb: {  	s28 =	sor.u32 $0x6, s13;
	v46 =	vadd.f32 v37, v46;
	v1 =	vmax.f32 v1, v38;
	v54 =	vadd.f32 v60, v45;
	v60 =	vld [tilespmem:s17+$0x1E40]  }
0xcc: {  	s25 =	sshll.u32 s28, $0x7;
	v37 =	vmovc v61;
	v61 =	vadd.f32 v53, v43;
	v1 =	vmul.f32 v1, v34;
	v34 =	vmax.f32 v55, v39;
	v57 =	vld [tilespmem:s17+$0x1E30]  }
0xcd: {  	s1 =	sand.u32 $0x3FFFFF80, s25;
	v31 =	vld [tilespmem:s17+$0x1E60];
	v55 =	vadd.f32 v56, v47;
	v46 =	vadd.f32 v51, v46;
	v4 =	vmul.f32 $2.000000030e-01, v54  }
0xce: {  	v53 =	vld [tilespmem:s1+$0x390];
	v6 =	vmul.f32 v34, v63;
	(erf) = vpow2.f32 v7;
	v7 =	vmovc v58;
	v58 =	vadd.f32 v50, v42  }
0xcf: {  	v56 =	vld [tilespmem:s17+$0x1E50];
	v34 =	vmul.f32 $2.000000030e-01, v55;
	v1 =	vadd.f32 v1, v46;
	v52 =	vmax.f32 v54, v4  }
0xd0: {  	v4 =	vadd.f32 $0.0e+00, v6;
	v50 =	vld [tilespmem:s24+$0x3D0];
	v6 =	vmul.f32 v52, v7;
	v46 =	vmul.f32 $2.000000030e-01, v58  }
0xd1: {  	v51 =	vld [tilespmem:s24+$0x3E0];
	v54 =	vmax.f32 v55, v34;
	v60 =	vadd.f32 v60, v49;
	v57 =	vadd.f32 v57, v48  }
0xd2: {  	v34 =	vld [tilespmem:s17+$0x1E80];
	v54 =	vmul.f32 v54, v62;
	v46 =	vmax.f32 v58, v46;
	v58 =	vadd.f32 v6, v4  }
0xd3: {  	v52 =	vld [tilespmem:s1+$0x380];
	v38 =	vmul.f32 $2.000000030e-01, v57;
	v6 =	vmul.f32 $2.000000030e-01, v60  }
0xd4: {  	v4 =	vmul.f32 $2.000000030e-01, v61;
	v58 =	vadd.f32 v54, v58;
	v54 =	vld [tilespmem:s1+$0x3A0]  }
0xd5: {  	v39 =	vmovc v59;
	v55 =	vmax.f32 v57, v38;
	v56 =	vadd.f32 v56, v50;
	v57 =	vmax.f32 v60, v6;
	v60 =	vld [tilespmem:s17+$0x1EA0]  }
0xd6: {  	v46 =	vmul.f32 v46, v39;
	v59 =	vmax.f32 v61, v4;
	v57 =	vmul.f32 v57, v2;
	v2 =	vld [tilespmem:$0x1FFF0]  }
0xd7: {  	v55 =	vmul.f32 v55, v35;
	v38 =	vmov v62;
	v62 =	vld [tilespmem:s17+$0x1E90];
	v6 =	vmul.f32 v59, v37  }
0xd8: {  	v34 =	vadd.f32 v34, v52;
	v4 =	vmul.f32 $2.000000030e-01, v56;
	v1 =	vadd.f32 v46, v1  }
0xd9: {  	v31 =	vadd.f32 v31, v51;
	v55 =	vadd.f32 v55, v58  }
0xda: {  	v35 =	vld [tilespmem:s17+$0x1EB0];
	v58 =	vmul.f32 $2.000000030e-01, v34;
	v61 =	vmax.f32 v56, v4;
	v1 =	vadd.f32 v6, v1  }
0xdb: {  	v59 =	vadd.f32 v57, v55;
	v55 =	vld [tilespmem:s1+$0x3B0];
	v6 =	vmovc v63;
	v63 =	vadd.f32 v60, v54;
	v56 =	vmul.f32 v61, v2  }
0xdc: {  	v57 =	vld [tilespmem:s24+$0x3F0];
	v61 =	vadd.f32 v62, v53;
	v62 =	vmul.f32 $2.000000030e-01, v31  }
0xdd: {  	v46 =	vpop (erf);
	v34 =	vmax.f32 v34, v58;
	v4 =	vmul.f32 $2.000000030e-01, v63;
	v56 =	vadd.f32 v56, v59;
	v59 =	vld [tilespmem:s17+$0x1E70]  }
0xde: {  	(xrf2) =	vadd.scan.msk.f32 $0xffff, v1;
	v58 =	vmul.f32 $2.000000030e-01, v61;
	v1 =	vmax.f32 v31, v62;
	v62 =	vmul.f32 v46, v32;
	v32 =	vld [tilespmem:s1+$0x3D0]  }
0xdf: {  	v31 =	vmul.f32 v34, v6;
	v34 =	vmax.f32 v63, v4;
	v63 =	vld [tilespmem:s17+$0x1ED0]  }
0xe0: {  	v1 =	vmul.f32 v1, v39;
	v35 =	vadd.f32 v35, v55;
	v61 =	vmax.f32 v61, v58;
	[tilespmem:s10+$0x380] =	vst v62;
	v62 =	vld [tilespmem:$0x1FFD0]  }
0xe1: {  	s25 =	sor.u32 $0x7, s13;
	v21 =	vmul.f32 v46, v21;
	v60 =	vld [tilespmem:s1+$0x3C0];
	v31 =	vadd.f32 $0.0e+00, v31;
	v61 =	vmul.f32 v61, v7  }
0xe2: {  	s3 =	sshll.u32 s25, $0x7;
	[tilespmem:$0x1FFA0] =	vst v3;
	v58 =	vld [tilespmem:s17+$0x1EC0];
	v1 =	vadd.f32 v1, v56;
	v56 =	vadd.f32 v59, v57;
	v59 =	vmul.f32 $2.000000030e-01, v35  }
0xe3: {  	s3 =	sand.u32 $0x3FFFFF80, s3;
	v3 =	vld [tilespmem:s17+$0x1EE0];
	[tilespmem:s17+$0x380] =	vst v10;
	v25 =	vmul.f32 v46, v25;
	v34 =	vmul.f32 v34, v38;
	v31 =	vadd.f32 v61, v31  }
0xe4: {  	v10 =	vld [tilespmem:s3+$0x3B0];
	v2 =	vmul.f32 v46, v26;
	[tilespmem:s10+$0x390] =	vst v21;
	v21 =	vmul.f32 v46, v27;
	v26 =	vmax.f32 v35, v59  }
0xe5: {  	v27 =	vld [tilespmem:s3+$0x380];
	v31 =	vadd.f32 v34, v31;
	v59 =	vadd.f32 v63, v32;
	v26 =	vmul.f32 v26, v62  }
0xe6: {  	v61 =	vmul.f32 v46, v33;
	v33 =	vld [tilespmem:s1+$0x3E0];
	v35 =	vmul.f32 $2.000000030e-01, v56  }
0xe7: {  	v58 =	vadd.f32 v58, v60;
	v4 =	vmul.f32 $2.000000030e-01, v59;
	v31 =	vadd.f32 v26, v31;
	v26 =	vld [tilespmem:$0x1FF10]  }
0xe8: {  	[tilespmem:s10+$0x3A0] =	vst v25;
	v25 =	vpop (erf);
	v34 =	vmul.f32 v46, v30;
	v63 =	vmul.f32 v46, v5;
	v5 =	vld [tilespmem:s17+$0x1F00];
	v35 =	vmax.f32 v56, v35  }
0xe9: {  	[tilespmem:s10+$0x3D0] =	vst v2;
	v56 =	vmul.f32 $2.000000030e-01, v58;
	v2 =	vmax.f32 v59, v4;
	v4 =	vmul.f32 v25, v29;
	v29 =	vld [tilespmem:$0x1FFE0]  }
0xea: {  	v30 =	vld [tilespmem:s1+$0x3F0]  }
0xeb: {  	[tilespmem:s10+$0x3C0] =	vst v34;
	v34 =	vmax.f32 v58, v56;
	v58 =	vld [tilespmem:$0x1FFF0]  }
0xec: {  	[tilespmem:s10+$0x3B0] =	vst v61;
	v62 =	vld [tilespmem:s17+$0x1EF0];
	v61 =	vmul.f32 v25, v26;
	v26, _, _ =	vpop (xrf2)  }
0xed: {  	v56 =	vmul.f32 v25, v28;
	v28 =	vmul.f32 $1.442695020e+00, v26;
	v26 =	vld [tilespmem:s3+$0x390]  }
0xee: {  	[tilespmem:s17+$0x3D0] =	vst v15;
	v5 =	vadd.f32 v5, v27;
	v29 =	vmul.f32 v34, v29;
	v34 =	vld [tilespmem:s17+$0x1F10]  }
0xef: {  	v15 =	vld [tilespmem:s17+$0x1F50];
	[tilespmem:s10+$0x3E0] =	vst v21;
	v35 =	vmul.f32 v35, v37;
	v3 =	vadd.f32 v3, v33;
	v21 =	vbroadcast v28, $0xF  }
0xf0: {  	[tilespmem:s17+$0x3A0] =	vst v12;
	v12 =	vmul.f32 $2.000000030e-01, v5;
	v2 =	vmul.f32 v2, v58;
	v58 =	vld [tilespmem:s17+$0x1F20]  }
0xf1: {  	v1 =	vadd.f32 v35, v1;
	v28 =	vld [tilespmem:s3+$0x3A0];
	(erf) = vpow2.f32 v21;
	v21 =	vmul.f32 $2.000000030e-01, v3  }
0xf2: {  	v35 =	vld [tilespmem:s17+$0x1F30];
	v29 =	vadd.f32 v29, v31;
	v31 =	vadd.f32 v62, v30  }
0xf3: {  	[tilespmem:s17+$0x390] =	vst v9;
	v5 =	vmax.f32 v5, v12;
	v34 =	vadd.f32 v34, v26;
	v3 =	vmax.f32 v3, v21;
	v21 =	vld [tilespmem:$0x1FF20]  }
0xf4: {  	v9 =	vld [tilespmem:s3+$0x3C0];
	[tilespmem:s10+$0x3F0] =	vst v63;
	v63 =	vmovc v6;
	v2 =	vadd.f32 v2, v29;
	v29 =	vmul.f32 $2.000000030e-01, v31;
	v3 =	vmul.f32 v3, v39  }
0xf5: {  	v6 =	vld [tilespmem:$0x1FF30];
	v5 =	vmul.f32 v5, v63;
	v12 =	vmul.f32 $2.000000030e-01, v34  }
0xf6: {  	[tilespmem:s17+$0x3C0] =	vst v14;
	v29 =	vmax.f32 v31, v29;
	v31 =	vld [tilespmem:s17+$0x1F40];
	v14 =	vadd.f32 v58, v28;
	v2 =	vadd.f32 v3, v2  }
0xf7: {  	[tilespmem:s17+$0x3E0] =	vst v16;
	v3 =	vmul.f32 v29, v37;
	v12 =	vmax.f32 v34, v12;
	v34 =	vadd.f32 v35, v10;
	v35 =	vld [tilespmem:$0x1FFD0]  }
0xf8: {  	[tilespmem:s17+$0x3B0] =	vst v13;
	v16 =	vmul.f32 $2.000000030e-01, v14;
	v29 =	vld [tilespmem:s3+$0x3E0];
	v13 =	vmul.f32 v25, v21  }
0xf9: {  	(xrf2) =	vadd.scan.msk.f32 $0xffff, v1;
	v21 =	vld [tilespmem:s3+$0x3D0];
	v1 =	vadd.f32 v3, v2;
	v2 =	vadd.f32 $0.0e+00, v5;
	v3 =	vmul.f32 v12, v7  }
0xfa: {  	v5 =	vld [tilespmem:s17+$0x1F60];
	v14 =	vmax.f32 v14, v16  }
0xfb: {  	v2 =	vadd.f32 v3, v2;
	v3 =	vmul.f32 v14, v38;
	(xrf2) =	vadd.scan.msk.f32 $0xffff, v1;
	v1 =	vld [tilespmem:$0x1FF60]  }
0xfc: {  	[tilespmem:s17+$0x3F0] =	vst v17;
	v12 =	vld [tilespmem:s17+$0x1F70];
	v17 =	vadd.f32 v31, v9;
	v31 =	vmul.f32 v25, v6  }
0xfd: {  	[tilespmem:s14+$0x390] =	vst v56;
	v16 =	vmul.f32 $2.000000030e-01, v34;
	v2 =	vadd.f32 v3, v2;
	v3 =	vld [tilespmem:$0x1FF40]  }
0xfe: {  	v56 =	vmul.f32 $2.000000030e-01, v17;
	[tilespmem:s14+$0x3C0] =	vst v31;
	v31 =	vld [tilespmem:$0x1FFE0]  }
0xff: {  	v16 =	vmax.f32 v34, v16;
	v34 =	vld [tilespmem:$0x1FFF0]  }
0x100: {  	v62 =	vmovc v38;
	v38 =	vmax.f32 v17, v56;
	v17 =	vld [tilespmem:$0x1FF50];
	v15 =	vadd.f32 v15, v21;
	v1 =	vmul.f32 v25, v1  }
0x101: {  	[tilespmem:s14+$0x3A0] =	vst v4;
	v14 =	vld [tilespmem:s3+$0x3F0];
	v4 =	vmul.f32 v16, v35  }
0x102: {  	v5 =	vadd.f32 v5, v29;
	v56 =	vmul.f32 $2.000000030e-01, v15;
	v3 =	vmul.f32 v25, v3;
	[tilespmem:s14+$0x3F0] =	vst v1;
	v1 =	vld [tilespmem:$0x1FF80]  }
0x103: {  	[tilespmem:s14+$0x3B0] =	vst v13;
	v2 =	vadd.f32 v4, v2;
	v13 =	vmul.f32 v38, v31  }
0x104: {  	v38 =	vmul.f32 $2.000000030e-01, v5;
	[tilespmem:s14+$0x3D0] =	vst v3;
	v3 =	vmax.f32 v15, v56  }
0x105: {  	v4 =	vmul.f32 v25, v17;
	v2 =	vadd.f32 v13, v2;
	v17 =	vld [tilespmem:$0x1FF70];
	v3 =	vmul.f32 v3, v34  }
0x106: {  	v5 =	vmax.f32 v5, v38;
	v56 =	vadd.f32 v12, v14;
	v12 =	vpop (erf)  }
0x107: {  	v5 =	vmul.f32 v5, v39;
	v1 =	vmul.f32 v12, v1;
	v2 =	vadd.f32 v3, v2;
	_ =	sdelay $0x1  }
0x108: {  	v38 =	vmul.f32 $2.000000030e-01, v56;
	[tilespmem:s9+$0x390] =	vst v1;
	v1 =	vadd.f32 v5, v2;
	v2 =	vld [tilespmem:$0x1FFA0]  }
0x109: {  	[tilespmem:s14+$0x3E0] =	vst v4;
	v4 =	vmul.f32 v12, v17  }
0x10a: {  	v56 =	vmax.f32 v56, v38  }
0x10b: {  	v3, _, _ =	vpop (xrf2);
	[tilespmem:s9+$0x380] =	vst v4;
	v4 =	vmul.f32 v56, v37  }
0x10c: {  	v3 =	vmul.f32 $1.442695020e+00, v3  }
0x10d: {  	v1 =	vadd.f32 v4, v1;
	v2 =	vmul.f32 v12, v2  }
0x10e: {  	[tilespmem:s14+$0x380] =	vst v61;
	v20 =	vmul.f32 v12, v20;
	v3 =	vbroadcast v3, $0xF  }
0x10f: {  	[tilespmem:s9+$0x3B0] =	vst v2;
	v2 =	vmul.f32 v12, v22  }
0x110: {  	[tilespmem:s9+$0x3C0] =	vst v20;
	(erf) = vpow2.f32 v3;
	v3 =	vmul.f32 v12, v23  }
0x111: {  	(xrf2) =	vadd.scan.msk.f32 $0xffff, v1;
	v1 =	vpop (erf);
	[tilespmem:s9+$0x3D0] =	vst v2;
	v2 =	vmul.f32 v12, v24  }
0x112: {  	[tilespmem:s9+$0x3E0] =	vst v3;
	v3 =	vmul.f32 v1, v36  }
0x113: {  	v38, _, _ =	vpop (xrf2);
	[tilespmem:s9+$0x3F0] =	vst v2;
	v2 =	vmul.f32 v1, v19  }
0x114: {  	v4 =	vmul.f32 $1.442695020e+00, v38;
	[tilespmem:s5+$0x380] =	vst v3;
	v3 =	vmul.f32 v1, v18  }
0x115: {  	v16 =	vld [tilespmem:$0x1FF90];
	[tilespmem:s5+$0x390] =	vst v2;
	v2 =	vmul.f32 v1, v8  }
0x116: {  	v4 =	vbroadcast v4, $0xF;
	[tilespmem:s5+$0x3A0] =	vst v3;
	v3 =	vmul.f32 v1, v40  }
0x117: {  	[tilespmem:s5+$0x3B0] =	vst v2;
	v2 =	vmul.f32 v1, v41  }
0x118: {  	[tilespmem:s5+$0x3C0] =	vst v3;
	v3 =	vmul.f32 v1, v42  }
0x119: {  	(erf) = vpow2.f32 v4;
	[tilespmem:s5+$0x3D0] =	vst v2;
	v2 =	vmul.f32 v1, v43  }
0x11a: {  	v17 =	vmul.f32 v12, v16;
	v4 =	vpop (erf);
	[tilespmem:s5+$0x3E0] =	vst v3  }
0x11b: {  	v3 =	vmul.f32 v4, v44;
	[tilespmem:s5+$0x3F0] =	vst v2;
	v2 =	vmul.f32 v4, v45;
	v45, _, _ =	vpop (xrf2)  }
0x11c: {  	[tilespmem:s9+$0x3A0] =	vst v17;
	v5 =	vmul.f32 $1.442695020e+00, v45  }
0x11d: {  	[tilespmem:s24+$0x380] =	vst v3;
	v3 =	vmul.f32 v4, v47  }
0x11e: {  	[tilespmem:s24+$0x390] =	vst v2;
	v2 =	vmul.f32 v4, v48;
	v5 =	vbroadcast v5, $0xF  }
0x11f: {  	[tilespmem:s24+$0x3A0] =	vst v3;
	v3 =	vmul.f32 v4, v49  }
0x120: {  	[tilespmem:s24+$0x3B0] =	vst v2;
	v2 =	vmul.f32 v4, v50  }
0x121: {  	[tilespmem:s24+$0x3C0] =	vst v3;
	v3 =	vmul.f32 v4, v51;
	(erf) = vpow2.f32 v5  }
0x122: {  	[tilespmem:s24+$0x3D0] =	vst v2;
	v2 =	vmul.f32 v4, v57;
	v5 =	vpop (erf)  }
0x123: {  	[tilespmem:s24+$0x3E0] =	vst v3;
	v3 =	vmul.f32 v5, v52  }
0x124: {  	[tilespmem:s24+$0x3F0] =	vst v2;
	v2 =	vmul.f32 v5, v53  }
0x125: {  	[tilespmem:s1+$0x380] =	vst v3;
	v3 =	vmul.f32 v5, v54  }
0x126: {  	[tilespmem:s1+$0x390] =	vst v2;
	v2 =	vmul.f32 v5, v55  }
0x127: {  	[tilespmem:s1+$0x3A0] =	vst v3;
	v3 =	vmul.f32 v5, v60  }
0x128: {  	[tilespmem:s1+$0x3B0] =	vst v2;
	v2 =	vmul.f32 v5, v32  }
0x129: {  	v57 =	vmov s15;
	[tilespmem:s1+$0x3C0] =	vst v3;
	v3 =	vmul.f32 v5, v33  }
0x12a: {  	v56 =	vmov s13;
	[tilespmem:s1+$0x3D0] =	vst v2;
	v2 =	vmul.f32 v5, v30;
	v16 =	vpop (erf)  }
0x12b: {  	v60 =	vmov s16;
	v42 =	vmul.f32 v16, v29;
	[tilespmem:s1+$0x3E0] =	vst v3  }
0x12c: {  	v32 =	vmov s21;
	v14 =	vmul.f32 v16, v14;
	[tilespmem:s1+$0x3F0] =	vst v2  }
0x12d: {  	v38 =	vmov s28;
	v3 =	vmul.f32 v16, v27;
	[tilespmem:s3+$0x3E0] =	vst v42  }
0x12e: {  	v6 =	vmov s18;
	v36 =	vld.idx.msk [tilespmem:v57+s22+$0x0], $0xffff;
	v2 =	vmul.f32 v16, v26;
	[tilespmem:s3+$0x3F0] =	vst v14  }
0x12f: {  	v58 =	vmov v7;
	v7 =	vmov s8;
	v33 =	vld.idx.msk [tilespmem:v56+s22+$0x0], $0xffff;
	[tilespmem:s3+$0x380] =	vst v3;
	v3 =	vmul.f32 v16, v28  }
0x130: {  	v41 =	vmov s25;
	v40 =	vld.idx.msk [tilespmem:v60+s22+$0x0], $0xffff;
	[tilespmem:s3+$0x390] =	vst v2;
	v2 =	vmul.f32 v16, v10  }
0x131: {  	v43 =	vld.idx.msk [tilespmem:v32+s22+$0x0], $0xffff;
	[tilespmem:s3+$0x3A0] =	vst v3;
	v3 =	vmul.f32 v16, v9  }
0x132: {  	v44 =	vld.idx.msk [tilespmem:v38+s22+$0x0], $0xffff;
	[tilespmem:s3+$0x3B0] =	vst v2;
	v2 =	vmul.f32 v16, v21  }
0x133: {  	v15 =	vshll.u32 v57, $0x7;
	v10 =	vand.u32 $0x7F, v36;
	[tilespmem:s3+$0x3C0] =	vst v3;
	v3 =	vld.idx.msk [tilespmem:v6+s22+$0x0], $0xffff  }
0x134: {  	v13 =	vshll.u32 v56, $0x7;
	v22 =	vand.u32 $0x7F, v33;
	v10 =	vor.u32 v15, v10;
	[tilespmem:s3+$0x3D0] =	vst v2;
	v2 =	vld.idx.msk [tilespmem:v7+s22+$0x0], $0xffff  }
0x135: {  	v45 =	vshll.u32 v60, $0x7;
	v13 =	vor.u32 v13, v22;
	v9 =	vand.u32 $0x7F, v40;
	v47 =	vld.idx.msk [tilespmem:v41+s22+$0x0], $0xffff  }
0x136: {  	v51 =	vshll.u32 v32, $0x7;
	v50 =	vand.u32 $0x7F, v43;
	v9 =	vor.u32 v45, v9  }
0x137: {  	v54 =	vshll.u32 v38, $0x7;
	v53 =	vand.u32 $0x7F, v44;
	v52 =	vor.u32 v51, v50  }
0x138: {  	v48 =	vshll.u32 v6, $0x7;
	v55 =	vor.u32 v54, v53;
	v3 =	vand.u32 $0x7F, v3  }
0x139: {  	v49 =	vshll.u32 v7, $0x7;
	[tilespmem:v10+s31+$0x0] =	vst.idx.msk $0xffff, v46;
	v2 =	vand.u32 $0x7F, v2;
	v3 =	vor.u32 v48, v3  }
0x13a: {  	v57 =	vshll.u32 v41, $0x7;
	[tilespmem:v13+s31+$0x0] =	vst.idx.msk $0xffff, v11;
	v2 =	vor.u32 v49, v2;
	v56 =	vand.u32 $0x7F, v47  }
0x13b: {  	p0 =	slt.u32 s13, $0x28;
	[tilespmem:v9+s31+$0x0] =	vst.idx.msk $0xffff, v25;
	v60 =	vor.u32 v57, v56  }
.Ltmp1:
0x13c: {  	[tilespmem:v52+s31+$0x0] =	vst.idx.msk $0xffff, v4;
	(pc) =	sbr.rel @p0 .LBB2_6-.Ltmp1, $4  }
0x13d: {  	[tilespmem:v55+s31+$0x0] =	vst.idx.msk $0xffff, v5  }
0x13e: {  	[tilespmem:v3+s31+$0x0] =	vst.idx.msk $0xffff, v12  }
0x13f: {  	s28 =	sadd.s32 $0x8, s13;
	[tilespmem:v2+s31+$0x0] =	vst.idx.msk $0xffff, v1  }
0x140: {  	v59 =	vmov v39;
	v61 =	vmov v37;
	s13 =	smov.u32 s28;
	[tilespmem:v60+s31+$0x0] =	vst.idx.msk $0xffff, v16  }
0x141: {  	s1 =	simm.s32 $0x380  }
0x142: {  	[spmem:s2] =	stream.indirect.scatter.add.f32 [tilespmem:s1], [sflag:$0x3], $0x80, s22, s0, $0xb8;
	[tilespmem:$0x1BC00] =	vst v63  }
0x143: {  	_ =	swait.ge [sflag:s20], $0x1800  }
0x144: {  	s10 =	simm.s32 $0x0;
	s13 =	simm.s32 $0x3;
	[sflag:s20] =	ssyncset.done $0x0  }
0x145: {  	s3 =	simm.s32 $0x180;
	s14 =	simm.s32 $0x2;
	v1 =	vmov s10;
	[sflag:s20] =	ssyncadd.s32 $0xFFFFE800  }
0x146: {  	v2 =	vmov s13;
	[spmem:s2] =	stream.indirect.scatter.add.f32 [tilespmem:s31], [sflag:$0x3], $0x80, s3, s0, $0xb8;
	[tilespmem:$0x1BC00] =	vst v63  }
0x147: {  	s15 =	simm.s32 $0x1;
	v3 =	vmov s14;
	_ =	swait.ge [sflag:s20], $0x1800  }
0x148: {  	v4 =	vmov s15;
	[sflag:s20] =	ssyncset.done $0x0  }
0x149: {  	s16 =	simm.s32 $0x4;
	[sflag:s20] =	ssyncadd.s32 $0xFFFFE800  }
0x14a: {  	s17 =	simm.s32 $0x7;
	v14 =	vmov s16;
	v5 =	vld.idx.msk [tilespmem:v1+s22+$0x0], $0xffff  }
0x14b: {  	v15 =	vmov s17;
	v10 =	vld.idx.msk [tilespmem:v2+s22+$0x0], $0xffff  }
0x14c: {  	s18 =	simm.s32 $0x6;
	v16 =	vld.idx.msk [tilespmem:v3+s22+$0x0], $0xffff  }
0x14d: {  	s21 =	simm.s32 $0x5;
	s23 =	simm.s32 $0x8;
	s24 =	simm.s32 $0xB;
	v11 =	vmov s18;
	v19 =	vld.idx.msk [tilespmem:v4+s22+$0x0], $0xffff  }
0x14e: {  	v13 =	vmov s21;
	v9 =	vmov s23;
	v12 =	vmov s24  }
0x14f: {  	v1 =	vshll.u32 v1, $0x7;
	v18 =	vld.idx.msk [tilespmem:v14+s22+$0x0], $0xffff;
	v2 =	vshll.u32 v2, $0x7;
	v5 =	vand.u32 $0x7F, v5  }
0x150: {  	v22 =	vld.idx.msk [tilespmem:v15+s22+$0x0], $0xffff;
	v4 =	vshll.u32 v4, $0x7;
	v10 =	vand.u32 $0x7F, v10;
	v21 =	vor.u32 v1, v5  }
0x151: {  	s25 =	simm.s32 $0xA;
	v17 =	vor.u32 v2, v10;
	v1 =	vand.u32 $0x7F, v16;
	v2 =	vshll.u32 v3, $0x7  }
0x152: {  	s28 =	simm.s32 $0x9;
	v20 =	vld.idx.msk [tilespmem:v11+s22+$0x0], $0xffff;
	v10 =	vmov s25;
	v3 =	vand.u32 $0x7F, v19;
	v24 =	vor.u32 v2, v1  }
0x153: {  	s1 =	simm.s32 $0xC;
	v23 =	vld.idx.msk [tilespmem:v13+s22+$0x0], $0xffff;
	v16 =	vmov s28;
	v19 =	vor.u32 v4, v3  }
.LBB2_8:
0x154: {  	v1 =	vshll.u32 v14, $0x7;
	v14 =	vmovc v9;
	v2 =	vmov v18;
	v18 =	vld.idx.msk [tilespmem:v9+s22+$0x0], $0xffff;
	v9 =	vmov s1;
	p0 =	slt.u32 s1, $0x2C  }
.Ltmp2:
0x155: {  	s3 =	sadd.s32 $0x3, s1;
	v3 =	vand.u32 $0x7F, v22;
	v4 =	vshll.u32 v15, $0x7;
	v15 =	vmovc v12;
	v2 =	vand.u32 $0x7F, v2;
	v22 =	vld.idx.msk [tilespmem:v12+s22+$0x0], $0xffff;
	[tilespmem:v21+s31+$0x0] =	vst.idx.msk $0xffff, v0;
	(pc) =	sbr.rel @p0 .LBB2_8-.Ltmp2, $4  }
0x156: {  	s5 =	sadd.s32 $0x2, s1;
	v12 =	vmov s3;
	v21 =	vor.u32 v1, v2;
	[tilespmem:v17+s31+$0x0] =	vst.idx.msk $0xffff, v0;
	v17 =	vor.u32 v4, v3  }
0x157: {  	v1 =	vand.u32 $0x7F, v20;
	v2 =	vshll.u32 v11, $0x7;
	v11 =	vmovc v10;
	v20 =	vld.idx.msk [tilespmem:v10+s22+$0x0], $0xffff;
	[tilespmem:v24+s31+$0x0] =	vst.idx.msk $0xffff, v0;
	v10 =	vmov s5  }
0x158: {  	s3 =	sadd.s32 $0x1, s1;
	s1 =	sadd.s32 $0x4, s1;
	v4 =	vshll.u32 v13, $0x7;
	v3 =	vand.u32 $0x7F, v23;
	v24 =	vor.u32 v2, v1;
	v23 =	vld.idx.msk [tilespmem:v16+s22+$0x0], $0xffff;
	[tilespmem:v19+s31+$0x0] =	vst.idx.msk $0xffff, v0  }
0x159: {  	v13 =	vmov v16;
	v19 =	vor.u32 v4, v3;
	v16 =	vmov s3  }
0x15a: {  	_ =	sdelay $0x3  }
0x15b: {  	v1 =	vld.idx.msk [tilespmem:v9+s22+$0x0], $0xffff  }
0x15c: {  	v2 =	vshll.u32 v14, $0x7;
	v3 =	vld.idx.msk [tilespmem:v12+s22+$0x0], $0xffff;
	v4 =	vand.u32 $0x7F, v18  }
0x15d: {  	v5 =	vand.u32 $0x7F, v22;
	v46 =	vshll.u32 v15, $0x7;
	v49 =	vld.idx.msk [tilespmem:v16+s22+$0x0], $0xffff;
	v2 =	vor.u32 v2, v4  }
0x15e: {  	v47 =	vld.idx.msk [tilespmem:v10+s22+$0x0], $0xffff;
	[tilespmem:v21+s31+$0x0] =	vst.idx.msk $0xffff, v0;
	v11 =	vshll.u32 v11, $0x7;
	v5 =	vor.u32 v46, v5;
	v48 =	vand.u32 $0x7F, v20  }
0x15f: {  	[tilespmem:v17+s31+$0x0] =	vst.idx.msk $0xffff, v0;
	v13 =	vshll.u32 v13, $0x7;
	v50 =	vand.u32 $0x7F, v23;
	v11 =	vor.u32 v11, v48  }
0x160: {  	[tilespmem:v24+s31+$0x0] =	vst.idx.msk $0xffff, v0;
	v51 =	vshll.u32 v9, $0x7;
	v13 =	vor.u32 v13, v50;
	v1 =	vand.u32 $0x7F, v1  }
0x161: {  	[tilespmem:v19+s31+$0x0] =	vst.idx.msk $0xffff, v0;
	v52 =	vshll.u32 v12, $0x7;
	v3 =	vand.u32 $0x7F, v3;
	v1 =	vor.u32 v51, v1  }
0x162: {  	s13 =	sshll.u32 s12, $0x1;
	v55 =	vshll.u32 v16, $0x7;
	v54 =	vand.u32 $0x7F, v49;
	[tilespmem:v2+s31+$0x0] =	vst.idx.msk $0xffff, v0;
	v2 =	vor.u32 v52, v3  }
0x163: {  	v53 =	vshll.u32 v10, $0x7;
	s1 =	sadd.s32 $0x2, s13;
	v3 =	vand.u32 $0x7F, v47;
	[tilespmem:v5+s31+$0x0] =	vst.idx.msk $0xffff, v0;
	v56 =	vor.u32 v55, v54  }
0x164: {  	s3 =	smul.u32 $0x30, s1;
	v3 =	vor.u32 v53, v3;
	[tilespmem:v11+s31+$0x0] =	vst.idx.msk $0xffff, v0  }
0x165: {  	p0 =	seq.s32 s1, $0xDE;
	[tilespmem:v13+s31+$0x0] =	vst.idx.msk $0xffff, v0  }
0x166: {  	s3 =	simm.s32 @p0 $0x0;
	[tilespmem:v1+s31+$0x0] =	vst.idx.msk $0xffff, v0  }
0x167: {  	s24 =	sadd.s32 s11, s3;
	[tilespmem:v2+s31+$0x0] =	vst.idx.msk $0xffff, v0  }
0x168: {  	s1 =	sshrl.u32 s24, $0x3;
	[tilespmem:v56+s31+$0x0] =	vst.idx.msk $0xffff, v0  }
0x169: {  	s15 =	simm.s32 $0x0;
	s25 =	sadd.s32 s6, s1;
	[tilespmem:v3+s31+$0x0] =	vst.idx.msk $0xffff, v0  }
0x16a: {  	[tilespmem:s15], [sflag:$0x3] =	stream.linear.gather [hbm4b:s25+s15], $0x30, $0x38;
	[tilespmem:$0x1BC00] =	vst v63  }
0x16b: {  	_ =	swait.ge [sflag:s20], $0x30  }
0x16c: {  	[sflag:s20] =	ssyncset.done $0x0  }
0x16d: {  	s1 =	sadd.s32 s29, s1;
	[sflag:s20] =	ssyncadd.s32 $0xFFFFFFD0  }
0x16e: {  	[tilespmem:s22], [sflag:$0x3] =	stream.linear.gather [hbm4b:s1+s15], $0x30, $0x38;
	[tilespmem:$0x1BC00] =	vst v63  }
0x16f: {  	_ =	swait.ge [sflag:s20], $0x30  }
0x170: {  	[sflag:s20] =	ssyncset.done $0x0;
	v6 =	vld [tilespmem:$0x1FFB0]  }
0x171: {  	v7 =	vld [tilespmem:$0x1FFC0];
	[sflag:s20] =	ssyncadd.s32 $0xFFFFFFD0  }
0x172: {  	v1 =	vld [tilespmem:$0x0]  }
0x173: {  	v2 =	vld [tilespmem:$0x80];
	_ =	sdelay $0x1  }
0x174: {  	v3 =	vld [tilespmem:$0x10]  }
0x175: {  	v57 =	vld [tilespmem:$0x90]  }
0x176: {  	v1 =	vadd.s32 v6, v1  }
0x177: {  	v60 =	vld [tilespmem:$0x20];
	[tilespmem:$0x280] =	vst v1;
	v1 =	vadd.s32 v7, v2;
	v2 =	vshrl.u32 v2, $0x7  }
0x178: {  	[tilespmem:$0x2B0] =	vst v1;
	v1 =	vadd.s32 $0x2780, v2;
	v2 =	vld [tilespmem:$0xA0]  }
0x179: {  	[tilespmem:$0x180] =	vst v1;
	v1 =	vadd.s32 v6, v3  }
0x17a: {  	v3 =	vshrl.u32 v57, $0x7;
	[tilespmem:$0x290] =	vst v1;
	v1 =	vadd.s32 v7, v57  }
0x17b: {  	[tilespmem:$0x2C0] =	vst v1;
	v1 =	vadd.s32 $0x2780, v3  }
0x17c: {  	[tilespmem:$0x190] =	vst v1;
	v1 =	vadd.s32 v6, v60  }
0x17d: {  	[tilespmem:$0x2A0] =	vst v1;
	v1 =	vadd.s32 v7, v2;
	v2 =	vshrl.u32 v2, $0x7  }
0x17e: {  	s23 =	smov.u32 s29;
	[tilespmem:$0x2D0] =	vst v1;
	v1 =	vadd.s32 $0x2780, v2  }
0x17f: {  	s28 =	simm.s32 $0x60;
	s5 =	simm.s32 $0x380;
	s29 =	simm.s32 $0x280;
	[tilespmem:$0x1A0] =	vst v1  }
0x180: {  	[tilespmem:s5], [sflag:$0x1] =	stream.indirect.gather [hbm4b:s4+s28], $0x80, s29, s28, $0xb8;
	[tilespmem:$0x1BC00] =	vst v63  }
0x181: {  	_ =	swait.ge [sflag:s19], $0x3000  }
0x182: {  	[sflag:s19] =	ssyncset.done $0x0  }
0x183: {  	v56 =	vmov v63;
	[sflag:s19] =	ssyncadd.s32 $0xFFFFD000  }
.LBB2_10:
0x184: {  	s1 =	sshll.u32 s15, $0x7  }
0x185: {  	s18 =	sand.u32 $0x3FFFFF80, s1  }
0x186: {  	v40 =	vld [tilespmem:s18+$0x3380]  }
0x187: {  	v1 =	vld [tilespmem:s18+$0x4B80]  }
0x188: {  	v41 =	vld [tilespmem:s18+$0x3390]  }
0x189: {  	v2 =	vld [tilespmem:s18+$0x4B90]  }
0x18a: {  	v43 =	vld [tilespmem:s18+$0x33A0]  }
0x18b: {  	v3 =	vld [tilespmem:s18+$0x4BA0]  }
0x18c: {  	v42 =	vld [tilespmem:s18+$0x33B0]  }
0x18d: {  	v4 =	vld [tilespmem:s18+$0x4BB0];
	v1 =	vadd.f32 v1, v40  }
0x18e: {  	v44 =	vld [tilespmem:s18+$0x33C0]  }
0x18f: {  	v9 =	vld [tilespmem:s18+$0x4BC0];
	v2 =	vadd.f32 v2, v41;
	v5 =	vmul.f32 $2.000000030e-01, v1  }
0x190: {  	v45 =	vld [tilespmem:s18+$0x33D0]  }
0x191: {  	v10 =	vld [tilespmem:s18+$0x4BD0];
	v3 =	vadd.f32 v3, v43;
	v21 =	vmul.f32 $2.000000030e-01, v2;
	v1 =	vmax.f32 v1, v5  }
0x192: {  	v46 =	vld [tilespmem:s18+$0x33E0];
	v1 =	vmul.f32 v1, v56  }
0x193: {  	v11 =	vld [tilespmem:s18+$0x4BE0];
	v4 =	vadd.f32 v4, v42;
	v22 =	vmul.f32 $2.000000030e-01, v3;
	v2 =	vmax.f32 v2, v21  }
0x194: {  	v47 =	vld [tilespmem:s18+$0x33F0];
	v2 =	vmul.f32 v2, v58;
	v1 =	vadd.f32 $0.0e+00, v1  }
0x195: {  	v49 =	vld [tilespmem:s18+$0x4C00];
	v9 =	vadd.f32 v9, v44;
	v23 =	vmul.f32 $2.000000030e-01, v4;
	v3 =	vmax.f32 v3, v22  }
0x196: {  	v1 =	vadd.f32 v2, v1;
	v2 =	vmul.f32 v3, v62;
	v3 =	vld [tilespmem:s18+$0x4BF0]  }
0x197: {  	v50 =	vld [tilespmem:s18+$0x4C10];
	v10 =	vadd.f32 v10, v45;
	v24 =	vmul.f32 $2.000000030e-01, v9;
	v4 =	vmax.f32 v4, v23  }
0x198: {  	v51 =	vld [tilespmem:s18+$0x4C50];
	v1 =	vadd.f32 v2, v1;
	v2 =	vmul.f32 v4, v35  }
0x199: {  	v52 =	vld [tilespmem:s18+$0x4C60];
	v27 =	vadd.f32 v11, v46;
	v26 =	vmul.f32 $2.000000030e-01, v10;
	v25 =	vmax.f32 v9, v24  }
0x19a: {  	s16 =	sor.u32 $0x1, s15;
	v18 =	vld [tilespmem:s18+$0x4C70];
	v1 =	vadd.f32 v2, v1;
	v2 =	vmul.f32 v25, v31  }
0x19b: {  	s17 =	sshll.u32 s16, $0x7;
	v12 =	vld [tilespmem:s18+$0x4C80];
	v36 =	vmul.f32 $2.000000030e-01, v27;
	v33 =	vmax.f32 v10, v26;
	v3 =	vadd.f32 v3, v47  }
0x19c: {  	s5 =	sand.u32 $0x3FFFFF80, s17;
	v15 =	vld [tilespmem:s18+$0x4C90];
	v1 =	vadd.f32 v2, v1;
	v2 =	vmul.f32 v33, v34  }
0x19d: {  	v32 =	vld [tilespmem:s5+$0x3380];
	v38 =	vmax.f32 v27, v36;
	v48 =	vmul.f32 $2.000000030e-01, v3  }
0x19e: {  	v63 =	vld [tilespmem:s5+$0x3390];
	v1 =	vadd.f32 v2, v1;
	v2 =	vmul.f32 v38, v59  }
0x19f: {  	v30 =	vld [tilespmem:s5+$0x33C0];
	v3 =	vmax.f32 v3, v48  }
0x1a0: {  	v1 =	vadd.f32 v2, v1;
	v2 =	vmul.f32 v3, v61;
	v61 =	vld [tilespmem:s5+$0x33A0]  }
0x1a1: {  	s17 =	sor.u32 $0x2, s15;
	v3 =	vld [tilespmem:s18+$0x4C20]  }
0x1a2: {  	s21 =	sshll.u32 s17, $0x7;
	v9 =	vadd.f32 v49, v32;
	v33 =	vld [tilespmem:s5+$0x33B0]  }
0x1a3: {  	s9 =	sand.u32 $0x3FFFFF80, s21;
	v1 =	vadd.f32 v2, v1;
	v2 =	vld [tilespmem:s18+$0x4C30]  }
0x1a4: {  	v28 =	vld [tilespmem:s9+$0x3390];
	v53 =	vmul.f32 $2.000000030e-01, v9;
	v4 =	vadd.f32 v50, v63  }
0x1a5: {  	(xrf2) =	vadd.scan.msk.f32 $0xffff, v1;
	v1 =	vld [tilespmem:s18+$0x4C40]  }
0x1a6: {  	v60 =	vld [tilespmem:s18+$0x4CA0];
	v9 =	vmax.f32 v9, v53;
	v54 =	vmul.f32 $2.000000030e-01, v4;
	v3 =	vadd.f32 v3, v61  }
0x1a7: {  	v9 =	vmul.f32 v9, v56;
	v59 =	vld [tilespmem:s5+$0x33D0]  }
0x1a8: {  	v26 =	vld [tilespmem:s9+$0x3380];
	v4 =	vmax.f32 v4, v54;
	v55 =	vmul.f32 $2.000000030e-01, v3;
	v2 =	vadd.f32 v2, v33  }
0x1a9: {  	v7 =	vld [tilespmem:s9+$0x33C0];
	v15 =	vadd.f32 v15, v28;
	v9 =	vadd.f32 $0.0e+00, v9;
	v4 =	vmul.f32 v4, v58  }
0x1aa: {  	v27 =	vld [tilespmem:s5+$0x33E0];
	v3 =	vmax.f32 v3, v55;
	v57 =	vmul.f32 $2.000000030e-01, v2;
	v1 =	vadd.f32 v1, v30  }
0x1ab: {  	v16 =	vmul.f32 $2.000000030e-01, v15;
	v50 =	vld [tilespmem:s18+$0x4CC0];
	v4 =	vadd.f32 v4, v9;
	v3 =	vmul.f32 v3, v62  }
0x1ac: {  	v29 =	vld [tilespmem:s9+$0x33A0];
	v5 =	vadd.f32 v51, v59;
	v2 =	vmax.f32 v2, v57;
	v19 =	vmul.f32 $2.000000030e-01, v1  }
0x1ad: {  	v21 =	vld [tilespmem:s9+$0x33B0];
	v49 =	vadd.f32 v12, v26;
	v3 =	vadd.f32 v3, v4;
	v2 =	vmul.f32 v2, v35  }
0x1ae: {  	v24 =	vld [tilespmem:s18+$0x4CB0];
	v54 =	vmax.f32 v15, v16;
	v48 =	vmul.f32 $2.000000030e-01, v5;
	v1 =	vmax.f32 v1, v19  }
0x1af: {  	v25 =	vld [tilespmem:s5+$0x33F0];
	v2 =	vadd.f32 v2, v3;
	v1 =	vmul.f32 v1, v31;
	v3 =	vadd.f32 v52, v27  }
0x1b0: {  	v17 =	vld [tilespmem:s18+$0x4CD0];
	v10 =	vadd.f32 v50, v7;
	v51 =	vmul.f32 $2.000000030e-01, v49;
	v5 =	vmax.f32 v5, v48  }
0x1b1: {  	v6 =	vld [tilespmem:s9+$0x33E0];
	v1 =	vadd.f32 v1, v2;
	v2 =	vmul.f32 v5, v34;
	v52 =	vmul.f32 $2.000000030e-01, v3  }
0x1b2: {  	v8 =	vld [tilespmem:s9+$0x33F0];
	v9 =	vadd.f32 v60, v29;
	v36 =	vmul.f32 $2.000000030e-01, v10;
	v11 =	vmax.f32 v49, v51  }
0x1b3: {  	v38 =	vld [tilespmem:s9+$0x33D0];
	v1 =	vadd.f32 v2, v1;
	v2 =	vmax.f32 v3, v52;
	v3 =	vmul.f32 v11, v56  }
0x1b4: {  	s14 =	sor.u32 $0x3, s15;
	v53 =	vld [tilespmem:s18+$0x4CE0];
	v20 =	vadd.f32 v18, v25;
	v55 =	vmul.f32 $2.000000030e-01, v9;
	v4 =	vadd.f32 v24, v21  }
0x1b5: {  	s24 =	sshll.u32 s14, $0x7;
	v16 =	vld [tilespmem:s18+$0x4D40];
	v11 =	vmul.f32 v54, v58;
	v2 =	vmul.f32 v2, v39;
	v3 =	vadd.f32 $0.0e+00, v3  }
0x1b6: {  	s8 =	sand.u32 $0x3FFFFF80, s24;
	v60 =	vld [tilespmem:s18+$0x4D00];
	v10 =	vmax.f32 v10, v36;
	v9 =	vmax.f32 v9, v55;
	v19 =	vmul.f32 $2.000000030e-01, v4  }
0x1b7: {  	v57 =	vld [tilespmem:s8+$0x3380];
	v1 =	vadd.f32 v2, v1;
	v2 =	vadd.f32 v11, v3;
	v3 =	vmul.f32 v9, v62  }
0x1b8: {  	v50 =	vld [tilespmem:s18+$0x4D10];
	v22 =	vmul.f32 $2.000000030e-01, v20;
	v48 =	vadd.f32 v17, v38;
	v13, _, _ =	vpop (xrf2);
	v4 =	vmax.f32 v4, v19  }
0x1b9: {  	v49 =	vld [tilespmem:s8+$0x3390];
	v13 =	vmul.f32 $1.442695020e+00, v13;
	v2 =	vadd.f32 v3, v2;
	v3 =	vmul.f32 v4, v35  }
0x1ba: {  	v22 =	vmax.f32 v20, v22;
	v51 =	vmul.f32 $2.000000030e-01, v48;
	v5 =	vadd.f32 v53, v6;
	v53 =	vld [tilespmem:s18+$0x4D20]  }
0x1bb: {  	v13 =	vbroadcast v13, $0xF;
	v52 =	vld [tilespmem:s8+$0x33A0];
	v2 =	vadd.f32 v3, v2;
	v3 =	vmul.f32 v10, v31  }
0x1bc: {  	v55 =	vld [tilespmem:s18+$0x4D30];
	v23 =	vmul.f32 $2.000000030e-01, v5;
	v11 =	vmax.f32 v48, v51;
	v9 =	vadd.f32 v60, v57  }
0x1bd: {  	v54 =	vld [tilespmem:s8+$0x33B0];
	(erf) = vpow2.f32 v13;
	v2 =	vadd.f32 v3, v2;
	v3 =	vmul.f32 v11, v34  }
0x1be: {  	v24 =	vld [tilespmem:s18+$0x4CF0];
	[tilespmem:$0x1FEB0] =	vst v57;
	v5 =	vmax.f32 v5, v23;
	v57 =	vmul.f32 $2.000000030e-01, v9;
	v4 =	vadd.f32 v50, v49  }
0x1bf: {  	v60 =	vld [tilespmem:s8+$0x33C0];
	v31 =	vmul.f32 v22, v37;
	v2 =	vadd.f32 v3, v2;
	v3 =	vmul.f32 v5, v39  }
0x1c0: {  	v18 =	vld [tilespmem:s8+$0x33D0];
	v9 =	vmax.f32 v9, v57;
	v17 =	vmul.f32 $2.000000030e-01, v4;
	v10 =	vadd.f32 v53, v52  }
0x1c1: {  	v19 =	vld [tilespmem:s18+$0x4D50];
	v1 =	vadd.f32 v31, v1;
	v2 =	vadd.f32 v3, v2;
	v3 =	vmul.f32 v9, v56  }
0x1c2: {  	v51 =	vld [tilespmem:$0x1FFD0];
	v4 =	vmax.f32 v4, v17;
	v31 =	vmul.f32 $2.000000030e-01, v10;
	v11 =	vadd.f32 v55, v54  }
0x1c3: {  	v23 =	vld [tilespmem:s8+$0x33E0];
	v22 =	vadd.f32 v24, v8;
	v4 =	vmul.f32 v4, v58;
	v3 =	vadd.f32 $0.0e+00, v3  }
0x1c4: {  	v53 =	vld [tilespmem:$0x1FFE0];
	v10 =	vmax.f32 v10, v31;
	v31 =	vmul.f32 $2.000000030e-01, v11;
	v5 =	vadd.f32 v16, v60  }
0x1c5: {  	[tilespmem:$0x1FEC0] =	vst v49;
	v48 =	vld [tilespmem:s18+$0x4D60];
	v49 =	vmul.f32 v10, v62;
	v3 =	vadd.f32 v4, v3  }
0x1c6: {  	s10 =	sor.u32 $0x4, s15;
	v50 =	vld [tilespmem:s18+$0x4D70];
	v36 =	vmul.f32 $2.000000030e-01, v22;
	v11 =	vmax.f32 v11, v31;
	v31 =	vmul.f32 $2.000000030e-01, v5  }
0x1c7: {  	s25 =	sshll.u32 s10, $0x7;
	v24 =	vld [tilespmem:s8+$0x33F0];
	v4 =	vmul.f32 v11, v51;
	v3 =	vadd.f32 v49, v3  }
0x1c8: {  	s21 =	sand.u32 $0x3FFFFF80, s25;
	v57 =	vld [tilespmem:s18+$0x4D80];
	v34 =	vmax.f32 v22, v36;
	v5 =	vmax.f32 v5, v31  }
0x1c9: {  	v17 =	vld [tilespmem:s21+$0x33A0];
	v13 =	vpop (erf);
	(xrf2) =	vadd.scan.msk.f32 $0xffff, v1;
	v1 =	vmul.f32 v34, v37;
	v3 =	vadd.f32 v4, v3;
	v4 =	vmul.f32 v5, v53  }
0x1ca: {  	v12 =	vmul.f32 v13, v40;
	v40 =	vld [tilespmem:s21+$0x33C0];
	v9 =	vadd.f32 v19, v18  }
0x1cb: {  	v1 =	vadd.f32 v1, v2;
	v2 =	vadd.f32 v4, v3;
	v3 =	vld [tilespmem:$0x1FFF0]  }
0x1cc: {  	v14 =	vmul.f32 v13, v41;
	v41 =	vld [tilespmem:s21+$0x33D0]  }
0x1cd: {  	[tilespmem:$0x1FED0] =	vst v52;
	v20 =	vmul.f32 v13, v46;
	v46 =	vld [tilespmem:s18+$0x4DE0];
	v52 =	vmul.f32 $2.000000030e-01, v9;
	v31 =	vadd.f32 v48, v23  }
0x1ce: {  	s24 =	sor.u32 $0x5, s15;
	v15 =	vmul.f32 v13, v43;
	v43 =	vld [tilespmem:s21+$0x33F0]  }
0x1cf: {  	s28 =	sshll.u32 s24, $0x7;
	[tilespmem:$0x1FEE0] =	vst v54;
	v36 =	vld [tilespmem:s21+$0x3380];
	v10 =	vadd.f32 v50, v24;
	v54 =	vmax.f32 v9, v52;
	v55 =	vmul.f32 $2.000000030e-01, v31  }
0x1d0: {  	s28 =	sand.u32 $0x3FFFFF80, s28;
	[tilespmem:$0x1FE80] =	vst v7;
	v16 =	vld [tilespmem:s21+$0x33B0];
	(xrf2) =	vadd.scan.msk.f32 $0xffff, v1;
	v3 =	vmul.f32 v54, v3  }
0x1d1: {  	[tilespmem:$0x1FEF0] =	vst v60;
	v22 =	vmul.f32 v13, v47;
	v47 =	vld [tilespmem:s28+$0x33A0];
	v7 =	vmul.f32 $2.000000030e-01, v10;
	v60 =	vmax.f32 v31, v55  }
0x1d2: {  	v34 =	vmul.f32 v13, v42;
	v42 =	vld [tilespmem:s21+$0x33E0];
	v1 =	vadd.f32 v3, v2;
	v2 =	vmul.f32 v60, v39  }
0x1d3: {  	[tilespmem:$0x1FF00] =	vst v18;
	v18 =	vld [tilespmem:s21+$0x3390];
	v9 =	vmax.f32 v10, v7  }
0x1d4: {  	v10 =	vld [tilespmem:s18+$0x4DA0];
	v1 =	vadd.f32 v2, v1;
	v2 =	vmul.f32 v9, v37  }
0x1d5: {  	v3 =	vld [tilespmem:s18+$0x4D90]  }
0x1d6: {  	v50 =	vld [tilespmem:s18+$0x4E00];
	v1 =	vadd.f32 v2, v1  }
0x1d7: {  	v4 =	vadd.f32 v57, v36;
	v2 =	vld [tilespmem:s18+$0x4DB0]  }
0x1d8: {  	v19 =	vmul.f32 v13, v45;
	v45 =	vld [tilespmem:s28+$0x3390];
	v31, _, _ =	vpop (xrf2);
	(xrf2) =	vadd.scan.msk.f32 $0xffff, v1  }
0x1d9: {  	v48 =	vld [tilespmem:s18+$0x4DD0];
	v55 =	vmul.f32 $2.000000030e-01, v4  }
0x1da: {  	v11 =	vld [tilespmem:s18+$0x4DC0];
	v5 =	vadd.f32 v10, v17;
	v54, _, _ =	vpop (xrf2);
	v3 =	vadd.f32 v3, v18;
	v1 =	vmul.f32 $1.442695020e+00, v31  }
0x1db: {  	v52 =	vld [tilespmem:s18+$0x4DF0];
	v4 =	vmax.f32 v4, v55;
	v31 =	vmul.f32 v13, v44;
	v44 =	vmul.f32 $1.442695020e+00, v54  }
0x1dc: {  	v57 =	vmul.f32 $2.000000030e-01, v3;
	v53 =	vbroadcast v1, $0xF;
	v1 =	vld [tilespmem:$0x1FFD0];
	v2 =	vadd.f32 v2, v16  }
0x1dd: {  	s1 =	sor.u32 $0x6, s15;
	v51 =	vld [tilespmem:s18+$0x4E10];
	v49 =	vmul.f32 $2.000000030e-01, v5;
	v4 =	vmul.f32 v4, v56  }
0x1de: {  	s3 =	sshll.u32 s1, $0x7;
	v60 =	vbroadcast v44, $0xF;
	v44 =	vld [tilespmem:s28+$0x3380];
	v3 =	vmax.f32 v3, v57;
	v9 =	vmul.f32 $2.000000030e-01, v2  }
0x1df: {  	s3 =	sand.u32 $0x3FFFFF80, s3;
	v7 =	vld [tilespmem:s18+$0x4E80];
	v35 =	vadd.f32 v11, v40;
	v4 =	vadd.f32 $0.0e+00, v4;
	v3 =	vmul.f32 v3, v58  }
0x1e0: {  	[tilespmem:$0x1FE90] =	vst v6;
	v6 =	vadd.f32 v52, v43;
	v52 =	vld [tilespmem:s3+$0x3380];
	v5 =	vmax.f32 v5, v49;
	v2 =	vmax.f32 v2, v9  }
0x1e1: {  	v10 =	vmul.f32 v5, v62;
	v3 =	vadd.f32 v3, v4;
	v2 =	vmul.f32 v2, v1;
	v1 =	vld [tilespmem:$0x1FFE0]  }
0x1e2: {  	[tilespmem:$0x1FEA0] =	vst v8;
	v11 =	vmul.f32 $2.000000030e-01, v35;
	v49 =	vld [tilespmem:s28+$0x33C0];
	(erf) = vpow2.f32 v53;
	v8, _, _ =	vpop (xrf2)  }
0x1e3: {  	v55 =	vld [tilespmem:s18+$0x4E20];
	v9 =	vadd.f32 v50, v44;
	v3 =	vadd.f32 v10, v3;
	v53 =	vmul.f32 $1.442695020e+00, v8  }
0x1e4: {  	v54 =	vadd.f32 v48, v41;
	v48 =	vld [tilespmem:s28+$0x33B0];
	(erf) = vpow2.f32 v60;
	v60 =	vmax.f32 v35, v11  }
0x1e5: {  	v11 =	vmul.f32 $2.000000030e-01, v9;
	v2 =	vadd.f32 v2, v3;
	v57 =	vbroadcast v53, $0xF;
	v53 =	vld [tilespmem:s18+$0x4E30]  }
0x1e6: {  	v8 =	vmul.f32 $2.000000030e-01, v54;
	v3 =	vmul.f32 v60, v1;
	v60 =	vadd.f32 v51, v45;
	v1 =	vld [tilespmem:$0x1FFF0]  }
0x1e7: {  	v5 =	vmax.f32 v9, v11;
	(erf) = vpow2.f32 v57;
	v57 =	vld [tilespmem:s18+$0x4E40]  }
0x1e8: {  	v50 =	vld [tilespmem:s28+$0x33D0];
	v5 =	vmul.f32 v5, v56;
	v10 =	vmax.f32 v54, v8;
	v8 =	vmul.f32 $2.000000030e-01, v60  }
0x1e9: {  	v4 =	vadd.f32 v46, v42;
	v9 =	vadd.f32 v55, v47;
	v55 =	vld [tilespmem:s18+$0x4E50]  }
0x1ea: {  	v51 =	vld [tilespmem:s28+$0x33E0];
	v5 =	vadd.f32 $0.0e+00, v5;
	v35 =	vmax.f32 v60, v8;
	v60 =	vadd.f32 v53, v48  }
0x1eb: {  	v2 =	vadd.f32 v3, v2;
	v8 =	vld [tilespmem:s18+$0x4E90];
	v3 =	vmul.f32 v10, v1;
	v10 =	vmul.f32 $2.000000030e-01, v9  }
0x1ec: {  	v1 =	vld [tilespmem:s18+$0x4E60];
	v35 =	vmul.f32 v35, v58;
	v11 =	vmul.f32 $2.000000030e-01, v60;
	v57 =	vadd.f32 v57, v49  }
0x1ed: {  	v2 =	vadd.f32 v3, v2;
	v3 =	vmul.f32 $2.000000030e-01, v4;
	v46 =	vmax.f32 v9, v10;
	v10 =	vld [tilespmem:$0x1FFD0]  }
0x1ee: {  	v53 =	vld [tilespmem:s3+$0x3390];
	v54 =	vmax.f32 v60, v11;
	v60 =	vmul.f32 $2.000000030e-01, v57  }
0x1ef: {  	v9 =	vld [tilespmem:$0x1FFE0];
	v3 =	vmax.f32 v4, v3;
	v4 =	vadd.f32 v35, v5;
	v35 =	vmul.f32 $2.000000030e-01, v6  }
0x1f0: {  	v5 =	vmul.f32 v46, v62;
	v57 =	vmax.f32 v57, v60;
	v60 =	vld [tilespmem:s18+$0x4EA0]  }
0x1f1: {  	v11 =	vadd.f32 v55, v50;
	v3 =	vmul.f32 v3, v39;
	v6 =	vmax.f32 v6, v35;
	v35 =	vld [tilespmem:$0x1FFF0]  }
0x1f2: {  	v1 =	vadd.f32 v1, v51;
	v4 =	vadd.f32 v5, v4;
	v5 =	vmul.f32 v54, v10;
	v54 =	vld [tilespmem:s3+$0x33A0]  }
0x1f3: {  	v10 =	vmul.f32 $2.000000030e-01, v11;
	v2 =	vadd.f32 v3, v2;
	v3 =	vmul.f32 v6, v37  }
0x1f4: {  	v55 =	vld [tilespmem:s3+$0x33B0];
	v8 =	vadd.f32 v8, v53;
	v4 =	vadd.f32 v5, v4;
	v5 =	vmul.f32 v57, v9  }
0x1f5: {  	v6 =	vadd.f32 v7, v52;
	v11 =	vmax.f32 v11, v10;
	v57 =	vld [tilespmem:s28+$0x33F0];
	v2 =	vadd.f32 v3, v2  }
0x1f6: {  	v3 =	vmul.f32 $2.000000030e-01, v1;
	v9 =	vld [tilespmem:s18+$0x4EB0];
	v4 =	vadd.f32 v5, v4;
	v5 =	vmul.f32 v11, v35  }
0x1f7: {  	v11 =	vmul.f32 $2.000000030e-01, v8;
	v35 =	vadd.f32 v60, v54;
	v60 =	vld [tilespmem:s3+$0x33C0]  }
0x1f8: {  	v46 =	vmul.f32 $2.000000030e-01, v6;
	v1 =	vmax.f32 v1, v3;
	v4 =	vadd.f32 v5, v4;
	v5 =	vld [tilespmem:s18+$0x4E70]  }
0x1f9: {  	v1 =	vmul.f32 v1, v39;
	v7 =	vmax.f32 v8, v11;
	v8 =	vld [tilespmem:s18+$0x4EC0];
	_ =	sdelay $0x1  }
0x1fa: {  	v6 =	vmax.f32 v6, v46;
	v9 =	vadd.f32 v9, v55;
	v11 =	vadd.f32 v1, v4;
	v1 =	vld [tilespmem:$0x1FFD0]  }
0x1fb: {  	(xrf2) =	vadd.scan.msk.f32 $0xffff, v2;
	v2 =	vmul.f32 v6, v56;
	v46 =	vpop (erf);
	v3 =	vmul.f32 $2.000000030e-01, v35  }
0x1fc: {  	v6 =	vmul.f32 v46, v32;
	v4 =	vadd.f32 v5, v57;
	v5 =	vmul.f32 $2.000000030e-01, v9  }
0x1fd: {  	v10 =	vmul.f32 v46, v30;
	v8 =	vadd.f32 v8, v60  }
0x1fe: {  	v32 =	vld [tilespmem:s3+$0x33D0];
	v3 =	vmax.f32 v35, v3;
	v35 =	vmul.f32 v46, v61;
	[tilespmem:s5+$0x3380] =	vst v6;
	v6 =	vmax.f32 v9, v5  }
0x1ff: {  	v30 =	vld [tilespmem:s18+$0x4EE0];
	v6 =	vmul.f32 v6, v1;
	v1 =	vmul.f32 $2.000000030e-01, v8  }
0x200: {  	v2 =	vadd.f32 $0.0e+00, v2;
	v7 =	vmul.f32 v7, v58;
	v61 =	vld [tilespmem:s18+$0x4ED0];
	[tilespmem:s5+$0x33A0] =	vst v35;
	v35 =	vmul.f32 v46, v25;
	v25 =	vpop (erf)  }
0x201: {  	v63 =	vmul.f32 v46, v63;
	v1 =	vmax.f32 v8, v1;
	v8 =	vmul.f32 v25, v28;
	v28 =	vld [tilespmem:$0x1FFE0]  }
0x202: {  	v2 =	vadd.f32 v7, v2;
	v7 =	vmul.f32 v46, v33;
	v33 =	vld [tilespmem:s3+$0x33E0];
	v3 =	vmul.f32 v3, v62  }
0x203: {  	v59 =	vmul.f32 v46, v59;
	[tilespmem:s5+$0x3390] =	vst v63;
	v63 =	vmul.f32 v46, v27;
	v27 =	vld [tilespmem:s18+$0x4EF0]  }
0x204: {  	s29 =	sor.u32 $0x7, s15;
	v2 =	vadd.f32 v3, v2;
	v3 =	vld [tilespmem:s18+$0x4F00]  }
0x205: {  	s25 =	sshll.u32 s29, $0x7;
	[tilespmem:s5+$0x33D0] =	vst v59;
	v59 =	vmul.f32 v25, v29;
	v29 =	vld [tilespmem:s18+$0x4F10];
	v9 =	vmul.f32 $2.000000030e-01, v4  }
0x206: {  	s25 =	sand.u32 $0x3FFFFF80, s25;
	v5 =	vld [tilespmem:s3+$0x33F0];
	v2 =	vadd.f32 v6, v2;
	v1 =	vmul.f32 v1, v28  }
0x207: {  	[tilespmem:s5+$0x33B0] =	vst v7;
	v61 =	vadd.f32 v61, v32;
	v7, _, _ =	vpop (xrf2);
	v9 =	vmax.f32 v4, v9;
	v4 =	vld [tilespmem:s25+$0x3380]  }
0x208: {  	[tilespmem:s5+$0x33C0] =	vst v10;
	v10 =	vmul.f32 $1.442695020e+00, v7;
	v2 =	vadd.f32 v1, v2;
	v1 =	vld [tilespmem:$0x1FFF0]  }
0x209: {  	v30 =	vadd.f32 v30, v33;
	v7 =	vld [tilespmem:s25+$0x3390];
	v6 =	vmul.f32 v25, v26;
	v26 =	vmul.f32 $2.000000030e-01, v61  }
0x20a: {  	[tilespmem:s5+$0x33F0] =	vst v35;
	v35 =	vld [tilespmem:s18+$0x4F20];
	v9 =	vmul.f32 v9, v37;
	v10 =	vbroadcast v10, $0xF  }
0x20b: {  	[tilespmem:s5+$0x33E0] =	vst v63;
	v63 =	vmul.f32 $2.000000030e-01, v30;
	v26 =	vmax.f32 v61, v26;
	v27 =	vadd.f32 v27, v5;
	v28 =	vld [tilespmem:s25+$0x33A0]  }
0x20c: {  	[tilespmem:s18+$0x3390] =	vst v14;
	v14 =	vld [tilespmem:s18+$0x4F30];
	v11 =	vadd.f32 v9, v11;
	(erf) = vpow2.f32 v10;
	v3 =	vadd.f32 v3, v4  }
0x20d: {  	[tilespmem:s18+$0x3380] =	vst v12;
	v10 =	vmax.f32 v30, v63;
	v12 =	vmul.f32 $2.000000030e-01, v27;
	v26 =	vmul.f32 v26, v1;
	v1 =	vld [tilespmem:s25+$0x33B0]  }
0x20e: {  	v30 =	vmul.f32 v25, v21;
	v29 =	vadd.f32 v29, v7;
	v63 =	vmul.f32 $2.000000030e-01, v3  }
0x20f: {  	[tilespmem:s18+$0x33B0] =	vst v34;
	v9 =	vld [tilespmem:s25+$0x33C0];
	v10 =	vmul.f32 v10, v39;
	v12 =	vmax.f32 v27, v12;
	v2 =	vadd.f32 v26, v2  }
0x210: {  	[tilespmem:s18+$0x33C0] =	vst v31;
	v21 =	vld [tilespmem:s25+$0x33D0];
	v34 =	vmul.f32 $2.000000030e-01, v29;
	v3 =	vmax.f32 v3, v63;
	v31 =	vadd.f32 v35, v28  }
0x211: {  	(xrf2) =	vadd.scan.msk.f32 $0xffff, v11;
	v11 =	vld [tilespmem:s18+$0x4F60];
	v63 =	vmul.f32 v12, v37;
	v3 =	vmul.f32 v3, v56;
	v2 =	vadd.f32 v10, v2  }
0x212: {  	[tilespmem:s18+$0x33D0] =	vst v19;
	v27 =	vld [tilespmem:s18+$0x4F40];
	v19 =	vmul.f32 $2.000000030e-01, v31;
	v35 =	vadd.f32 v14, v1  }
0x213: {  	[tilespmem:s18+$0x33E0] =	vst v20;
	v12 =	vld [tilespmem:s18+$0x4F50];
	v3 =	vadd.f32 $0.0e+00, v3;
	v26 =	vmax.f32 v29, v34;
	v2 =	vadd.f32 v63, v2  }
0x214: {  	[tilespmem:s18+$0x33F0] =	vst v22;
	v22 =	vmax.f32 v31, v19;
	v19 =	vld [tilespmem:$0x1FE80];
	v20 =	vmul.f32 v26, v58;
	v63 =	vmul.f32 $2.000000030e-01, v35  }
0x215: {  	(xrf2) =	vadd.scan.msk.f32 $0xffff, v2;
	v2 =	vld [tilespmem:$0x1FEA0]  }
0x216: {  	v3 =	vadd.f32 v20, v3;
	v20 =	vmul.f32 v22, v62;
	v22 =	vmax.f32 v35, v63;
	v35 =	vld [tilespmem:$0x1FFD0]  }
0x217: {  	v29 =	vld [tilespmem:s25+$0x33E0]  }
0x218: {  	v27 =	vadd.f32 v27, v9;
	v31 =	vld [tilespmem:$0x1FFE0]  }
0x219: {  	[tilespmem:s9+$0x3380] =	vst v6;
	v6 =	vmul.f32 v25, v19  }
0x21a: {  	v12 =	vadd.f32 v12, v21;
	v34 =	vld [tilespmem:$0x1FFF0];
	v63 =	vmul.f32 $2.000000030e-01, v27;
	v2 =	vmul.f32 v25, v2  }
0x21b: {  	[tilespmem:s9+$0x3390] =	vst v8;
	v3 =	vadd.f32 v20, v3;
	v19 =	vmul.f32 v25, v38;
	v8 =	vmul.f32 v22, v35  }
0x21c: {  	v20 =	vmul.f32 $2.000000030e-01, v12;
	v11 =	vadd.f32 v11, v29;
	v26 =	vmax.f32 v27, v63;
	[tilespmem:s9+$0x33F0] =	vst v2;
	v2 =	vld [tilespmem:$0x1FEC0]  }
0x21d: {  	v38 =	vmul.f32 v26, v31;
	v3 =	vadd.f32 v8, v3  }
0x21e: {  	[tilespmem:s9+$0x33D0] =	vst v19;
	v19 =	vmul.f32 $2.000000030e-01, v11;
	v63 =	vmax.f32 v12, v20  }
0x21f: {  	v20 =	vmul.f32 v63, v34;
	v3 =	vadd.f32 v38, v3  }
0x220: {  	v12 =	vpop (erf);
	v27 =	vmax.f32 v11, v19;
	v22 =	vld [tilespmem:$0x1FE90]  }
0x221: {  	[tilespmem:s18+$0x33A0] =	vst v15;
	v15 =	vld [tilespmem:s18+$0x4F70];
	v10 =	vmul.f32 v27, v39;
	v2 =	vmul.f32 v12, v2;
	v3 =	vadd.f32 v20, v3  }
0x222: {  	v14 =	vld [tilespmem:s25+$0x33F0]  }
0x223: {  	[tilespmem:s8+$0x3390] =	vst v2;
	v2 =	vadd.f32 v10, v3;
	v3 =	vld [tilespmem:$0x1FEE0];
	_ =	sdelay $0x1  }
0x224: {  	[tilespmem:s9+$0x33C0] =	vst v6;
	v6 =	vmul.f32 v25, v22;
	v22 =	vld [tilespmem:$0x1FEB0];
	_ =	sdelay $0x1  }
0x225: {  	v15 =	vadd.f32 v15, v14  }
0x226: {  	v3 =	vmul.f32 v12, v3  }
0x227: {  	v38 =	vmul.f32 $2.000000030e-01, v15;
	[tilespmem:s9+$0x33E0] =	vst v6  }
0x228: {  	v6 =	vmul.f32 v12, v22;
	[tilespmem:s8+$0x33B0] =	vst v3;
	v3 =	vld [tilespmem:$0x1FF00]  }
0x229: {  	v19 =	vmax.f32 v15, v38;
	v20 =	vld [tilespmem:$0x1FED0]  }
0x22a: {  	v63, _, _ =	vpop (xrf2);
	[tilespmem:s8+$0x3380] =	vst v6;
	v6 =	vmul.f32 v19, v37  }
0x22b: {  	v8 =	vmul.f32 $1.442695020e+00, v63;
	v22 =	vld [tilespmem:$0x1FEF0]  }
0x22c: {  	[tilespmem:s9+$0x33A0] =	vst v59;
	v26 =	vmul.f32 v12, v23;
	v2 =	vadd.f32 v6, v2  }
0x22d: {  	[tilespmem:s9+$0x33B0] =	vst v30;
	v8 =	vbroadcast v8, $0xF;
	v3 =	vmul.f32 v12, v3  }
0x22e: {  	[tilespmem:s8+$0x33E0] =	vst v26;
	v11 =	vmul.f32 v12, v20  }
0x22f: {  	(erf) = vpow2.f32 v8;
	(xrf2) =	vadd.scan.msk.f32 $0xffff, v2;
	[tilespmem:s8+$0x33D0] =	vst v3;
	v3 =	vmul.f32 v12, v24  }
0x230: {  	[tilespmem:s8+$0x33A0] =	vst v11;
	v10 =	vmul.f32 v12, v22;
	v2 =	vpop (erf)  }
0x231: {  	v27 =	vmul.f32 v2, v36;
	v36, _, _ =	vpop (xrf2);
	[tilespmem:s8+$0x33F0] =	vst v3;
	v3 =	vmul.f32 v2, v18  }
0x232: {  	[tilespmem:s8+$0x33C0] =	vst v10;
	v8 =	vmul.f32 $1.442695020e+00, v36  }
0x233: {  	[tilespmem:s21+$0x3390] =	vst v3;
	v3 =	vmul.f32 v2, v16  }
0x234: {  	v38 =	vmul.f32 v2, v17;
	[tilespmem:s21+$0x3380] =	vst v27;
	v8 =	vbroadcast v8, $0xF  }
0x235: {  	[tilespmem:s21+$0x33B0] =	vst v3;
	v3 =	vmul.f32 v2, v41  }
0x236: {  	v40 =	vmul.f32 v2, v40;
	[tilespmem:s21+$0x33A0] =	vst v38  }
0x237: {  	(erf) = vpow2.f32 v8;
	[tilespmem:s21+$0x33D0] =	vst v3;
	v3 =	vmul.f32 v2, v43  }
0x238: {  	v42 =	vmul.f32 v2, v42;
	[tilespmem:s21+$0x33C0] =	vst v40;
	v8 =	vpop (erf)  }
0x239: {  	[tilespmem:s21+$0x33F0] =	vst v3;
	v3 =	vmul.f32 v8, v45;
	v45, _, _ =	vpop (xrf2)  }
0x23a: {  	[tilespmem:s21+$0x33E0] =	vst v42;
	v44 =	vmul.f32 v8, v44;
	v10 =	vmul.f32 $1.442695020e+00, v45  }
0x23b: {  	[tilespmem:s28+$0x3390] =	vst v3;
	v3 =	vmul.f32 v8, v48  }
0x23c: {  	v47 =	vmul.f32 v8, v47;
	[tilespmem:s28+$0x3380] =	vst v44;
	v10 =	vbroadcast v10, $0xF  }
0x23d: {  	[tilespmem:s28+$0x33B0] =	vst v3;
	v3 =	vmul.f32 v8, v50  }
0x23e: {  	v49 =	vmul.f32 v8, v49;
	[tilespmem:s28+$0x33A0] =	vst v47;
	(erf) = vpow2.f32 v10  }
0x23f: {  	[tilespmem:s28+$0x33D0] =	vst v3;
	v3 =	vmul.f32 v8, v57  }
0x240: {  	v51 =	vmul.f32 v8, v51;
	[tilespmem:s28+$0x33C0] =	vst v49;
	v10 =	vpop (erf)  }
0x241: {  	[tilespmem:s28+$0x33F0] =	vst v3;
	v3 =	vmul.f32 v10, v53  }
0x242: {  	[tilespmem:s28+$0x33E0] =	vst v51;
	v52 =	vmul.f32 v10, v52  }
0x243: {  	[tilespmem:s3+$0x3390] =	vst v3;
	v3 =	vmul.f32 v10, v55  }
0x244: {  	v57 =	vmul.f32 v10, v54;
	[tilespmem:s3+$0x3380] =	vst v52  }
0x245: {  	[tilespmem:s3+$0x33B0] =	vst v3;
	v3 =	vmul.f32 v10, v32  }
0x246: {  	v60 =	vmul.f32 v10, v60;
	[tilespmem:s3+$0x33A0] =	vst v57  }
0x247: {  	v63 =	vmov s15;
	[tilespmem:s3+$0x33D0] =	vst v3;
	v3 =	vmul.f32 v10, v5;
	v26 =	vpop (erf)  }
0x248: {  	v27 =	vmov s17;
	[tilespmem:s3+$0x33C0] =	vst v60;
	v4 =	vmul.f32 v26, v4  }
0x249: {  	v24 =	vmov s16;
	v36 =	vmul.f32 v26, v28;
	[tilespmem:s3+$0x33F0] =	vst v3  }
0x24a: {  	v32 =	vmov s14;
	v1 =	vmul.f32 v26, v1;
	[tilespmem:s25+$0x3380] =	vst v4  }
0x24b: {  	v38 =	vmov s24;
	v42 =	vmul.f32 v26, v9;
	[tilespmem:s25+$0x33A0] =	vst v36  }
0x24c: {  	v40 =	vld.idx.msk [tilespmem:v63+s26+$0x0], $0xffff;
	v23 =	vmul.f32 v10, v33;
	v33 =	vmov s10;
	v3 =	vmul.f32 v26, v7;
	[tilespmem:s25+$0x33B0] =	vst v1  }
0x24d: {  	v44 =	vmov s29;
	v43 =	vld.idx.msk [tilespmem:v27+s26+$0x0], $0xffff;
	v47 =	vmul.f32 v26, v29;
	[tilespmem:s25+$0x33C0] =	vst v42  }
0x24e: {  	v41 =	vmov s1;
	v14 =	vmul.f32 v26, v14;
	[tilespmem:s25+$0x3390] =	vst v3;
	v3 =	vld.idx.msk [tilespmem:v24+s26+$0x0], $0xffff  }
0x24f: {  	v1 =	vmul.f32 v26, v21;
	v45 =	vld.idx.msk [tilespmem:v32+s26+$0x0], $0xffff;
	[tilespmem:s25+$0x33E0] =	vst v47  }
0x250: {  	v48 =	vld.idx.msk [tilespmem:v38+s26+$0x0], $0xffff;
	[tilespmem:s25+$0x33F0] =	vst v14  }
0x251: {  	v11 =	vshll.u32 v63, $0x7;
	v18 =	vand.u32 $0x7F, v40;
	[tilespmem:s25+$0x33D0] =	vst v1;
	v1 =	vld.idx.msk [tilespmem:v33+s26+$0x0], $0xffff  }
0x252: {  	v11 =	vor.u32 v11, v18;
	v50 =	vshll.u32 v27, $0x7;
	[tilespmem:s3+$0x33E0] =	vst v23;
	v9 =	vand.u32 $0x7F, v43;
	v51 =	vld.idx.msk [tilespmem:v44+s26+$0x0], $0xffff  }
0x253: {  	v15 =	vshll.u32 v24, $0x7;
	v9 =	vor.u32 v50, v9;
	v49 =	vld.idx.msk [tilespmem:v41+s26+$0x0], $0xffff;
	v3 =	vand.u32 $0x7F, v3  }
0x254: {  	v6 =	vshll.u32 v32, $0x7;
	v4 =	vand.u32 $0x7F, v45;
	v3 =	vor.u32 v15, v3  }
0x255: {  	v54 =	vshll.u32 v38, $0x7;
	v53 =	vand.u32 $0x7F, v48;
	v4 =	vor.u32 v6, v4  }
0x256: {  	v52 =	vshll.u32 v33, $0x7;
	v6 =	vor.u32 v54, v53;
	v1 =	vand.u32 $0x7F, v1  }
0x257: {  	v63 =	vshll.u32 v44, $0x7;
	[tilespmem:v11+s31+$0x0] =	vst.idx.msk $0xffff, v13;
	v1 =	vor.u32 v52, v1;
	v60 =	vand.u32 $0x7F, v51  }
0x258: {  	v57 =	vshll.u32 v41, $0x7;
	[tilespmem:v9+s31+$0x0] =	vst.idx.msk $0xffff, v25;
	v55 =	vand.u32 $0x7F, v49;
	v7 =	vor.u32 v63, v60  }
0x259: {  	p0 =	slt.u32 s15, $0x28;
	[tilespmem:v3+s31+$0x0] =	vst.idx.msk $0xffff, v46;
	v3 =	vor.u32 v57, v55  }
.Ltmp3:
0x25a: {  	[tilespmem:v4+s31+$0x0] =	vst.idx.msk $0xffff, v12;
	(pc) =	sbr.rel @p0 .LBB2_10-.Ltmp3, $4  }
0x25b: {  	[tilespmem:v6+s31+$0x0] =	vst.idx.msk $0xffff, v8  }
0x25c: {  	[tilespmem:v1+s31+$0x0] =	vst.idx.msk $0xffff, v2  }
0x25d: {  	s29 =	sadd.s32 $0x8, s15;
	[tilespmem:v7+s31+$0x0] =	vst.idx.msk $0xffff, v26  }
0x25e: {  	v59 =	vmov v39;
	v61 =	vmov v37;
	s15 =	smov.u32 s29;
	[tilespmem:v3+s31+$0x0] =	vst.idx.msk $0xffff, v10  }
0x25f: {  	s9 =	simm.s32 $0x3380  }
0x260: {  	[spmem:s2] =	stream.indirect.scatter.add.f32 [tilespmem:s9], [sflag:$0x3], $0x80, s26, s0, $0xb8;
	[tilespmem:$0x1BC00] =	vst v63  }
0x261: {  	_ =	swait.ge [sflag:s20], $0x1800  }
0x262: {  	s1 =	simm.s32 $0x0;
	s10 =	simm.s32 $0x3;
	[sflag:s20] =	ssyncset.done $0x0  }
0x263: {  	s3 =	simm.s32 $0x200;
	s14 =	simm.s32 $0x2;
	v1 =	vmov s1;
	[sflag:s20] =	ssyncadd.s32 $0xFFFFE800  }
0x264: {  	v2 =	vmov s10;
	[spmem:s2] =	stream.indirect.scatter.add.f32 [tilespmem:s31], [sflag:$0x3], $0x80, s3, s0, $0xb8;
	[tilespmem:$0x1BC00] =	vst v63  }
0x265: {  	s15 =	simm.s32 $0x1;
	v3 =	vmov s14;
	_ =	swait.ge [sflag:s20], $0x1800  }
0x266: {  	v4 =	vmov s15;
	[sflag:s20] =	ssyncset.done $0x0  }
0x267: {  	s16 =	simm.s32 $0x4;
	[sflag:s20] =	ssyncadd.s32 $0xFFFFE800  }
0x268: {  	s17 =	simm.s32 $0x7;
	v15 =	vmov s16;
	v5 =	vld.idx.msk [tilespmem:v1+s26+$0x0], $0xffff  }
0x269: {  	v16 =	vmov s17;
	v6 =	vld.idx.msk [tilespmem:v2+s26+$0x0], $0xffff  }
0x26a: {  	s18 =	simm.s32 $0x6;
	v7 =	vld.idx.msk [tilespmem:v3+s26+$0x0], $0xffff  }
0x26b: {  	s21 =	simm.s32 $0x5;
	s24 =	simm.s32 $0x8;
	s25 =	simm.s32 $0xB;
	v11 =	vmov s18;
	v8 =	vld.idx.msk [tilespmem:v4+s26+$0x0], $0xffff  }
0x26c: {  	s28 =	simm.s32 $0xA;
	v13 =	vmov s21;
	v9 =	vmov s24;
	v12 =	vmov s25  }
0x26d: {  	v10 =	vmov s28;
	v1 =	vshll.u32 v1, $0x7;
	v19 =	vld.idx.msk [tilespmem:v15+s26+$0x0], $0xffff;
	v5 =	vand.u32 $0x7F, v5  }
0x26e: {  	v2 =	vshll.u32 v2, $0x7;
	v23 =	vld.idx.msk [tilespmem:v16+s26+$0x0], $0xffff;
	v6 =	vand.u32 $0x7F, v6;
	v21 =	vor.u32 v1, v5  }
0x26f: {  	v17 =	vor.u32 v2, v6;
	v1 =	vand.u32 $0x7F, v7;
	v2 =	vshll.u32 v3, $0x7  }
0x270: {  	s29 =	simm.s32 $0x9;
	v20 =	vld.idx.msk [tilespmem:v11+s26+$0x0], $0xffff;
	v4 =	vshll.u32 v4, $0x7;
	v3 =	vand.u32 $0x7F, v8;
	v24 =	vor.u32 v2, v1  }
0x271: {  	s1 =	simm.s32 $0xC;
	v14 =	vmov s29;
	v22 =	vld.idx.msk [tilespmem:v13+s26+$0x0], $0xffff;
	v18 =	vor.u32 v4, v3  }
.LBB2_12:
0x272: {  	v1 =	vshll.u32 v15, $0x7;
	v15 =	vmovc v9;
	v2 =	vmov v19;
	v19 =	vld.idx.msk [tilespmem:v9+s26+$0x0], $0xffff;
	v9 =	vmov s1;
	p0 =	slt.u32 s1, $0x2C  }
.Ltmp4:
0x273: {  	s3 =	sadd.s32 $0x3, s1;
	v3 =	vand.u32 $0x7F, v23;
	v4 =	vshll.u32 v16, $0x7;
	v16 =	vmovc v12;
	v2 =	vand.u32 $0x7F, v2;
	v23 =	vld.idx.msk [tilespmem:v12+s26+$0x0], $0xffff;
	[tilespmem:v21+s31+$0x0] =	vst.idx.msk $0xffff, v0;
	(pc) =	sbr.rel @p0 .LBB2_12-.Ltmp4, $4  }
0x274: {  	s5 =	sadd.s32 $0x2, s1;
	v12 =	vmov s3;
	v21 =	vor.u32 v1, v2;
	[tilespmem:v17+s31+$0x0] =	vst.idx.msk $0xffff, v0;
	v17 =	vor.u32 v4, v3  }
0x275: {  	v1 =	vand.u32 $0x7F, v20;
	v2 =	vshll.u32 v11, $0x7;
	v11 =	vmovc v10;
	v20 =	vld.idx.msk [tilespmem:v10+s26+$0x0], $0xffff;
	[tilespmem:v24+s31+$0x0] =	vst.idx.msk $0xffff, v0;
	v10 =	vmov s5  }
0x276: {  	s3 =	sadd.s32 $0x1, s1;
	s1 =	sadd.s32 $0x4, s1;
	v4 =	vshll.u32 v13, $0x7;
	v3 =	vand.u32 $0x7F, v22;
	v24 =	vor.u32 v2, v1;
	v22 =	vld.idx.msk [tilespmem:v14+s26+$0x0], $0xffff;
	[tilespmem:v18+s31+$0x0] =	vst.idx.msk $0xffff, v0  }
0x277: {  	v13 =	vmov v14;
	v18 =	vor.u32 v4, v3;
	v14 =	vmov s3  }
0x278: {  	_ =	sdelay $0x3  }
0x279: {  	v1 =	vld.idx.msk [tilespmem:v9+s26+$0x0], $0xffff  }
0x27a: {  	v2 =	vshll.u32 v15, $0x7;
	v3 =	vld.idx.msk [tilespmem:v12+s26+$0x0], $0xffff;
	v4 =	vand.u32 $0x7F, v19  }
0x27b: {  	v5 =	vand.u32 $0x7F, v23;
	v6 =	vshll.u32 v16, $0x7;
	v8 =	vld.idx.msk [tilespmem:v14+s26+$0x0], $0xffff;
	v2 =	vor.u32 v2, v4  }
0x27c: {  	v45 =	vld.idx.msk [tilespmem:v10+s26+$0x0], $0xffff;
	[tilespmem:v21+s31+$0x0] =	vst.idx.msk $0xffff, v0;
	v7 =	vshll.u32 v11, $0x7;
	s1 =	sadd.s32 $0x3, s13;
	v5 =	vor.u32 v6, v5;
	v46 =	vand.u32 $0x7F, v20  }
0x27d: {  	[tilespmem:v17+s31+$0x0] =	vst.idx.msk $0xffff, v0;
	v13 =	vshll.u32 v13, $0x7;
	s3 =	smulhi.u32 $0x939A85C5, s1;
	v47 =	vand.u32 $0x7F, v22;
	v6 =	vor.u32 v7, v46  }
0x27e: {  	[tilespmem:v24+s31+$0x0] =	vst.idx.msk $0xffff, v0;
	v49 =	vshll.u32 v9, $0x7;
	v48 =	vor.u32 v13, v47;
	v1 =	vand.u32 $0x7F, v1  }
0x27f: {  	[tilespmem:v18+s31+$0x0] =	vst.idx.msk $0xffff, v0;
	v50 =	vshll.u32 v12, $0x7;
	s3 =	sshrl.u32 s3, $0x7;
	v3 =	vand.u32 $0x7F, v3;
	v1 =	vor.u32 v49, v1  }
0x280: {  	v53 =	vshll.u32 v14, $0x7;
	s3 =	smul.u32 $0xDE, s3;
	v52 =	vand.u32 $0x7F, v8;
	[tilespmem:v2+s31+$0x0] =	vst.idx.msk $0xffff, v0;
	v2 =	vor.u32 v50, v3  }
0x281: {  	v51 =	vshll.u32 v10, $0x7;
	v3 =	vand.u32 $0x7F, v45;
	[tilespmem:v5+s31+$0x0] =	vst.idx.msk $0xffff, v0;
	v54 =	vor.u32 v53, v52  }
0x282: {  	s1 =	ssub.s32 s1, s3;
	v3 =	vor.u32 v51, v3;
	[tilespmem:v6+s31+$0x0] =	vst.idx.msk $0xffff, v0  }
0x283: {  	s1 =	smul.u32 $0x30, s1;
	[tilespmem:v48+s31+$0x0] =	vst.idx.msk $0xffff, v0  }
0x284: {  	[tilespmem:v1+s31+$0x0] =	vst.idx.msk $0xffff, v0  }
0x285: {  	s1 =	sadd.s32 s11, s1;
	[tilespmem:v2+s31+$0x0] =	vst.idx.msk $0xffff, v0  }
0x286: {  	s1 =	sshrl.u32 s1, $0x3;
	[tilespmem:v54+s31+$0x0] =	vst.idx.msk $0xffff, v0  }
0x287: {  	s5 =	simm.s32 $0x0;
	s24 =	sadd.s32 s6, s1;
	[tilespmem:v3+s31+$0x0] =	vst.idx.msk $0xffff, v0  }
0x288: {  	[tilespmem:s5], [sflag:$0x3] =	stream.linear.gather [hbm4b:s24+s5], $0x30, $0x38;
	[tilespmem:$0x1BC00] =	vst v63  }
0x289: {  	_ =	swait.ge [sflag:s20], $0x30  }
0x28a: {  	[sflag:s20] =	ssyncset.done $0x0  }
0x28b: {  	s1 =	sadd.s32 s23, s1;
	[sflag:s20] =	ssyncadd.s32 $0xFFFFFFD0  }
0x28c: {  	[tilespmem:s26], [sflag:$0x3] =	stream.linear.gather [hbm4b:s1+s5], $0x30, $0x38;
	[tilespmem:$0x1BC00] =	vst v63  }
0x28d: {  	_ =	swait.ge [sflag:s20], $0x30  }
0x28e: {  	[sflag:s20] =	ssyncset.done $0x0;
	v57 =	vld [tilespmem:$0x1FFB0]  }
0x28f: {  	v60 =	vld [tilespmem:$0x1FFC0];
	[sflag:s20] =	ssyncadd.s32 $0xFFFFFFD0  }
0x290: {  	v1 =	vld [tilespmem:$0x0]  }
0x291: {  	v2 =	vld [tilespmem:$0x100];
	_ =	sdelay $0x1  }
0x292: {  	v3 =	vld [tilespmem:$0x10]  }
0x293: {  	v55 =	vld [tilespmem:$0x110]  }
0x294: {  	v1 =	vadd.s32 v57, v1  }
0x295: {  	v63 =	vld [tilespmem:$0x20];
	[tilespmem:$0x300] =	vst v1;
	v1 =	vadd.s32 v60, v2;
	v2 =	vshrl.u32 v2, $0x7  }
0x296: {  	[tilespmem:$0x330] =	vst v1;
	v1 =	vadd.s32 $0x2780, v2;
	v2 =	vld [tilespmem:$0x120]  }
0x297: {  	[tilespmem:$0x200] =	vst v1;
	v1 =	vadd.s32 v57, v3  }
0x298: {  	s12 =	sadd.s32 $0x1, s12;
	v3 =	vshrl.u32 v55, $0x7;
	[tilespmem:$0x310] =	vst v1;
	v1 =	vadd.s32 v60, v55  }
0x299: {  	p0 =	sne.s32 s12, $0x6F;
	[tilespmem:$0x340] =	vst v1;
	v1 =	vadd.s32 $0x2780, v3  }
.Ltmp5:
0x29a: {  	[tilespmem:$0x210] =	vst v1;
	v1 =	vadd.s32 v57, v63;
	(pc) =	sbr.rel @p0 .LBB2_5-.Ltmp5, $4  }
0x29b: {  	[tilespmem:$0x320] =	vst v1;
	v1 =	vadd.s32 v60, v2;
	v2 =	vshrl.u32 v2, $0x7  }
0x29c: {  	[tilespmem:$0x350] =	vst v1;
	v1 =	vadd.s32 $0x2780, v2  }
0x29d: {  	s29 =	smov.u32 s23;
	s25 =	simm.s32 $0x60;
	s28 =	simm.s32 $0x300;
	[tilespmem:$0x220] =	vst v1  }
0x29e: {  	v63 =	vmov v56;
	[tilespmem:s9], [sflag:$0x2] =	stream.indirect.gather [hbm4b:s4+s25], $0x80, s28, s25, $0xb8;
	[tilespmem:$0x1BC00] =	vst v63  }
0x29f: {  	_ =	swait.ge [sflag:s30], $0x3000  }
0x2a0: {  	[sflag:s30] =	ssyncset.done $0x0  }
0x2a1: {  	[sflag:s30] =	ssyncadd.s32 $0xFFFFD000  }
0x2a2: {  	_ =	swait.ge [sflag:s19], $0x3000  }
0x2a3: {  	[sflag:s19] =	ssyncset.done $0x0  }
0x2a4: {  	s1 =	rddreg [dreg:$0x8];
	[sflag:s19] =	ssyncadd.s32 $0xFFFFD000  }
0x2a5: {  	s3 =	rddreg [dreg:$0x13];
	[bflag:$0x0] =	sbarrier.arrive $0xFFFF  }
0x2a6: {  	s1 =	sadd.s32 s1, s3;
	s24 =	rddreg [dreg:$0x6]  }
0x2a7: {  	s1 =	sshll.u32 s1, $0x4;
	s8 =	rddreg [dreg:$0xa]  }
0x2a8: {  	s25 =	rddreg [dreg:$0x12];
	s1 =	sadd.s32 s24, s1  }
0x2a9: {  	[hbm:s1], [sflag:s8] =	dma.local [spmem:s25], $0x2800  }
0x2aa: {  	_ =	swait.ge [sflag:s20], $0x2800  }
0x2ab: {  	s28 =	rddreg [dreg:$0x11]  }
0x2ac: {  	s3 =	sadd.s32 $0x1, s28  }
0x2ad: {  	p0 =	sne.s32 s3, $0x4  }
.Ltmp6:
0x2ae: {  	_ = 	snop;
	(pc) =	sbr.rel @p0 .LBB2_4-.Ltmp6, $3  }
0x2af: {  	[sflag:s20] =	ssyncset.done $0x0  }
0x2b0: {  	[sflag:s20] =	ssyncadd.s32 $0xFFFFD800  }
0x2b1: {  	[bflag:$0x0] =	sbarrier.arrive $0xFFFF;
	_ =	sdelay $0x1  }
0x2b2: {  	s3 =	rddreg [dreg:$0x10]  }
0x2b3: {  	s1 =	rddreg [dreg:$0xf];
	s3 =	sadd.s32 $0x1, s3  }
0x2b4: {  	p0 =	sne.s32 s3, s1  }
.Ltmp7:
0x2b5: {  	_ = 	snop;
	(pc) =	sbr.rel @p0 .LBB2_1-.Ltmp7, $1  }
0x2b6: {  	_ =	sdelay $0x3  }
0x2b7: {  	_ =	sfence.sel $0x180000  }
0x2b8: {  	[bflag:$0x0] =	sbarrier.arrive $0xFFFF  }
0x2b9: {  	_ =	strace $0x90000047  }
0x2ba: {  	s0 =	stileid.u32;
	[bflag:$0x2] =	sbarrier.arrive $0xFFFF  }
0x2bb: {  	p0 =	sne.s32 s0, $0x0;
	s0 =	rddreg [dreg:$0x3]  }
0x2bc: {  	s0 =	sadd.s32 @!p0 $0x100000, s0  }
0x2bd: {  	[sflag:s0] =	ssyncadd.tile.s32 @!p0 $0x1;
	_ =	shalt  }
.Lfunc_end2:
_tile_overlayer_lowered:
.L_overlay_start_2:
0x2be: {  	(tag) =	ssettag $0x2  }
0x2bf: {  	s0 =	rddreg [dreg:$0x0];
	s2 =	stileid.u32  }
0x2c0: {  	s1 =	rddreg [dreg:$0x1];
	p0 =	sne.s32 s2, $0x0  }
0x2c1: {  	s3 =	rddreg [dreg:$0x2];
	[bflag:$0x3] =	sbarrier.arrive $0xFFFF;
	s2 =	simm.s32 @!p0 $0x1C03  }
0x2c2: {  	[timem:s3], [sflag:s2] =	dma.local @!p0 [hbm:s0], s1  }
0x2c3: {  	s0 =	simm.s32 @!p0 $0x3  }
0x2c4: {  	_ =	swait.ge @!p0 [sflag:s0], s1  }
0x2c5: {  	s1 =	ssub.s32 @!p0 $0x0, s1;
	[sflag:s0] =	ssyncset.done @!p0 $0x0  }
0x2c6: {  	[sflag:s0] =	ssyncadd.s32 @!p0 s1  }
0x2c7: {  	[bflag:$0x3] =	sbarrier.arrive $0xFFFF  }
0x2c8: {  	_ =	shalt  }

</sc_bundles>
